<compile_context>
chip_gen: v7x
topology: tpu7x:2x2x1
jax: 0.10.2.dev20260603
libtpu: 0.0.44.dev20260713+nightly
codegen_flags: <defaults>
</compile_context>

<pallas_src>
import functools

import jax
import jax.numpy as jnp
from jax import lax
from jax.experimental import pallas as pl
from jax.experimental.pallas import tpu as pltpu
from jax.experimental.pallas import tpu_sc as plsc

_N = 10000
_NPAD = 10240
_E = 320000
_DIN = 128
_H = 32
_C = 64

_NW = 32
_CH = 128
_NCH = 79
_RPT = _NPAD // 16
_FPT = _H * _NPAD // 16
_ACC0 = _H * _NPAD



@functools.cache
def _get_deg_kernel():
    mesh = plsc.VectorSubcoreMesh(core_axis_name="c", subcore_axis_name="s")
    return functools.partial(
        pl.kernel,
        out_type=jax.ShapeDtypeStruct((2, _NPAD), jnp.float32),
        mesh=mesh,
        scratch_types=[
            pltpu.VMEM((_NCH, _CH), jnp.int32),
            pltpu.VMEM((_CH,), jnp.float32),
            pltpu.VMEM_SHARED((_NPAD,), jnp.float32),
        ],
    )(_deg_body)


def _deg_body(dst_hbm, zero1_hbm, deg_out, dstv, onesv, dacc):
    cid = lax.axis_index("c")
    sid = lax.axis_index("s")
    wid = sid * 2 + cid
    pltpu.sync_copy(dst_hbm.at[wid], dstv)
    for i in range(_CH // 16):
        onesv[pl.ds(i * 16, 16)] = jnp.ones((16,), jnp.float32)
    r0 = sid * _RPT
    pltpu.sync_copy(zero1_hbm, dacc.at[pl.ds(r0, _RPT)])
    plsc.subcore_barrier()

    def body(j, carry):
        pltpu.sync_copy(onesv, dacc.at[dstv.at[j]], add=True)
        return carry

    lax.fori_loop(0, _NCH, body, 0)
    plsc.subcore_barrier()
    pltpu.sync_copy(dacc.at[pl.ds(r0, _RPT)],
                    deg_out.at[cid, pl.ds(r0, _RPT)])


@functools.cache
def _get_spmm_kernel():
    mesh = plsc.VectorSubcoreMesh(core_axis_name="c", subcore_axis_name="s")
    return functools.partial(
        pl.kernel,
        out_type=jax.ShapeDtypeStruct((2, _H * _NPAD), jnp.float32),
        mesh=mesh,
        scratch_types=[
            pltpu.VMEM((_NCH, _CH), jnp.int32),
            pltpu.VMEM((_NCH, _CH), jnp.int32),
            pltpu.VMEM((2, _H, _CH), jnp.float32),
            pltpu.VMEM_SHARED((2 * _H * _NPAD,), jnp.float32),
            pltpu.SemaphoreType.DMA,
            pltpu.SemaphoreType.DMA,
        ],
    )(_spmm_body)


def _spmm_body(src_hbm, dst_hbm, hsf_hbm, zeroF_hbm, drain_hbm, out_hbm,
               srcv, dstv, buf, spm, gsem, ssem):
    cid = lax.axis_index("c")
    sid = lax.axis_index("s")
    wid = sid * 2 + cid
    pltpu.sync_copy(src_hbm.at[wid], srcv)
    pltpu.sync_copy(dst_hbm.at[wid], dstv)
    f0 = sid * _FPT
    pltpu.sync_copy(hsf_hbm.at[pl.ds(f0, _FPT)], spm.at[pl.ds(f0, _FPT)])
    pltpu.sync_copy(zeroF_hbm, spm.at[pl.ds(_ACC0 + f0, _FPT)])
    plsc.subcore_barrier()

    def chunk(j, carry):
        sj = srcv.at[j]
        dj = dstv.at[j]
        bp = buf.at[lax.rem(j, 2)]

        def fire_g(i, c):
            for u in range(4):
                k = i * 4 + u
                pltpu.async_copy(
                    spm.at[pl.ds(k * _NPAD, _NPAD)].at[sj], bp.at[k], gsem)
            return c

        lax.fori_loop(0, _H // 4, fire_g, 0)
        pltpu.make_async_copy(drain_hbm, bp, gsem).wait()

        @pl.when(j > 0)
        def _():
            pltpu.make_async_copy(drain_hbm, bp, ssem).wait()

        def fire_s(i, c):
            for u in range(4):
                k = i * 4 + u
                pltpu.async_copy(
                    bp.at[k],
                    spm.at[pl.ds(_ACC0 + k * _NPAD, _NPAD)].at[dj],
                    ssem, add=True)
            return c

        lax.fori_loop(0, _H // 4, fire_s, 0)
        return carry

    lax.fori_loop(0, _NCH, chunk, 0)
    pltpu.make_async_copy(drain_hbm, buf.at[0], ssem).wait()
    plsc.subcore_barrier()
    pltpu.sync_copy(spm.at[pl.ds(_ACC0 + f0, _FPT)],
                    out_hbm.at[cid, pl.ds(f0, _FPT)])



_R = 512
_GRID = _NPAD // _R


def _row(bw):
    return pl.BlockSpec((_R, bw), lambda i: (i, 0))


def _col(bh):
    return pl.BlockSpec((bh, _R), lambda i: (0, i))


def _full(shape):
    return pl.BlockSpec(shape, lambda i: (0,) * len(shape))


def _dinv_of(dg_ref):
    deg = dg_ref[:, 0:1] + dg_ref[:, 1:2] + 1.0
    return lax.rsqrt(deg)


def _dot(a, b):
    return jnp.dot(a, b, preferred_element_type=jnp.float32,
                   precision=lax.Precision.HIGHEST)


def _tca_body(x_ref, w1_ref, lw_ref, lb_ref, dg_ref, hsT_ref, lin_ref):
    dinv = _dinv_of(dg_ref)
    xb = x_ref[...]
    hsT_ref[...] = jnp.transpose(_dot(xb, w1_ref[...]) * dinv)
    lin_ref[...] = _dot(xb, lw_ref[...]) + lb_ref[...]


def _tcb_body(s1a_ref, s1b_ref, hs1T_ref, lin1_ref, dg_ref, b1_ref,
              w2_ref, lw2_ref, lb2_ref, out1_ref, hs2T_ref, lin2_ref):
    dinv = _dinv_of(dg_ref)
    sh = jnp.transpose(s1a_ref[...] + s1b_ref[...] + hs1T_ref[...])
    out1 = jnp.maximum(sh * dinv + b1_ref[...] + lin1_ref[...], 0.0)
    out1_ref[...] = out1
    hs2T_ref[...] = jnp.transpose(_dot(out1, w2_ref[...]) * dinv)
    lin2_ref[...] = _dot(out1, lw2_ref[...]) + lb2_ref[...]


def _tcc_body(s2a_ref, s2b_ref, hs2T_ref, lin2_ref, dg_ref, b2_ref,
              out1_ref, fw1_ref, fw2_ref, fb_ref, cw_ref, cb_ref, y_ref):
    dinv = _dinv_of(dg_ref)
    sh = jnp.transpose(s2a_ref[...] + s2b_ref[...] + hs2T_ref[...])
    out2 = jnp.maximum(sh * dinv + b2_ref[...] + lin2_ref[...], 0.0)
    h = jnp.maximum(
        _dot(out1_ref[...], fw1_ref[...]) + _dot(out2, fw2_ref[...])
        + fb_ref[...], 0.0)
    y_ref[...] = _dot(h, cw_ref[...]) + cb_ref[...]


def _tca(xpad, W1, L1W, L1br, degT):
    return pl.pallas_call(
        _tca_body,
        grid=(_GRID,),
        in_specs=[_row(_DIN), _full((_DIN, _H)), _full((_DIN, _H)),
                  _full((1, _H)), _row(2)],
        out_specs=[_col(_H), _row(_H)],
        out_shape=[jax.ShapeDtypeStruct((_H, _NPAD), jnp.float32),
                   jax.ShapeDtypeStruct((_NPAD, _H), jnp.float32)],
    )(xpad, W1, L1W, L1br, degT)


def _tcb(s1a, s1b, hs1T, lin1, degT, b1r, W2, L2W, L2br):
    return pl.pallas_call(
        _tcb_body,
        grid=(_GRID,),
        in_specs=[_col(_H), _col(_H), _col(_H), _row(_H), _row(2),
                  _full((1, _H)), _full((_H, _H)), _full((_H, _H)),
                  _full((1, _H))],
        out_specs=[_row(_H), _col(_H), _row(_H)],
        out_shape=[jax.ShapeDtypeStruct((_NPAD, _H), jnp.float32),
                   jax.ShapeDtypeStruct((_H, _NPAD), jnp.float32),
                   jax.ShapeDtypeStruct((_NPAD, _H), jnp.float32)],
    )(s1a, s1b, hs1T, lin1, degT, b1r, W2, L2W, L2br)


def _tcc(s2a, s2b, hs2T, lin2, degT, b2r, out1, FW1, FW2, Fbr, CW, Cbr):
    return pl.pallas_call(
        _tcc_body,
        grid=(_GRID,),
        in_specs=[_col(_H), _col(_H), _col(_H), _row(_H), _row(2),
                  _full((1, _H)), _row(_H), _full((_H, _H)),
                  _full((_H, _H)), _full((1, _H)), _full((_H, _C)),
                  _full((1, _C))],
        out_specs=[_row(_C)],
        out_shape=[jax.ShapeDtypeStruct((_NPAD, _C), jnp.float32)],
    )(s2a, s2b, hs2T, lin2, degT, b2r, out1, FW1, FW2, Fbr, CW, Cbr)[0]



def kernel(x, edge_index_all, W1, b1, L1W, L1b, W2, b2, L2W, L2b,
           FW, Fb, CW, Cb):
    src = edge_index_all[0]
    dst = edge_index_all[1]
    padn = _NW * _NCH * _CH - _E
    padidx = (jnp.arange(padn, dtype=jnp.int32) % (_NPAD - _N)) + _N
    src3 = jnp.concatenate([src, padidx]).reshape(_NW, _NCH, _CH)
    dst3 = jnp.concatenate([dst, padidx]).reshape(_NW, _NCH, _CH)
    xpad = jnp.pad(x, ((0, _NPAD - _N), (0, 0)))
    z1 = jnp.zeros((_RPT,), jnp.float32)
    zF = jnp.zeros((_FPT,), jnp.float32)
    zdrain = jnp.zeros((_H, _CH), jnp.float32)
    b1r = b1.reshape(1, _H)
    b2r = b2.reshape(1, _H)
    L1br = L1b.reshape(1, _H)
    L2br = L2b.reshape(1, _H)
    Fbr = Fb.reshape(1, _H)
    Cbr = Cb.reshape(1, _C)
    FW1 = FW[:_H]
    FW2 = FW[_H:]

    deg2 = _get_deg_kernel()(dst3, z1)
    degT = deg2.T

    hs1T, lin1 = _tca(xpad, W1, L1W, L1br, degT)
    s1f = _get_spmm_kernel()(src3, dst3, hs1T.reshape(-1), zF, zdrain)
    s1 = s1f.reshape(2, _H, _NPAD)
    out1, hs2T, lin2 = _tcb(s1[0], s1[1], hs1T, lin1, degT, b1r,
                            W2, L2W, L2br)
    s2f = _get_spmm_kernel()(src3, dst3, hs2T.reshape(-1), zF, zdrain)
    s2 = s2f.reshape(2, _H, _NPAD)
    y = _tcc(s2[0], s2[1], hs2T, lin2, degT, b2r, out1,
             FW1, FW2, Fbr, CW, Cbr)
    return y[:_N]

# --- scband reference (transcript-rebuilt; emitter-appended) ---
"""Pipeline reference for scband-graph-net-62088047231119 (READ-ONLY COPY).

The authoritative reference and input builder live on the scoring server;
editing this copy changes nothing except your own understanding.
"""

import jax, jax.numpy as jnp
import numpy as np

N = 10000
E = 320000
D_IN = 128
H = 32
C = 64


def gcn_conv(x, src, dst, W, b, n):
    # PyG-style GCNConv with added self-loops and symmetric normalization
    h = x @ W
    deg = jnp.zeros((n,), x.dtype).at[dst].add(jnp.ones((dst.shape[0],), x.dtype))
    dinv = jnp.where(deg > 0, 1.0 / jnp.sqrt(deg), 0.0)
    norm = dinv[src] * dinv[dst]
    msg = h[src] * norm[:, None]
    out = jnp.zeros((n, h.shape[1]), x.dtype).at[dst].add(msg)
    return out + b


def setup_inputs(seed: int = 0):
    key = jax.random.key(seed)
    ks = jax.random.split(key, 16)
    x = jax.random.normal(ks[0], (N, D_IN), dtype=jnp.float32)
    edge_index_all = jax.random.randint(ks[1], (2, E), 0, N, dtype=jnp.int32)
    s_in = 1.0 / np.sqrt(D_IN)
    s_h = 1.0 / np.sqrt(H)
    s_jk = 1.0 / np.sqrt(2 * H)
    return {
        "x": x,
        "edge_index_all": edge_index_all,
        "W1": jax.random.normal(ks[2], (D_IN, H), dtype=jnp.float32) * s_in,
        "b1": jnp.zeros((H,), jnp.float32),
        "L1W": jax.random.normal(ks[3], (D_IN, H), dtype=jnp.float32) * s_in,
        "L1b": jnp.zeros((H,), jnp.float32),
        "W2": jax.random.normal(ks[4], (H, H), dtype=jnp.float32) * s_h,
        "b2": jnp.zeros((H,), jnp.float32),
        "L2W": jax.random.normal(ks[5], (H, H), dtype=jnp.float32) * s_h,
        "L2b": jnp.zeros((H,), jnp.float32),
        "FW": jax.random.normal(ks[6], (2 * H, H), dtype=jnp.float32) * s_jk,
        "Fb": jnp.zeros((H,), jnp.float32),
        "CW": jax.random.normal(ks[7], (H, C), dtype=jnp.float32) * s_h,
        "Cb": jnp.zeros((C,), jnp.float32),
    }


def reference(x, edge_index_all, W1, b1, L1W, L1b, W2, b2, L2W, L2b, FW, Fb, CW, Cb):
    n = x.shape[0]
    loops = jnp.arange(n, dtype=edge_index_all.dtype)
    src = jnp.concatenate([edge_index_all[0], loops])
    dst = jnp.concatenate([edge_index_all[1], loops])
    # layer 1: act(gcn(x) + linear(x)); dropout omitted (eval mode)
    out1 = jax.nn.relu(gcn_conv(x, src, dst, W1, b1, n) + x @ L1W + L1b)
    # layer 2
    out2 = jax.nn.relu(gcn_conv(out1, src, dst, W2, b2, n) + out1 @ L2W + L2b)
    # JumpingKnowledge concat over use_skip=[1,1]
    jk = jnp.concatenate([out1, out2], axis=-1)
    h = jax.nn.relu(jk @ FW + Fb)
    return h @ CW + Cb

if __name__ == "__main__":
    import jax
    _d = setup_inputs()
    print(jax.jit(kernel)(*tuple(_d.values())))

</pallas_src>

<mosaic_0001>
#map = affine_map<(d0, d1) -> (0, 0, 0)>
#map1 = affine_map<(d0, d1) -> (0)>
#map2 = affine_map<(d0, d1) -> (0, 0)>
module attributes {stable_mosaic.version = 14 : i64} {
  func.func @_deg_body(%arg0: i32, %arg1: i32, %arg2: memref<32x79x128xi32, #tpu.memory_space<hbm>>, %arg3: memref<640xf32, #tpu.memory_space<hbm>>, %arg4: memref<2x10240xf32, #tpu.memory_space<hbm>>, %arg5: memref<79x128xi32, #tpu.memory_space<vmem>>, %arg6: memref<128xf32, #tpu.memory_space<vmem>>, %arg7: memref<10240xf32, #tpu.memory_space<vmem_shared>>) attributes {dimension_semantics = [#tpu.dimension_semantics<core_parallel>, #tpu.dimension_semantics<subcore_parallel>], iteration_bounds = array<i64: 2, 16>, scalar_prefetch = 0 : i64, scratch_operands = 3 : i64, tpu.core_type = #tpu.core_type<sc_vector_subcore>, window_params = [{transform_indices = #map}, {transform_indices = #map1}, {transform_indices = #map2}]} {
    %mul3A = arith.constant 2 : i32
    %mul3A_0 = arith.muli %arg1, %mul3A : i32
    %add3A = arith.addi %mul3A_0, %arg0 : i32
    "tpu.region"() ({
      %run_scoped3A = tpu.sem_alloc : memref<!tpu.dma_semaphore, #tpu.memory_space<semaphore_mem>>
      %dma_start3A = arith.constant 0 : i32
      %dma_start3A_55 = arith.constant 0 : i32
      %dma_start3A_56 = tpu.memref_slice %arg2[%add3A, %dma_start3A, %dma_start3A_55] : memref<32x79x128xi32, #tpu.memory_space<hbm>> -> memref<1x79x128xi32, #tpu.memory_space<hbm>>
      %dma_start3A_57 = tpu.memref_squeeze %dma_start3A_56 : memref<1x79x128xi32, #tpu.memory_space<hbm>> -> memref<79x128xi32, #tpu.memory_space<hbm>>
      %dma_start3A_58 = arith.constant 0 : i32
      %dma_start3A_59 = arith.constant 0 : i32
      %dma_start3A_60 = tpu.memref_slice %arg2[%add3A, %dma_start3A_58, %dma_start3A_59] : memref<32x79x128xi32, #tpu.memory_space<hbm>> -> memref<1x79x128xi32, #tpu.memory_space<hbm>>
      %dma_start3A_61 = tpu.memref_squeeze %dma_start3A_60 : memref<1x79x128xi32, #tpu.memory_space<hbm>> -> memref<79x128xi32, #tpu.memory_space<hbm>>
      tpu.enqueue_dma source(%dma_start3A_61 : memref<79x128xi32, #tpu.memory_space<hbm>>) target(%arg5 : memref<79x128xi32, #tpu.memory_space<vmem>>) target_semaphore(%run_scoped3A : memref<!tpu.dma_semaphore, #tpu.memory_space<semaphore_mem>>)
      %dma_wait3A = arith.constant 0 : i32
      %dma_wait3A_62 = arith.constant 0 : i32
      %dma_wait3A_63 = tpu.memref_slice %arg2[%add3A, %dma_wait3A, %dma_wait3A_62] : memref<32x79x128xi32, #tpu.memory_space<hbm>> -> memref<1x79x128xi32, #tpu.memory_space<hbm>>
      %dma_wait3A_64 = tpu.memref_squeeze %dma_wait3A_63 : memref<1x79x128xi32, #tpu.memory_space<hbm>> -> memref<79x128xi32, #tpu.memory_space<hbm>>
      %dma_wait3A_65 = arith.constant 0 : i32
      %dma_wait3A_66 = arith.constant 0 : i32
      %dma_wait3A_67 = tpu.memref_slice %arg2[%add3A, %dma_wait3A_65, %dma_wait3A_66] : memref<32x79x128xi32, #tpu.memory_space<hbm>> -> memref<1x79x128xi32, #tpu.memory_space<hbm>>
      %dma_wait3A_68 = tpu.memref_squeeze %dma_wait3A_67 : memref<1x79x128xi32, #tpu.memory_space<hbm>> -> memref<79x128xi32, #tpu.memory_space<hbm>>
      tpu.wait_dma2 semaphore(%run_scoped3A : memref<!tpu.dma_semaphore, #tpu.memory_space<semaphore_mem>>) src(%dma_wait3A_68 : memref<79x128xi32, #tpu.memory_space<hbm>>) dst(%arg5 : memref<79x128xi32, #tpu.memory_space<vmem>>)
      tpu.yield
    }) : () -> ()
    %broadcast_in_dim3A = arith.constant 1.000000e+00 : f32
    %broadcast_in_dim3A_1 = vector.broadcast %broadcast_in_dim3A : f32 to vector<16xf32>
    %swap3A = arith.constant 0 : index
    %swap3A_2 = tpu.vector_load %arg6[%swap3A] {strides = array<i32>} : memref<128xf32, #tpu.memory_space<vmem>>, vector<16xf32>,
    %swap3A_3 = vector.shape_cast %swap3A_2 : vector<16xf32> to vector<16xf32>
    %swap3A_4 = vector.shape_cast %broadcast_in_dim3A_1 : vector<16xf32> to vector<16xf32>
    tpu.vector_store %arg6[%swap3A], %swap3A_4 {strides = array<i32>} : memref<128xf32, #tpu.memory_space<vmem>>, vector<16xf32>,
    %broadcast_in_dim3A_5 = arith.constant 1.000000e+00 : f32
    %broadcast_in_dim3A_6 = vector.broadcast %broadcast_in_dim3A_5 : f32 to vector<16xf32>
    %swap3A_7 = arith.constant 16 : index
    %swap3A_8 = tpu.vector_load %arg6[%swap3A_7] {strides = array<i32>} : memref<128xf32, #tpu.memory_space<vmem>>, vector<16xf32>,
    %swap3A_9 = vector.shape_cast %swap3A_8 : vector<16xf32> to vector<16xf32>
    %swap3A_10 = vector.shape_cast %broadcast_in_dim3A_6 : vector<16xf32> to vector<16xf32>
    tpu.vector_store %arg6[%swap3A_7], %swap3A_10 {strides = array<i32>} : memref<128xf32, #tpu.memory_space<vmem>>, vector<16xf32>,
    %broadcast_in_dim3A_11 = arith.constant 1.000000e+00 : f32
    %broadcast_in_dim3A_12 = vector.broadcast %broadcast_in_dim3A_11 : f32 to vector<16xf32>
    %swap3A_13 = arith.constant 32 : index
    %swap3A_14 = tpu.vector_load %arg6[%swap3A_13] {strides = array<i32>} : memref<128xf32, #tpu.memory_space<vmem>>, vector<16xf32>,
    %swap3A_15 = vector.shape_cast %swap3A_14 : vector<16xf32> to vector<16xf32>
    %swap3A_16 = vector.shape_cast %broadcast_in_dim3A_12 : vector<16xf32> to vector<16xf32>
    tpu.vector_store %arg6[%swap3A_13], %swap3A_16 {strides = array<i32>} : memref<128xf32, #tpu.memory_space<vmem>>, vector<16xf32>,
    %broadcast_in_dim3A_17 = arith.constant 1.000000e+00 : f32
    %broadcast_in_dim3A_18 = vector.broadcast %broadcast_in_dim3A_17 : f32 to vector<16xf32>
    %swap3A_19 = arith.constant 48 : index
    %swap3A_20 = tpu.vector_load %arg6[%swap3A_19] {strides = array<i32>} : memref<128xf32, #tpu.memory_space<vmem>>, vector<16xf32>,
    %swap3A_21 = vector.shape_cast %swap3A_20 : vector<16xf32> to vector<16xf32>
    %swap3A_22 = vector.shape_cast %broadcast_in_dim3A_18 : vector<16xf32> to vector<16xf32>
    tpu.vector_store %arg6[%swap3A_19], %swap3A_22 {strides = array<i32>} : memref<128xf32, #tpu.memory_space<vmem>>, vector<16xf32>,
    %broadcast_in_dim3A_23 = arith.constant 1.000000e+00 : f32
    %broadcast_in_dim3A_24 = vector.broadcast %broadcast_in_dim3A_23 : f32 to vector<16xf32>
    %swap3A_25 = arith.constant 64 : index
    %swap3A_26 = tpu.vector_load %arg6[%swap3A_25] {strides = array<i32>} : memref<128xf32, #tpu.memory_space<vmem>>, vector<16xf32>,
    %swap3A_27 = vector.shape_cast %swap3A_26 : vector<16xf32> to vector<16xf32>
    %swap3A_28 = vector.shape_cast %broadcast_in_dim3A_24 : vector<16xf32> to vector<16xf32>
    tpu.vector_store %arg6[%swap3A_25], %swap3A_28 {strides = array<i32>} : memref<128xf32, #tpu.memory_space<vmem>>, vector<16xf32>,
    %broadcast_in_dim3A_29 = arith.constant 1.000000e+00 : f32
    %broadcast_in_dim3A_30 = vector.broadcast %broadcast_in_dim3A_29 : f32 to vector<16xf32>
    %swap3A_31 = arith.constant 80 : index
    %swap3A_32 = tpu.vector_load %arg6[%swap3A_31] {strides = array<i32>} : memref<128xf32, #tpu.memory_space<vmem>>, vector<16xf32>,
    %swap3A_33 = vector.shape_cast %swap3A_32 : vector<16xf32> to vector<16xf32>
    %swap3A_34 = vector.shape_cast %broadcast_in_dim3A_30 : vector<16xf32> to vector<16xf32>
    tpu.vector_store %arg6[%swap3A_31], %swap3A_34 {strides = array<i32>} : memref<128xf32, #tpu.memory_space<vmem>>, vector<16xf32>,
    %broadcast_in_dim3A_35 = arith.constant 1.000000e+00 : f32
    %broadcast_in_dim3A_36 = vector.broadcast %broadcast_in_dim3A_35 : f32 to vector<16xf32>
    %swap3A_37 = arith.constant 96 : index
    %swap3A_38 = tpu.vector_load %arg6[%swap3A_37] {strides = array<i32>} : memref<128xf32, #tpu.memory_space<vmem>>, vector<16xf32>,
    %swap3A_39 = vector.shape_cast %swap3A_38 : vector<16xf32> to vector<16xf32>
    %swap3A_40 = vector.shape_cast %broadcast_in_dim3A_36 : vector<16xf32> to vector<16xf32>
    tpu.vector_store %arg6[%swap3A_37], %swap3A_40 {strides = array<i32>} : memref<128xf32, #tpu.memory_space<vmem>>, vector<16xf32>,
    %broadcast_in_dim3A_41 = arith.constant 1.000000e+00 : f32
    %broadcast_in_dim3A_42 = vector.broadcast %broadcast_in_dim3A_41 : f32 to vector<16xf32>
    %swap3A_43 = arith.constant 112 : index
    %swap3A_44 = tpu.vector_load %arg6[%swap3A_43] {strides = array<i32>} : memref<128xf32, #tpu.memory_space<vmem>>, vector<16xf32>,
    %swap3A_45 = vector.shape_cast %swap3A_44 : vector<16xf32> to vector<16xf32>
    %swap3A_46 = vector.shape_cast %broadcast_in_dim3A_42 : vector<16xf32> to vector<16xf32>
    tpu.vector_store %arg6[%swap3A_43], %swap3A_46 {strides = array<i32>} : memref<128xf32, #tpu.memory_space<vmem>>, vector<16xf32>,
    %mul3A_47 = arith.constant 640 : i32
    %mul3A_48 = arith.muli %arg1, %mul3A_47 : i32
    "tpu.region"() ({
      %run_scoped3A = tpu.sem_alloc : memref<!tpu.dma_semaphore, #tpu.memory_space<semaphore_mem>>
      %dma_start3A = tpu.memref_slice %arg7[%mul3A_48] : memref<10240xf32, #tpu.memory_space<vmem_shared>> -> memref<640xf32, #tpu.memory_space<vmem_shared>>
      tpu.enqueue_dma source(%arg3 : memref<640xf32, #tpu.memory_space<hbm>>) target(%dma_start3A : memref<640xf32, #tpu.memory_space<vmem_shared>>) target_semaphore(%run_scoped3A : memref<!tpu.dma_semaphore, #tpu.memory_space<semaphore_mem>>)
      %dma_wait3A = tpu.memref_slice %arg7[%mul3A_48] : memref<10240xf32, #tpu.memory_space<vmem_shared>> -> memref<640xf32, #tpu.memory_space<vmem_shared>>
      tpu.wait_dma2 semaphore(%run_scoped3A : memref<!tpu.dma_semaphore, #tpu.memory_space<semaphore_mem>>) src(%arg3 : memref<640xf32, #tpu.memory_space<hbm>>) dst(%dma_wait3A : memref<640xf32, #tpu.memory_space<vmem_shared>>)
      tpu.yield
    }) : () -> ()
    %barrier3A = arith.constant 0 : index
    tpu.barrier barrier_id(%barrier3A)
    %scan3A = arith.constant 0 : i32
    %scan3A_49 = arith.constant 0 : i32
    %scan3A_50 = arith.constant 79 : i32
    %scan3A_51 = arith.addi %scan3A_49, %scan3A_50 : i32
    %scan3A_52 = arith.constant 1 : i32
    scf.for %scan3A_55 = %scan3A_49 to %scan3A_51 step %scan3A_52  : i32 {
      "tpu.region"() ({
        %run_scoped3A = tpu.sem_alloc : memref<!tpu.dma_semaphore, #tpu.memory_space<semaphore_mem>>
        %dma_start3A = arith.constant 0 : i32
        %dma_start3A_56 = tpu.memref_slice %arg5[%scan3A_55, %dma_start3A] : memref<79x128xi32, #tpu.memory_space<vmem>> -> memref<1x128xi32, #tpu.memory_space<vmem>>
        %dma_start3A_57 = tpu.memref_squeeze %dma_start3A_56 : memref<1x128xi32, #tpu.memory_space<vmem>> -> memref<128xi32, #tpu.memory_space<vmem>>
        %dma_start3A_58 = arith.constant 0 : i32
        %dma_start3A_59 = tpu.memref_slice %arg7[%dma_start3A_58] : memref<10240xf32, #tpu.memory_space<vmem_shared>> -> memref<10240xf32, #tpu.memory_space<vmem_shared>>
        tpu.enqueue_indirect_dma source(%arg6 : memref<128xf32, #tpu.memory_space<vmem>>) target(%dma_start3A_59 : memref<10240xf32, #tpu.memory_space<vmem_shared>>) offsets(%dma_start3A_57 : memref<128xi32, #tpu.memory_space<vmem>>) semaphore(%run_scoped3A : memref<!tpu.dma_semaphore, #tpu.memory_space<semaphore_mem>>) {add = true}
        %dma_wait3A = arith.constant 0 : i32
        %dma_wait3A_60 = tpu.memref_slice %arg5[%scan3A_55, %dma_wait3A] : memref<79x128xi32, #tpu.memory_space<vmem>> -> memref<1x128xi32, #tpu.memory_space<vmem>>
        %dma_wait3A_61 = tpu.memref_squeeze %dma_wait3A_60 : memref<1x128xi32, #tpu.memory_space<vmem>> -> memref<128xi32, #tpu.memory_space<vmem>>
        %dma_wait3A_62 = arith.constant 0 : i32
        %dma_wait3A_63 = tpu.memref_slice %arg7[%dma_wait3A_62] : memref<10240xf32, #tpu.memory_space<vmem_shared>> -> memref<10240xf32, #tpu.memory_space<vmem_shared>>
        tpu.wait_indirect_dma semaphore(%run_scoped3A : memref<!tpu.dma_semaphore, #tpu.memory_space<semaphore_mem>>) src(%arg6 : memref<128xf32, #tpu.memory_space<vmem>>) dst(%dma_wait3A_63 : memref<10240xf32, #tpu.memory_space<vmem_shared>>)
        tpu.yield
      }) : () -> ()
    }
    %scan3A_53 = arith.constant 79 : i32
    %barrier3A_54 = arith.constant 0 : index
    tpu.barrier barrier_id(%barrier3A_54)
    "tpu.region"() ({
      %run_scoped3A = tpu.sem_alloc : memref<!tpu.dma_semaphore, #tpu.memory_space<semaphore_mem>>
      %dma_start3A = tpu.memref_slice %arg4[%arg0, %mul3A_48] : memref<2x10240xf32, #tpu.memory_space<hbm>> -> memref<1x640xf32, #tpu.memory_space<hbm>>
      %dma_start3A_55 = tpu.memref_squeeze %dma_start3A : memref<1x640xf32, #tpu.memory_space<hbm>> -> memref<640xf32, #tpu.memory_space<hbm>>
      %dma_start3A_56 = tpu.memref_slice %arg7[%mul3A_48] : memref<10240xf32, #tpu.memory_space<vmem_shared>> -> memref<640xf32, #tpu.memory_space<vmem_shared>>
      tpu.enqueue_dma source(%dma_start3A_56 : memref<640xf32, #tpu.memory_space<vmem_shared>>) target(%dma_start3A_55 : memref<640xf32, #tpu.memory_space<hbm>>) target_semaphore(%run_scoped3A : memref<!tpu.dma_semaphore, #tpu.memory_space<semaphore_mem>>)
      %dma_wait3A = tpu.memref_slice %arg4[%arg0, %mul3A_48] : memref<2x10240xf32, #tpu.memory_space<hbm>> -> memref<1x640xf32, #tpu.memory_space<hbm>>
      %dma_wait3A_57 = tpu.memref_squeeze %dma_wait3A : memref<1x640xf32, #tpu.memory_space<hbm>> -> memref<640xf32, #tpu.memory_space<hbm>>
      %dma_wait3A_58 = tpu.memref_slice %arg7[%mul3A_48] : memref<10240xf32, #tpu.memory_space<vmem_shared>> -> memref<640xf32, #tpu.memory_space<vmem_shared>>
      tpu.wait_dma2 semaphore(%run_scoped3A : memref<!tpu.dma_semaphore, #tpu.memory_space<semaphore_mem>>) src(%dma_wait3A_58 : memref<640xf32, #tpu.memory_space<vmem_shared>>) dst(%dma_wait3A_57 : memref<640xf32, #tpu.memory_space<hbm>>)
      tpu.yield
    }) : () -> ()
    return
  }
}

#map = affine_map<(d0, d1) -> (0, 0, 0)>
#map1 = affine_map<(d0, d1) -> (0)>
#map2 = affine_map<(d0, d1) -> (0, 0)>
module attributes {stable_mosaic.version = 14 : i64} {
  func.func @_spmm_body(%arg0: i32, %arg1: i32, %arg2: memref<32x79x128xi32, #tpu.memory_space<hbm>>, %arg3: memref<32x79x128xi32, #tpu.memory_space<hbm>>, %arg4: memref<327680xf32, #tpu.memory_space<hbm>>, %arg5: memref<20480xf32, #tpu.memory_space<hbm>>, %arg6: memref<32x128xf32, #tpu.memory_space<hbm>>, %arg7: memref<2x327680xf32, #tpu.memory_space<hbm>>, %arg8: memref<79x128xi32, #tpu.memory_space<vmem>>, %arg9: memref<79x128xi32, #tpu.memory_space<vmem>>, %arg10: memref<2x32x128xf32, #tpu.memory_space<vmem>>, %arg11: memref<655360xf32, #tpu.memory_space<vmem_shared>>, %arg12: memref<!tpu.dma_semaphore, #tpu.memory_space<semaphore_mem>>, %arg13: memref<!tpu.dma_semaphore, #tpu.memory_space<semaphore_mem>>) attributes {dimension_semantics = [#tpu.dimension_semantics<core_parallel>, #tpu.dimension_semantics<subcore_parallel>], iteration_bounds = array<i64: 2, 16>, scalar_prefetch = 0 : i64, scratch_operands = 6 : i64, tpu.core_type = #tpu.core_type<sc_vector_subcore>, window_params = [{transform_indices = #map}, {transform_indices = #map}, {transform_indices = #map1}, {transform_indices = #map1}, {transform_indices = #map2}, {transform_indices = #map2}]} {
    %mul3A = arith.constant 2 : i32
    %mul3A_0 = arith.muli %arg1, %mul3A : i32
    %add3A = arith.addi %mul3A_0, %arg0 : i32
    "tpu.region"() ({
      %run_scoped3A = tpu.sem_alloc : memref<!tpu.dma_semaphore, #tpu.memory_space<semaphore_mem>>
      %dma_start3A = arith.constant 0 : i32
      %dma_start3A_21 = arith.constant 0 : i32
      %dma_start3A_22 = tpu.memref_slice %arg2[%add3A, %dma_start3A, %dma_start3A_21] : memref<32x79x128xi32, #tpu.memory_space<hbm>> -> memref<1x79x128xi32, #tpu.memory_space<hbm>>
      %dma_start3A_23 = tpu.memref_squeeze %dma_start3A_22 : memref<1x79x128xi32, #tpu.memory_space<hbm>> -> memref<79x128xi32, #tpu.memory_space<hbm>>
      %dma_start3A_24 = arith.constant 0 : i32
      %dma_start3A_25 = arith.constant 0 : i32
      %dma_start3A_26 = tpu.memref_slice %arg2[%add3A, %dma_start3A_24, %dma_start3A_25] : memref<32x79x128xi32, #tpu.memory_space<hbm>> -> memref<1x79x128xi32, #tpu.memory_space<hbm>>
      %dma_start3A_27 = tpu.memref_squeeze %dma_start3A_26 : memref<1x79x128xi32, #tpu.memory_space<hbm>> -> memref<79x128xi32, #tpu.memory_space<hbm>>
      tpu.enqueue_dma source(%dma_start3A_27 : memref<79x128xi32, #tpu.memory_space<hbm>>) target(%arg8 : memref<79x128xi32, #tpu.memory_space<vmem>>) target_semaphore(%run_scoped3A : memref<!tpu.dma_semaphore, #tpu.memory_space<semaphore_mem>>)
      %dma_wait3A_28 = arith.constant 0 : i32
      %dma_wait3A_29 = arith.constant 0 : i32
      %dma_wait3A_30 = tpu.memref_slice %arg2[%add3A, %dma_wait3A_28, %dma_wait3A_29] : memref<32x79x128xi32, #tpu.memory_space<hbm>> -> memref<1x79x128xi32, #tpu.memory_space<hbm>>
      %dma_wait3A_31 = tpu.memref_squeeze %dma_wait3A_30 : memref<1x79x128xi32, #tpu.memory_space<hbm>> -> memref<79x128xi32, #tpu.memory_space<hbm>>
      %dma_wait3A_32 = arith.constant 0 : i32
      %dma_wait3A_33 = arith.constant 0 : i32
      %dma_wait3A_34 = tpu.memref_slice %arg2[%add3A, %dma_wait3A_32, %dma_wait3A_33] : memref<32x79x128xi32, #tpu.memory_space<hbm>> -> memref<1x79x128xi32, #tpu.memory_space<hbm>>
      %dma_wait3A_35 = tpu.memref_squeeze %dma_wait3A_34 : memref<1x79x128xi32, #tpu.memory_space<hbm>> -> memref<79x128xi32, #tpu.memory_space<hbm>>
      tpu.wait_dma2 semaphore(%run_scoped3A : memref<!tpu.dma_semaphore, #tpu.memory_space<semaphore_mem>>) src(%dma_wait3A_35 : memref<79x128xi32, #tpu.memory_space<hbm>>) dst(%arg8 : memref<79x128xi32, #tpu.memory_space<vmem>>)
      tpu.yield
    }) : () -> ()
    "tpu.region"() ({
      %run_scoped3A = tpu.sem_alloc : memref<!tpu.dma_semaphore, #tpu.memory_space<semaphore_mem>>
      %dma_start3A = arith.constant 0 : i32
      %dma_start3A_21 = arith.constant 0 : i32
      %dma_start3A_22 = tpu.memref_slice %arg3[%add3A, %dma_start3A, %dma_start3A_21] : memref<32x79x128xi32, #tpu.memory_space<hbm>> -> memref<1x79x128xi32, #tpu.memory_space<hbm>>
      %dma_start3A_23 = tpu.memref_squeeze %dma_start3A_22 : memref<1x79x128xi32, #tpu.memory_space<hbm>> -> memref<79x128xi32, #tpu.memory_space<hbm>>
      %dma_start3A_24 = arith.constant 0 : i32
      %dma_start3A_25 = arith.constant 0 : i32
      %dma_start3A_26 = tpu.memref_slice %arg3[%add3A, %dma_start3A_24, %dma_start3A_25] : memref<32x79x128xi32, #tpu.memory_space<hbm>> -> memref<1x79x128xi32, #tpu.memory_space<hbm>>
      %dma_start3A_27 = tpu.memref_squeeze %dma_start3A_26 : memref<1x79x128xi32, #tpu.memory_space<hbm>> -> memref<79x128xi32, #tpu.memory_space<hbm>>
      tpu.enqueue_dma source(%dma_start3A_27 : memref<79x128xi32, #tpu.memory_space<hbm>>) target(%arg9 : memref<79x128xi32, #tpu.memory_space<vmem>>) target_semaphore(%run_scoped3A : memref<!tpu.dma_semaphore, #tpu.memory_space<semaphore_mem>>)
      %dma_wait3A_28 = arith.constant 0 : i32
      %dma_wait3A_29 = arith.constant 0 : i32
      %dma_wait3A_30 = tpu.memref_slice %arg3[%add3A, %dma_wait3A_28, %dma_wait3A_29] : memref<32x79x128xi32, #tpu.memory_space<hbm>> -> memref<1x79x128xi32, #tpu.memory_space<hbm>>
      %dma_wait3A_31 = tpu.memref_squeeze %dma_wait3A_30 : memref<1x79x128xi32, #tpu.memory_space<hbm>> -> memref<79x128xi32, #tpu.memory_space<hbm>>
      %dma_wait3A_32 = arith.constant 0 : i32
      %dma_wait3A_33 = arith.constant 0 : i32
      %dma_wait3A_34 = tpu.memref_slice %arg3[%add3A, %dma_wait3A_32, %dma_wait3A_33] : memref<32x79x128xi32, #tpu.memory_space<hbm>> -> memref<1x79x128xi32, #tpu.memory_space<hbm>>
      %dma_wait3A_35 = tpu.memref_squeeze %dma_wait3A_34 : memref<1x79x128xi32, #tpu.memory_space<hbm>> -> memref<79x128xi32, #tpu.memory_space<hbm>>
      tpu.wait_dma2 semaphore(%run_scoped3A : memref<!tpu.dma_semaphore, #tpu.memory_space<semaphore_mem>>) src(%dma_wait3A_35 : memref<79x128xi32, #tpu.memory_space<hbm>>) dst(%arg9 : memref<79x128xi32, #tpu.memory_space<vmem>>)
      tpu.yield
    }) : () -> ()
    %mul3A_1 = arith.constant 20480 : i32
    %mul3A_2 = arith.muli %arg1, %mul3A_1 : i32
    "tpu.region"() ({
      %run_scoped3A = tpu.sem_alloc : memref<!tpu.dma_semaphore, #tpu.memory_space<semaphore_mem>>
      %dma_start3A = tpu.memref_slice %arg11[%mul3A_2] : memref<655360xf32, #tpu.memory_space<vmem_shared>> -> memref<20480xf32, #tpu.memory_space<vmem_shared>>
      %dma_start3A_21 = tpu.memref_slice %arg4[%mul3A_2] : memref<327680xf32, #tpu.memory_space<hbm>> -> memref<20480xf32, #tpu.memory_space<hbm>>
      tpu.enqueue_dma source(%dma_start3A_21 : memref<20480xf32, #tpu.memory_space<hbm>>) target(%dma_start3A : memref<20480xf32, #tpu.memory_space<vmem_shared>>) target_semaphore(%run_scoped3A : memref<!tpu.dma_semaphore, #tpu.memory_space<semaphore_mem>>)
      %dma_wait3A_22 = tpu.memref_slice %arg11[%mul3A_2] : memref<655360xf32, #tpu.memory_space<vmem_shared>> -> memref<20480xf32, #tpu.memory_space<vmem_shared>>
      %dma_wait3A_23 = tpu.memref_slice %arg4[%mul3A_2] : memref<327680xf32, #tpu.memory_space<hbm>> -> memref<20480xf32, #tpu.memory_space<hbm>>
      tpu.wait_dma2 semaphore(%run_scoped3A : memref<!tpu.dma_semaphore, #tpu.memory_space<semaphore_mem>>) src(%dma_wait3A_23 : memref<20480xf32, #tpu.memory_space<hbm>>) dst(%dma_wait3A_22 : memref<20480xf32, #tpu.memory_space<vmem_shared>>)
      tpu.yield
    }) : () -> ()
    %add3A_3 = arith.constant 327680 : i32
    %add3A_4 = arith.addi %add3A_3, %mul3A_2 : i32
    "tpu.region"() ({
      %run_scoped3A = tpu.sem_alloc : memref<!tpu.dma_semaphore, #tpu.memory_space<semaphore_mem>>
      %dma_start3A = tpu.memref_slice %arg11[%add3A_4] : memref<655360xf32, #tpu.memory_space<vmem_shared>> -> memref<20480xf32, #tpu.memory_space<vmem_shared>>
      tpu.enqueue_dma source(%arg5 : memref<20480xf32, #tpu.memory_space<hbm>>) target(%dma_start3A : memref<20480xf32, #tpu.memory_space<vmem_shared>>) target_semaphore(%run_scoped3A : memref<!tpu.dma_semaphore, #tpu.memory_space<semaphore_mem>>)
      %dma_wait3A_21 = tpu.memref_slice %arg11[%add3A_4] : memref<655360xf32, #tpu.memory_space<vmem_shared>> -> memref<20480xf32, #tpu.memory_space<vmem_shared>>
      tpu.wait_dma2 semaphore(%run_scoped3A : memref<!tpu.dma_semaphore, #tpu.memory_space<semaphore_mem>>) src(%arg5 : memref<20480xf32, #tpu.memory_space<hbm>>) dst(%dma_wait3A_21 : memref<20480xf32, #tpu.memory_space<vmem_shared>>)
      tpu.yield
    }) : () -> ()
    %barrier3A = arith.constant 0 : index
    tpu.barrier barrier_id(%barrier3A)
    %scan3A = arith.constant 0 : i32
    %scan3A_5 = arith.constant 0 : i32
    %scan3A_6 = arith.constant 79 : i32
    %scan3A_7 = arith.addi %scan3A_5, %scan3A_6 : i32
    %scan3A_8 = arith.constant 1 : i32
    scf.for %scan3A_21 = %scan3A_5 to %scan3A_7 step %scan3A_8  : i32 {
      %rem3A = arith.constant 2 : i32
      %rem3A_22 = arith.remsi %scan3A_21, %rem3A : i32
      %scan3A_23 = arith.constant 0 : i32
      %scan3A_24 = arith.constant 0 : i32
      %scan3A_25 = arith.constant 8 : i32
      %scan3A_26 = arith.addi %scan3A_24, %scan3A_25 : i32
      %scan3A_27 = arith.constant 1 : i32
      scf.for %scan3A_45 = %scan3A_24 to %scan3A_26 step %scan3A_27  : i32 {
        %mul3A_46 = arith.constant 4 : i32
        %mul3A_47 = arith.muli %scan3A_45, %mul3A_46 : i32
        %add3A_48 = arith.constant 0 : i32
        %add3A_49 = arith.addi %mul3A_47, %add3A_48 : i32
        %mul3A_50 = arith.constant 10240 : i32
        %mul3A_51 = arith.muli %add3A_49, %mul3A_50 : i32
        %dma_start3A = arith.constant 0 : i32
        %dma_start3A_52 = arith.constant 0 : i32
        %dma_start3A_53 = tpu.memref_slice %arg10[%rem3A_22, %dma_start3A, %dma_start3A_52] : memref<2x32x128xf32, #tpu.memory_space<vmem>> -> memref<1x32x128xf32, #tpu.memory_space<vmem>>
        %dma_start3A_54 = tpu.memref_squeeze %dma_start3A_53 : memref<1x32x128xf32, #tpu.memory_space<vmem>> -> memref<32x128xf32, #tpu.memory_space<vmem>>
        %dma_start3A_55 = arith.constant 0 : i32
        %dma_start3A_56 = tpu.memref_slice %dma_start3A_54[%add3A_49, %dma_start3A_55] : memref<32x128xf32, #tpu.memory_space<vmem>> -> memref<1x128xf32, #tpu.memory_space<vmem>>
        %dma_start3A_57 = tpu.memref_squeeze %dma_start3A_56 : memref<1x128xf32, #tpu.memory_space<vmem>> -> memref<128xf32, #tpu.memory_space<vmem>>
        %dma_start3A_58 = arith.constant 0 : i32
        %dma_start3A_59 = tpu.memref_slice %arg8[%scan3A_21, %dma_start3A_58] : memref<79x128xi32, #tpu.memory_space<vmem>> -> memref<1x128xi32, #tpu.memory_space<vmem>>
        %dma_start3A_60 = tpu.memref_squeeze %dma_start3A_59 : memref<1x128xi32, #tpu.memory_space<vmem>> -> memref<128xi32, #tpu.memory_space<vmem>>
        %dma_start3A_61 = tpu.memref_slice %arg11[%mul3A_51] : memref<655360xf32, #tpu.memory_space<vmem_shared>> -> memref<10240xf32, #tpu.memory_space<vmem_shared>>
        %dma_start3A_62 = arith.constant 0 : i32
        %dma_start3A_63 = tpu.memref_slice %dma_start3A_61[%dma_start3A_62] : memref<10240xf32, #tpu.memory_space<vmem_shared>> -> memref<10240xf32, #tpu.memory_space<vmem_shared>>
        tpu.enqueue_indirect_dma source(%dma_start3A_63 : memref<10240xf32, #tpu.memory_space<vmem_shared>>) target(%dma_start3A_57 : memref<128xf32, #tpu.memory_space<vmem>>) offsets(%dma_start3A_60 : memref<128xi32, #tpu.memory_space<vmem>>) semaphore(%arg12 : memref<!tpu.dma_semaphore, #tpu.memory_space<semaphore_mem>>)
        %mul3A_64 = arith.constant 4 : i32
        %mul3A_65 = arith.muli %scan3A_45, %mul3A_64 : i32
        %add3A_66 = arith.constant 1 : i32
        %add3A_67 = arith.addi %mul3A_65, %add3A_66 : i32
        %mul3A_68 = arith.constant 10240 : i32
        %mul3A_69 = arith.muli %add3A_67, %mul3A_68 : i32
        %dma_start3A_70 = arith.constant 0 : i32
        %dma_start3A_71 = arith.constant 0 : i32
        %dma_start3A_72 = tpu.memref_slice %arg10[%rem3A_22, %dma_start3A_70, %dma_start3A_71] : memref<2x32x128xf32, #tpu.memory_space<vmem>> -> memref<1x32x128xf32, #tpu.memory_space<vmem>>
        %dma_start3A_73 = tpu.memref_squeeze %dma_start3A_72 : memref<1x32x128xf32, #tpu.memory_space<vmem>> -> memref<32x128xf32, #tpu.memory_space<vmem>>
        %dma_start3A_74 = arith.constant 0 : i32
        %dma_start3A_75 = tpu.memref_slice %dma_start3A_73[%add3A_67, %dma_start3A_74] : memref<32x128xf32, #tpu.memory_space<vmem>> -> memref<1x128xf32, #tpu.memory_space<vmem>>
        %dma_start3A_76 = tpu.memref_squeeze %dma_start3A_75 : memref<1x128xf32, #tpu.memory_space<vmem>> -> memref<128xf32, #tpu.memory_space<vmem>>
        %dma_start3A_77 = arith.constant 0 : i32
        %dma_start3A_78 = tpu.memref_slice %arg8[%scan3A_21, %dma_start3A_77] : memref<79x128xi32, #tpu.memory_space<vmem>> -> memref<1x128xi32, #tpu.memory_space<vmem>>
        %dma_start3A_79 = tpu.memref_squeeze %dma_start3A_78 : memref<1x128xi32, #tpu.memory_space<vmem>> -> memref<128xi32, #tpu.memory_space<vmem>>
        %dma_start3A_80 = tpu.memref_slice %arg11[%mul3A_69] : memref<655360xf32, #tpu.memory_space<vmem_shared>> -> memref<10240xf32, #tpu.memory_space<vmem_shared>>
        %dma_start3A_81 = arith.constant 0 : i32
        %dma_start3A_82 = tpu.memref_slice %dma_start3A_80[%dma_start3A_81] : memref<10240xf32, #tpu.memory_space<vmem_shared>> -> memref<10240xf32, #tpu.memory_space<vmem_shared>>
        tpu.enqueue_indirect_dma source(%dma_start3A_82 : memref<10240xf32, #tpu.memory_space<vmem_shared>>) target(%dma_start3A_76 : memref<128xf32, #tpu.memory_space<vmem>>) offsets(%dma_start3A_79 : memref<128xi32, #tpu.memory_space<vmem>>) semaphore(%arg12 : memref<!tpu.dma_semaphore, #tpu.memory_space<semaphore_mem>>)
        %mul3A_83 = arith.constant 4 : i32
        %mul3A_84 = arith.muli %scan3A_45, %mul3A_83 : i32
        %add3A_85 = arith.constant 2 : i32
        %add3A_86 = arith.addi %mul3A_84, %add3A_85 : i32
        %mul3A_87 = arith.constant 10240 : i32
        %mul3A_88 = arith.muli %add3A_86, %mul3A_87 : i32
        %dma_start3A_89 = arith.constant 0 : i32
        %dma_start3A_90 = arith.constant 0 : i32
        %dma_start3A_91 = tpu.memref_slice %arg10[%rem3A_22, %dma_start3A_89, %dma_start3A_90] : memref<2x32x128xf32, #tpu.memory_space<vmem>> -> memref<1x32x128xf32, #tpu.memory_space<vmem>>
        %dma_start3A_92 = tpu.memref_squeeze %dma_start3A_91 : memref<1x32x128xf32, #tpu.memory_space<vmem>> -> memref<32x128xf32, #tpu.memory_space<vmem>>
        %dma_start3A_93 = arith.constant 0 : i32
        %dma_start3A_94 = tpu.memref_slice %dma_start3A_92[%add3A_86, %dma_start3A_93] : memref<32x128xf32, #tpu.memory_space<vmem>> -> memref<1x128xf32, #tpu.memory_space<vmem>>
        %dma_start3A_95 = tpu.memref_squeeze %dma_start3A_94 : memref<1x128xf32, #tpu.memory_space<vmem>> -> memref<128xf32, #tpu.memory_space<vmem>>
        %dma_start3A_96 = arith.constant 0 : i32
        %dma_start3A_97 = tpu.memref_slice %arg8[%scan3A_21, %dma_start3A_96] : memref<79x128xi32, #tpu.memory_space<vmem>> -> memref<1x128xi32, #tpu.memory_space<vmem>>
        %dma_start3A_98 = tpu.memref_squeeze %dma_start3A_97 : memref<1x128xi32, #tpu.memory_space<vmem>> -> memref<128xi32, #tpu.memory_space<vmem>>
        %dma_start3A_99 = tpu.memref_slice %arg11[%mul3A_88] : memref<655360xf32, #tpu.memory_space<vmem_shared>> -> memref<10240xf32, #tpu.memory_space<vmem_shared>>
        %dma_start3A_100 = arith.constant 0 : i32
        %dma_start3A_101 = tpu.memref_slice %dma_start3A_99[%dma_start3A_100] : memref<10240xf32, #tpu.memory_space<vmem_shared>> -> memref<10240xf32, #tpu.memory_space<vmem_shared>>
        tpu.enqueue_indirect_dma source(%dma_start3A_101 : memref<10240xf32, #tpu.memory_space<vmem_shared>>) target(%dma_start3A_95 : memref<128xf32, #tpu.memory_space<vmem>>) offsets(%dma_start3A_98 : memref<128xi32, #tpu.memory_space<vmem>>) semaphore(%arg12 : memref<!tpu.dma_semaphore, #tpu.memory_space<semaphore_mem>>)
        %mul3A_102 = arith.constant 4 : i32
        %mul3A_103 = arith.muli %scan3A_45, %mul3A_102 : i32
        %add3A_104 = arith.constant 3 : i32
        %add3A_105 = arith.addi %mul3A_103, %add3A_104 : i32
        %mul3A_106 = arith.constant 10240 : i32
        %mul3A_107 = arith.muli %add3A_105, %mul3A_106 : i32
        %dma_start3A_108 = arith.constant 0 : i32
        %dma_start3A_109 = arith.constant 0 : i32
        %dma_start3A_110 = tpu.memref_slice %arg10[%rem3A_22, %dma_start3A_108, %dma_start3A_109] : memref<2x32x128xf32, #tpu.memory_space<vmem>> -> memref<1x32x128xf32, #tpu.memory_space<vmem>>
        %dma_start3A_111 = tpu.memref_squeeze %dma_start3A_110 : memref<1x32x128xf32, #tpu.memory_space<vmem>> -> memref<32x128xf32, #tpu.memory_space<vmem>>
        %dma_start3A_112 = arith.constant 0 : i32
        %dma_start3A_113 = tpu.memref_slice %dma_start3A_111[%add3A_105, %dma_start3A_112] : memref<32x128xf32, #tpu.memory_space<vmem>> -> memref<1x128xf32, #tpu.memory_space<vmem>>
        %dma_start3A_114 = tpu.memref_squeeze %dma_start3A_113 : memref<1x128xf32, #tpu.memory_space<vmem>> -> memref<128xf32, #tpu.memory_space<vmem>>
        %dma_start3A_115 = arith.constant 0 : i32
        %dma_start3A_116 = tpu.memref_slice %arg8[%scan3A_21, %dma_start3A_115] : memref<79x128xi32, #tpu.memory_space<vmem>> -> memref<1x128xi32, #tpu.memory_space<vmem>>
        %dma_start3A_117 = tpu.memref_squeeze %dma_start3A_116 : memref<1x128xi32, #tpu.memory_space<vmem>> -> memref<128xi32, #tpu.memory_space<vmem>>
        %dma_start3A_118 = tpu.memref_slice %arg11[%mul3A_107] : memref<655360xf32, #tpu.memory_space<vmem_shared>> -> memref<10240xf32, #tpu.memory_space<vmem_shared>>
        %dma_start3A_119 = arith.constant 0 : i32
        %dma_start3A_120 = tpu.memref_slice %dma_start3A_118[%dma_start3A_119] : memref<10240xf32, #tpu.memory_space<vmem_shared>> -> memref<10240xf32, #tpu.memory_space<vmem_shared>>
        tpu.enqueue_indirect_dma source(%dma_start3A_120 : memref<10240xf32, #tpu.memory_space<vmem_shared>>) target(%dma_start3A_114 : memref<128xf32, #tpu.memory_space<vmem>>) offsets(%dma_start3A_117 : memref<128xi32, #tpu.memory_space<vmem>>) semaphore(%arg12 : memref<!tpu.dma_semaphore, #tpu.memory_space<semaphore_mem>>)
      }
      %scan3A_28 = arith.constant 8 : i32
      %dma_wait3A_29 = arith.constant 0 : i32
      %dma_wait3A_30 = arith.constant 0 : i32
      %dma_wait3A_31 = tpu.memref_slice %arg10[%rem3A_22, %dma_wait3A_29, %dma_wait3A_30] : memref<2x32x128xf32, #tpu.memory_space<vmem>> -> memref<1x32x128xf32, #tpu.memory_space<vmem>>
      %dma_wait3A_32 = tpu.memref_squeeze %dma_wait3A_31 : memref<1x32x128xf32, #tpu.memory_space<vmem>> -> memref<32x128xf32, #tpu.memory_space<vmem>>
      %dma_wait3A_33 = arith.constant 0 : i32
      %dma_wait3A_34 = arith.constant 0 : i32
      %dma_wait3A_35 = tpu.memref_slice %arg10[%rem3A_22, %dma_wait3A_33, %dma_wait3A_34] : memref<2x32x128xf32, #tpu.memory_space<vmem>> -> memref<1x32x128xf32, #tpu.memory_space<vmem>>
      %dma_wait3A_36 = tpu.memref_squeeze %dma_wait3A_35 : memref<1x32x128xf32, #tpu.memory_space<vmem>> -> memref<32x128xf32, #tpu.memory_space<vmem>>
      tpu.wait_dma2 semaphore(%arg12 : memref<!tpu.dma_semaphore, #tpu.memory_space<semaphore_mem>>) src(%arg6 : memref<32x128xf32, #tpu.memory_space<hbm>>) dst(%dma_wait3A_36 : memref<32x128xf32, #tpu.memory_space<vmem>>)
      %gt3A = arith.constant 0 : i32
      %gt3A_37 = arith.cmpi sgt, %scan3A_21, %gt3A : i32
      %convert_element_type3A = arith.extui %gt3A_37 : i1 to i32
      %cond3A = arith.constant 0 : i32
      %cond3A_38 = arith.cmpi ne, %convert_element_type3A, %cond3A : i32
      scf.if %cond3A_38 {
        %dma_wait3A_45 = arith.constant 0 : i32
        %dma_wait3A_46 = arith.constant 0 : i32
        %dma_wait3A_47 = tpu.memref_slice %arg10[%rem3A_22, %dma_wait3A_45, %dma_wait3A_46] : memref<2x32x128xf32, #tpu.memory_space<vmem>> -> memref<1x32x128xf32, #tpu.memory_space<vmem>>
        %dma_wait3A_48 = tpu.memref_squeeze %dma_wait3A_47 : memref<1x32x128xf32, #tpu.memory_space<vmem>> -> memref<32x128xf32, #tpu.memory_space<vmem>>
        %dma_wait3A_49 = arith.constant 0 : i32
        %dma_wait3A_50 = arith.constant 0 : i32
        %dma_wait3A_51 = tpu.memref_slice %arg10[%rem3A_22, %dma_wait3A_49, %dma_wait3A_50] : memref<2x32x128xf32, #tpu.memory_space<vmem>> -> memref<1x32x128xf32, #tpu.memory_space<vmem>>
        %dma_wait3A_52 = tpu.memref_squeeze %dma_wait3A_51 : memref<1x32x128xf32, #tpu.memory_space<vmem>> -> memref<32x128xf32, #tpu.memory_space<vmem>>
        tpu.wait_dma2 semaphore(%arg13 : memref<!tpu.dma_semaphore, #tpu.memory_space<semaphore_mem>>) src(%arg6 : memref<32x128xf32, #tpu.memory_space<hbm>>) dst(%dma_wait3A_52 : memref<32x128xf32, #tpu.memory_space<vmem>>)
      } else {
      }
      %scan3A_39 = arith.constant 0 : i32
      %scan3A_40 = arith.constant 0 : i32
      %scan3A_41 = arith.constant 8 : i32
      %scan3A_42 = arith.addi %scan3A_40, %scan3A_41 : i32
      %scan3A_43 = arith.constant 1 : i32
      scf.for %scan3A_45 = %scan3A_40 to %scan3A_42 step %scan3A_43  : i32 {
        %mul3A_46 = arith.constant 4 : i32
        %mul3A_47 = arith.muli %scan3A_45, %mul3A_46 : i32
        %add3A_48 = arith.constant 0 : i32
        %add3A_49 = arith.addi %mul3A_47, %add3A_48 : i32
        %mul3A_50 = arith.constant 10240 : i32
        %mul3A_51 = arith.muli %add3A_49, %mul3A_50 : i32
        %add3A_52 = arith.constant 327680 : i32
        %add3A_53 = arith.addi %add3A_52, %mul3A_51 : i32
        %dma_start3A = arith.constant 0 : i32
        %dma_start3A_54 = arith.constant 0 : i32
        %dma_start3A_55 = tpu.memref_slice %arg10[%rem3A_22, %dma_start3A, %dma_start3A_54] : memref<2x32x128xf32, #tpu.memory_space<vmem>> -> memref<1x32x128xf32, #tpu.memory_space<vmem>>
        %dma_start3A_56 = tpu.memref_squeeze %dma_start3A_55 : memref<1x32x128xf32, #tpu.memory_space<vmem>> -> memref<32x128xf32, #tpu.memory_space<vmem>>
        %dma_start3A_57 = arith.constant 0 : i32
        %dma_start3A_58 = tpu.memref_slice %dma_start3A_56[%add3A_49, %dma_start3A_57] : memref<32x128xf32, #tpu.memory_space<vmem>> -> memref<1x128xf32, #tpu.memory_space<vmem>>
        %dma_start3A_59 = tpu.memref_squeeze %dma_start3A_58 : memref<1x128xf32, #tpu.memory_space<vmem>> -> memref<128xf32, #tpu.memory_space<vmem>>
        %dma_start3A_60 = arith.constant 0 : i32
        %dma_start3A_61 = tpu.memref_slice %arg9[%scan3A_21, %dma_start3A_60] : memref<79x128xi32, #tpu.memory_space<vmem>> -> memref<1x128xi32, #tpu.memory_space<vmem>>
        %dma_start3A_62 = tpu.memref_squeeze %dma_start3A_61 : memref<1x128xi32, #tpu.memory_space<vmem>> -> memref<128xi32, #tpu.memory_space<vmem>>
        %dma_start3A_63 = tpu.memref_slice %arg11[%add3A_53] : memref<655360xf32, #tpu.memory_space<vmem_shared>> -> memref<10240xf32, #tpu.memory_space<vmem_shared>>
        %dma_start3A_64 = arith.constant 0 : i32
        %dma_start3A_65 = tpu.memref_slice %dma_start3A_63[%dma_start3A_64] : memref<10240xf32, #tpu.memory_space<vmem_shared>> -> memref<10240xf32, #tpu.memory_space<vmem_shared>>
        tpu.enqueue_indirect_dma source(%dma_start3A_59 : memref<128xf32, #tpu.memory_space<vmem>>) target(%dma_start3A_65 : memref<10240xf32, #tpu.memory_space<vmem_shared>>) offsets(%dma_start3A_62 : memref<128xi32, #tpu.memory_space<vmem>>) semaphore(%arg13 : memref<!tpu.dma_semaphore, #tpu.memory_space<semaphore_mem>>) {add = true}
        %mul3A_66 = arith.constant 4 : i32
        %mul3A_67 = arith.muli %scan3A_45, %mul3A_66 : i32
        %add3A_68 = arith.constant 1 : i32
        %add3A_69 = arith.addi %mul3A_67, %add3A_68 : i32
        %mul3A_70 = arith.constant 10240 : i32
        %mul3A_71 = arith.muli %add3A_69, %mul3A_70 : i32
        %add3A_72 = arith.constant 327680 : i32
        %add3A_73 = arith.addi %add3A_72, %mul3A_71 : i32
        %dma_start3A_74 = arith.constant 0 : i32
        %dma_start3A_75 = arith.constant 0 : i32
        %dma_start3A_76 = tpu.memref_slice %arg10[%rem3A_22, %dma_start3A_74, %dma_start3A_75] : memref<2x32x128xf32, #tpu.memory_space<vmem>> -> memref<1x32x128xf32, #tpu.memory_space<vmem>>
        %dma_start3A_77 = tpu.memref_squeeze %dma_start3A_76 : memref<1x32x128xf32, #tpu.memory_space<vmem>> -> memref<32x128xf32, #tpu.memory_space<vmem>>
        %dma_start3A_78 = arith.constant 0 : i32
        %dma_start3A_79 = tpu.memref_slice %dma_start3A_77[%add3A_69, %dma_start3A_78] : memref<32x128xf32, #tpu.memory_space<vmem>> -> memref<1x128xf32, #tpu.memory_space<vmem>>
        %dma_start3A_80 = tpu.memref_squeeze %dma_start3A_79 : memref<1x128xf32, #tpu.memory_space<vmem>> -> memref<128xf32, #tpu.memory_space<vmem>>
        %dma_start3A_81 = arith.constant 0 : i32
        %dma_start3A_82 = tpu.memref_slice %arg9[%scan3A_21, %dma_start3A_81] : memref<79x128xi32, #tpu.memory_space<vmem>> -> memref<1x128xi32, #tpu.memory_space<vmem>>
        %dma_start3A_83 = tpu.memref_squeeze %dma_start3A_82 : memref<1x128xi32, #tpu.memory_space<vmem>> -> memref<128xi32, #tpu.memory_space<vmem>>
        %dma_start3A_84 = tpu.memref_slice %arg11[%add3A_73] : memref<655360xf32, #tpu.memory_space<vmem_shared>> -> memref<10240xf32, #tpu.memory_space<vmem_shared>>
        %dma_start3A_85 = arith.constant 0 : i32
        %dma_start3A_86 = tpu.memref_slice %dma_start3A_84[%dma_start3A_85] : memref<10240xf32, #tpu.memory_space<vmem_shared>> -> memref<10240xf32, #tpu.memory_space<vmem_shared>>
        tpu.enqueue_indirect_dma source(%dma_start3A_80 : memref<128xf32, #tpu.memory_space<vmem>>) target(%dma_start3A_86 : memref<10240xf32, #tpu.memory_space<vmem_shared>>) offsets(%dma_start3A_83 : memref<128xi32, #tpu.memory_space<vmem>>) semaphore(%arg13 : memref<!tpu.dma_semaphore, #tpu.memory_space<semaphore_mem>>) {add = true}
        %mul3A_87 = arith.constant 4 : i32
        %mul3A_88 = arith.muli %scan3A_45, %mul3A_87 : i32
        %add3A_89 = arith.constant 2 : i32
        %add3A_90 = arith.addi %mul3A_88, %add3A_89 : i32
        %mul3A_91 = arith.constant 10240 : i32
        %mul3A_92 = arith.muli %add3A_90, %mul3A_91 : i32
        %add3A_93 = arith.constant 327680 : i32
        %add3A_94 = arith.addi %add3A_93, %mul3A_92 : i32
        %dma_start3A_95 = arith.constant 0 : i32
        %dma_start3A_96 = arith.constant 0 : i32
        %dma_start3A_97 = tpu.memref_slice %arg10[%rem3A_22, %dma_start3A_95, %dma_start3A_96] : memref<2x32x128xf32, #tpu.memory_space<vmem>> -> memref<1x32x128xf32, #tpu.memory_space<vmem>>
        %dma_start3A_98 = tpu.memref_squeeze %dma_start3A_97 : memref<1x32x128xf32, #tpu.memory_space<vmem>> -> memref<32x128xf32, #tpu.memory_space<vmem>>
        %dma_start3A_99 = arith.constant 0 : i32
        %dma_start3A_100 = tpu.memref_slice %dma_start3A_98[%add3A_90, %dma_start3A_99] : memref<32x128xf32, #tpu.memory_space<vmem>> -> memref<1x128xf32, #tpu.memory_space<vmem>>
        %dma_start3A_101 = tpu.memref_squeeze %dma_start3A_100 : memref<1x128xf32, #tpu.memory_space<vmem>> -> memref<128xf32, #tpu.memory_space<vmem>>
        %dma_start3A_102 = arith.constant 0 : i32
        %dma_start3A_103 = tpu.memref_slice %arg9[%scan3A_21, %dma_start3A_102] : memref<79x128xi32, #tpu.memory_space<vmem>> -> memref<1x128xi32, #tpu.memory_space<vmem>>
        %dma_start3A_104 = tpu.memref_squeeze %dma_start3A_103 : memref<1x128xi32, #tpu.memory_space<vmem>> -> memref<128xi32, #tpu.memory_space<vmem>>
        %dma_start3A_105 = tpu.memref_slice %arg11[%add3A_94] : memref<655360xf32, #tpu.memory_space<vmem_shared>> -> memref<10240xf32, #tpu.memory_space<vmem_shared>>
        %dma_start3A_106 = arith.constant 0 : i32
        %dma_start3A_107 = tpu.memref_slice %dma_start3A_105[%dma_start3A_106] : memref<10240xf32, #tpu.memory_space<vmem_shared>> -> memref<10240xf32, #tpu.memory_space<vmem_shared>>
        tpu.enqueue_indirect_dma source(%dma_start3A_101 : memref<128xf32, #tpu.memory_space<vmem>>) target(%dma_start3A_107 : memref<10240xf32, #tpu.memory_space<vmem_shared>>) offsets(%dma_start3A_104 : memref<128xi32, #tpu.memory_space<vmem>>) semaphore(%arg13 : memref<!tpu.dma_semaphore, #tpu.memory_space<semaphore_mem>>) {add = true}
        %mul3A_108 = arith.constant 4 : i32
        %mul3A_109 = arith.muli %scan3A_45, %mul3A_108 : i32
        %add3A_110 = arith.constant 3 : i32
        %add3A_111 = arith.addi %mul3A_109, %add3A_110 : i32
        %mul3A_112 = arith.constant 10240 : i32
        %mul3A_113 = arith.muli %add3A_111, %mul3A_112 : i32
        %add3A_114 = arith.constant 327680 : i32
        %add3A_115 = arith.addi %add3A_114, %mul3A_113 : i32
        %dma_start3A_116 = arith.constant 0 : i32
        %dma_start3A_117 = arith.constant 0 : i32
        %dma_start3A_118 = tpu.memref_slice %arg10[%rem3A_22, %dma_start3A_116, %dma_start3A_117] : memref<2x32x128xf32, #tpu.memory_space<vmem>> -> memref<1x32x128xf32, #tpu.memory_space<vmem>>
        %dma_start3A_119 = tpu.memref_squeeze %dma_start3A_118 : memref<1x32x128xf32, #tpu.memory_space<vmem>> -> memref<32x128xf32, #tpu.memory_space<vmem>>
        %dma_start3A_120 = arith.constant 0 : i32
        %dma_start3A_121 = tpu.memref_slice %dma_start3A_119[%add3A_111, %dma_start3A_120] : memref<32x128xf32, #tpu.memory_space<vmem>> -> memref<1x128xf32, #tpu.memory_space<vmem>>
        %dma_start3A_122 = tpu.memref_squeeze %dma_start3A_121 : memref<1x128xf32, #tpu.memory_space<vmem>> -> memref<128xf32, #tpu.memory_space<vmem>>
        %dma_start3A_123 = arith.constant 0 : i32
        %dma_start3A_124 = tpu.memref_slice %arg9[%scan3A_21, %dma_start3A_123] : memref<79x128xi32, #tpu.memory_space<vmem>> -> memref<1x128xi32, #tpu.memory_space<vmem>>
        %dma_start3A_125 = tpu.memref_squeeze %dma_start3A_124 : memref<1x128xi32, #tpu.memory_space<vmem>> -> memref<128xi32, #tpu.memory_space<vmem>>
        %dma_start3A_126 = tpu.memref_slice %arg11[%add3A_115] : memref<655360xf32, #tpu.memory_space<vmem_shared>> -> memref<10240xf32, #tpu.memory_space<vmem_shared>>
        %dma_start3A_127 = arith.constant 0 : i32
        %dma_start3A_128 = tpu.memref_slice %dma_start3A_126[%dma_start3A_127] : memref<10240xf32, #tpu.memory_space<vmem_shared>> -> memref<10240xf32, #tpu.memory_space<vmem_shared>>
        tpu.enqueue_indirect_dma source(%dma_start3A_122 : memref<128xf32, #tpu.memory_space<vmem>>) target(%dma_start3A_128 : memref<10240xf32, #tpu.memory_space<vmem_shared>>) offsets(%dma_start3A_125 : memref<128xi32, #tpu.memory_space<vmem>>) semaphore(%arg13 : memref<!tpu.dma_semaphore, #tpu.memory_space<semaphore_mem>>) {add = true}
      }
      %scan3A_44 = arith.constant 8 : i32
    }
    %scan3A_9 = arith.constant 79 : i32
    %dma_wait3A = arith.constant 0 : i32
    %dma_wait3A_10 = arith.constant 0 : i32
    %dma_wait3A_11 = arith.constant 0 : i32
    %dma_wait3A_12 = tpu.memref_slice %arg10[%dma_wait3A, %dma_wait3A_10, %dma_wait3A_11] : memref<2x32x128xf32, #tpu.memory_space<vmem>> -> memref<1x32x128xf32, #tpu.memory_space<vmem>>
    %dma_wait3A_13 = tpu.memref_squeeze %dma_wait3A_12 : memref<1x32x128xf32, #tpu.memory_space<vmem>> -> memref<32x128xf32, #tpu.memory_space<vmem>>
    %dma_wait3A_14 = arith.constant 0 : i32
    %dma_wait3A_15 = arith.constant 0 : i32
    %dma_wait3A_16 = tpu.memref_slice %arg10[%dma_wait3A, %dma_wait3A_14, %dma_wait3A_15] : memref<2x32x128xf32, #tpu.memory_space<vmem>> -> memref<1x32x128xf32, #tpu.memory_space<vmem>>
    %dma_wait3A_17 = tpu.memref_squeeze %dma_wait3A_16 : memref<1x32x128xf32, #tpu.memory_space<vmem>> -> memref<32x128xf32, #tpu.memory_space<vmem>>
    tpu.wait_dma2 semaphore(%arg13 : memref<!tpu.dma_semaphore, #tpu.memory_space<semaphore_mem>>) src(%arg6 : memref<32x128xf32, #tpu.memory_space<hbm>>) dst(%dma_wait3A_17 : memref<32x128xf32, #tpu.memory_space<vmem>>)
    %barrier3A_18 = arith.constant 0 : index
    tpu.barrier barrier_id(%barrier3A_18)
    %add3A_19 = arith.constant 327680 : i32
    %add3A_20 = arith.addi %add3A_19, %mul3A_2 : i32
    "tpu.region"() ({
      %run_scoped3A = tpu.sem_alloc : memref<!tpu.dma_semaphore, #tpu.memory_space<semaphore_mem>>
      %dma_start3A = tpu.memref_slice %arg7[%arg0, %mul3A_2] : memref<2x327680xf32, #tpu.memory_space<hbm>> -> memref<1x20480xf32, #tpu.memory_space<hbm>>
      %dma_start3A_21 = tpu.memref_squeeze %dma_start3A : memref<1x20480xf32, #tpu.memory_space<hbm>> -> memref<20480xf32, #tpu.memory_space<hbm>>
      %dma_start3A_22 = tpu.memref_slice %arg11[%add3A_20] : memref<655360xf32, #tpu.memory_space<vmem_shared>> -> memref<20480xf32, #tpu.memory_space<vmem_shared>>
      tpu.enqueue_dma source(%dma_start3A_22 : memref<20480xf32, #tpu.memory_space<vmem_shared>>) target(%dma_start3A_21 : memref<20480xf32, #tpu.memory_space<hbm>>) target_semaphore(%run_scoped3A : memref<!tpu.dma_semaphore, #tpu.memory_space<semaphore_mem>>)
      %dma_wait3A_23 = tpu.memref_slice %arg7[%arg0, %mul3A_2] : memref<2x327680xf32, #tpu.memory_space<hbm>> -> memref<1x20480xf32, #tpu.memory_space<hbm>>
      %dma_wait3A_24 = tpu.memref_squeeze %dma_wait3A_23 : memref<1x20480xf32, #tpu.memory_space<hbm>> -> memref<20480xf32, #tpu.memory_space<hbm>>
      %dma_wait3A_25 = tpu.memref_slice %arg11[%add3A_20] : memref<655360xf32, #tpu.memory_space<vmem_shared>> -> memref<20480xf32, #tpu.memory_space<vmem_shared>>
      tpu.wait_dma2 semaphore(%run_scoped3A : memref<!tpu.dma_semaphore, #tpu.memory_space<semaphore_mem>>) src(%dma_wait3A_25 : memref<20480xf32, #tpu.memory_space<vmem_shared>>) dst(%dma_wait3A_24 : memref<20480xf32, #tpu.memory_space<hbm>>)
      tpu.yield
    }) : () -> ()
    return
  }
}

#map = affine_map<(d0, d1) -> (0, 0, 0)>
#map1 = affine_map<(d0, d1) -> (0)>
#map2 = affine_map<(d0, d1) -> (0, 0)>
module attributes {stable_mosaic.version = 14 : i64} {
  func.func @_spmm_body(%arg0: i32, %arg1: i32, %arg2: memref<32x79x128xi32, #tpu.memory_space<hbm>>, %arg3: memref<32x79x128xi32, #tpu.memory_space<hbm>>, %arg4: memref<327680xf32, #tpu.memory_space<hbm>>, %arg5: memref<20480xf32, #tpu.memory_space<hbm>>, %arg6: memref<32x128xf32, #tpu.memory_space<hbm>>, %arg7: memref<2x327680xf32, #tpu.memory_space<hbm>>, %arg8: memref<79x128xi32, #tpu.memory_space<vmem>>, %arg9: memref<79x128xi32, #tpu.memory_space<vmem>>, %arg10: memref<2x32x128xf32, #tpu.memory_space<vmem>>, %arg11: memref<655360xf32, #tpu.memory_space<vmem_shared>>, %arg12: memref<!tpu.dma_semaphore, #tpu.memory_space<semaphore_mem>>, %arg13: memref<!tpu.dma_semaphore, #tpu.memory_space<semaphore_mem>>) attributes {dimension_semantics = [#tpu.dimension_semantics<core_parallel>, #tpu.dimension_semantics<subcore_parallel>], iteration_bounds = array<i64: 2, 16>, scalar_prefetch = 0 : i64, scratch_operands = 6 : i64, tpu.core_type = #tpu.core_type<sc_vector_subcore>, window_params = [{transform_indices = #map}, {transform_indices = #map}, {transform_indices = #map1}, {transform_indices = #map1}, {transform_indices = #map2}, {transform_indices = #map2}]} {
    %mul3A = arith.constant 2 : i32
    %mul3A_0 = arith.muli %arg1, %mul3A : i32
    %add3A = arith.addi %mul3A_0, %arg0 : i32
    "tpu.region"() ({
      %run_scoped3A = tpu.sem_alloc : memref<!tpu.dma_semaphore, #tpu.memory_space<semaphore_mem>>
      %dma_start3A = arith.constant 0 : i32
      %dma_start3A_21 = arith.constant 0 : i32
      %dma_start3A_22 = tpu.memref_slice %arg2[%add3A, %dma_start3A, %dma_start3A_21] : memref<32x79x128xi32, #tpu.memory_space<hbm>> -> memref<1x79x128xi32, #tpu.memory_space<hbm>>
      %dma_start3A_23 = tpu.memref_squeeze %dma_start3A_22 : memref<1x79x128xi32, #tpu.memory_space<hbm>> -> memref<79x128xi32, #tpu.memory_space<hbm>>
      %dma_start3A_24 = arith.constant 0 : i32
      %dma_start3A_25 = arith.constant 0 : i32
      %dma_start3A_26 = tpu.memref_slice %arg2[%add3A, %dma_start3A_24, %dma_start3A_25] : memref<32x79x128xi32, #tpu.memory_space<hbm>> -> memref<1x79x128xi32, #tpu.memory_space<hbm>>
      %dma_start3A_27 = tpu.memref_squeeze %dma_start3A_26 : memref<1x79x128xi32, #tpu.memory_space<hbm>> -> memref<79x128xi32, #tpu.memory_space<hbm>>
      tpu.enqueue_dma source(%dma_start3A_27 : memref<79x128xi32, #tpu.memory_space<hbm>>) target(%arg8 : memref<79x128xi32, #tpu.memory_space<vmem>>) target_semaphore(%run_scoped3A : memref<!tpu.dma_semaphore, #tpu.memory_space<semaphore_mem>>)
      %dma_wait3A_28 = arith.constant 0 : i32
      %dma_wait3A_29 = arith.constant 0 : i32
      %dma_wait3A_30 = tpu.memref_slice %arg2[%add3A, %dma_wait3A_28, %dma_wait3A_29] : memref<32x79x128xi32, #tpu.memory_space<hbm>> -> memref<1x79x128xi32, #tpu.memory_space<hbm>>
      %dma_wait3A_31 = tpu.memref_squeeze %dma_wait3A_30 : memref<1x79x128xi32, #tpu.memory_space<hbm>> -> memref<79x128xi32, #tpu.memory_space<hbm>>
      %dma_wait3A_32 = arith.constant 0 : i32
      %dma_wait3A_33 = arith.constant 0 : i32
      %dma_wait3A_34 = tpu.memref_slice %arg2[%add3A, %dma_wait3A_32, %dma_wait3A_33] : memref<32x79x128xi32, #tpu.memory_space<hbm>> -> memref<1x79x128xi32, #tpu.memory_space<hbm>>
      %dma_wait3A_35 = tpu.memref_squeeze %dma_wait3A_34 : memref<1x79x128xi32, #tpu.memory_space<hbm>> -> memref<79x128xi32, #tpu.memory_space<hbm>>
      tpu.wait_dma2 semaphore(%run_scoped3A : memref<!tpu.dma_semaphore, #tpu.memory_space<semaphore_mem>>) src(%dma_wait3A_35 : memref<79x128xi32, #tpu.memory_space<hbm>>) dst(%arg8 : memref<79x128xi32, #tpu.memory_space<vmem>>)
      tpu.yield
    }) : () -> ()
    "tpu.region"() ({
      %run_scoped3A = tpu.sem_alloc : memref<!tpu.dma_semaphore, #tpu.memory_space<semaphore_mem>>
      %dma_start3A = arith.constant 0 : i32
      %dma_start3A_21 = arith.constant 0 : i32
      %dma_start3A_22 = tpu.memref_slice %arg3[%add3A, %dma_start3A, %dma_start3A_21] : memref<32x79x128xi32, #tpu.memory_space<hbm>> -> memref<1x79x128xi32, #tpu.memory_space<hbm>>
      %dma_start3A_23 = tpu.memref_squeeze %dma_start3A_22 : memref<1x79x128xi32, #tpu.memory_space<hbm>> -> memref<79x128xi32, #tpu.memory_space<hbm>>
      %dma_start3A_24 = arith.constant 0 : i32
      %dma_start3A_25 = arith.constant 0 : i32
      %dma_start3A_26 = tpu.memref_slice %arg3[%add3A, %dma_start3A_24, %dma_start3A_25] : memref<32x79x128xi32, #tpu.memory_space<hbm>> -> memref<1x79x128xi32, #tpu.memory_space<hbm>>
      %dma_start3A_27 = tpu.memref_squeeze %dma_start3A_26 : memref<1x79x128xi32, #tpu.memory_space<hbm>> -> memref<79x128xi32, #tpu.memory_space<hbm>>
      tpu.enqueue_dma source(%dma_start3A_27 : memref<79x128xi32, #tpu.memory_space<hbm>>) target(%arg9 : memref<79x128xi32, #tpu.memory_space<vmem>>) target_semaphore(%run_scoped3A : memref<!tpu.dma_semaphore, #tpu.memory_space<semaphore_mem>>)
      %dma_wait3A_28 = arith.constant 0 : i32
      %dma_wait3A_29 = arith.constant 0 : i32
      %dma_wait3A_30 = tpu.memref_slice %arg3[%add3A, %dma_wait3A_28, %dma_wait3A_29] : memref<32x79x128xi32, #tpu.memory_space<hbm>> -> memref<1x79x128xi32, #tpu.memory_space<hbm>>
      %dma_wait3A_31 = tpu.memref_squeeze %dma_wait3A_30 : memref<1x79x128xi32, #tpu.memory_space<hbm>> -> memref<79x128xi32, #tpu.memory_space<hbm>>
      %dma_wait3A_32 = arith.constant 0 : i32
      %dma_wait3A_33 = arith.constant 0 : i32
      %dma_wait3A_34 = tpu.memref_slice %arg3[%add3A, %dma_wait3A_32, %dma_wait3A_33] : memref<32x79x128xi32, #tpu.memory_space<hbm>> -> memref<1x79x128xi32, #tpu.memory_space<hbm>>
      %dma_wait3A_35 = tpu.memref_squeeze %dma_wait3A_34 : memref<1x79x128xi32, #tpu.memory_space<hbm>> -> memref<79x128xi32, #tpu.memory_space<hbm>>
      tpu.wait_dma2 semaphore(%run_scoped3A : memref<!tpu.dma_semaphore, #tpu.memory_space<semaphore_mem>>) src(%dma_wait3A_35 : memref<79x128xi32, #tpu.memory_space<hbm>>) dst(%arg9 : memref<79x128xi32, #tpu.memory_space<vmem>>)
      tpu.yield
    }) : () -> ()
    %mul3A_1 = arith.constant 20480 : i32
    %mul3A_2 = arith.muli %arg1, %mul3A_1 : i32
    "tpu.region"() ({
      %run_scoped3A = tpu.sem_alloc : memref<!tpu.dma_semaphore, #tpu.memory_space<semaphore_mem>>
      %dma_start3A = tpu.memref_slice %arg11[%mul3A_2] : memref<655360xf32, #tpu.memory_space<vmem_shared>> -> memref<20480xf32, #tpu.memory_space<vmem_shared>>
      %dma_start3A_21 = tpu.memref_slice %arg4[%mul3A_2] : memref<327680xf32, #tpu.memory_space<hbm>> -> memref<20480xf32, #tpu.memory_space<hbm>>
      tpu.enqueue_dma source(%dma_start3A_21 : memref<20480xf32, #tpu.memory_space<hbm>>) target(%dma_start3A : memref<20480xf32, #tpu.memory_space<vmem_shared>>) target_semaphore(%run_scoped3A : memref<!tpu.dma_semaphore, #tpu.memory_space<semaphore_mem>>)
      %dma_wait3A_22 = tpu.memref_slice %arg11[%mul3A_2] : memref<655360xf32, #tpu.memory_space<vmem_shared>> -> memref<20480xf32, #tpu.memory_space<vmem_shared>>
      %dma_wait3A_23 = tpu.memref_slice %arg4[%mul3A_2] : memref<327680xf32, #tpu.memory_space<hbm>> -> memref<20480xf32, #tpu.memory_space<hbm>>
      tpu.wait_dma2 semaphore(%run_scoped3A : memref<!tpu.dma_semaphore, #tpu.memory_space<semaphore_mem>>) src(%dma_wait3A_23 : memref<20480xf32, #tpu.memory_space<hbm>>) dst(%dma_wait3A_22 : memref<20480xf32, #tpu.memory_space<vmem_shared>>)
      tpu.yield
    }) : () -> ()
    %add3A_3 = arith.constant 327680 : i32
    %add3A_4 = arith.addi %add3A_3, %mul3A_2 : i32
    "tpu.region"() ({
      %run_scoped3A = tpu.sem_alloc : memref<!tpu.dma_semaphore, #tpu.memory_space<semaphore_mem>>
      %dma_start3A = tpu.memref_slice %arg11[%add3A_4] : memref<655360xf32, #tpu.memory_space<vmem_shared>> -> memref<20480xf32, #tpu.memory_space<vmem_shared>>
      tpu.enqueue_dma source(%arg5 : memref<20480xf32, #tpu.memory_space<hbm>>) target(%dma_start3A : memref<20480xf32, #tpu.memory_space<vmem_shared>>) target_semaphore(%run_scoped3A : memref<!tpu.dma_semaphore, #tpu.memory_space<semaphore_mem>>)
      %dma_wait3A_21 = tpu.memref_slice %arg11[%add3A_4] : memref<655360xf32, #tpu.memory_space<vmem_shared>> -> memref<20480xf32, #tpu.memory_space<vmem_shared>>
      tpu.wait_dma2 semaphore(%run_scoped3A : memref<!tpu.dma_semaphore, #tpu.memory_space<semaphore_mem>>) src(%arg5 : memref<20480xf32, #tpu.memory_space<hbm>>) dst(%dma_wait3A_21 : memref<20480xf32, #tpu.memory_space<vmem_shared>>)
      tpu.yield
    }) : () -> ()
    %barrier3A = arith.constant 0 : index
    tpu.barrier barrier_id(%barrier3A)
    %scan3A = arith.constant 0 : i32
    %scan3A_5 = arith.constant 0 : i32
    %scan3A_6 = arith.constant 79 : i32
    %scan3A_7 = arith.addi %scan3A_5, %scan3A_6 : i32
    %scan3A_8 = arith.constant 1 : i32
    scf.for %scan3A_21 = %scan3A_5 to %scan3A_7 step %scan3A_8  : i32 {
      %rem3A = arith.constant 2 : i32
      %rem3A_22 = arith.remsi %scan3A_21, %rem3A : i32
      %scan3A_23 = arith.constant 0 : i32
      %scan3A_24 = arith.constant 0 : i32
      %scan3A_25 = arith.constant 8 : i32
      %scan3A_26 = arith.addi %scan3A_24, %scan3A_25 : i32
      %scan3A_27 = arith.constant 1 : i32
      scf.for %scan3A_45 = %scan3A_24 to %scan3A_26 step %scan3A_27  : i32 {
        %mul3A_46 = arith.constant 4 : i32
        %mul3A_47 = arith.muli %scan3A_45, %mul3A_46 : i32
        %add3A_48 = arith.constant 0 : i32
        %add3A_49 = arith.addi %mul3A_47, %add3A_48 : i32
        %mul3A_50 = arith.constant 10240 : i32
        %mul3A_51 = arith.muli %add3A_49, %mul3A_50 : i32
        %dma_start3A = arith.constant 0 : i32
        %dma_start3A_52 = arith.constant 0 : i32
        %dma_start3A_53 = tpu.memref_slice %arg10[%rem3A_22, %dma_start3A, %dma_start3A_52] : memref<2x32x128xf32, #tpu.memory_space<vmem>> -> memref<1x32x128xf32, #tpu.memory_space<vmem>>
        %dma_start3A_54 = tpu.memref_squeeze %dma_start3A_53 : memref<1x32x128xf32, #tpu.memory_space<vmem>> -> memref<32x128xf32, #tpu.memory_space<vmem>>
        %dma_start3A_55 = arith.constant 0 : i32
        %dma_start3A_56 = tpu.memref_slice %dma_start3A_54[%add3A_49, %dma_start3A_55] : memref<32x128xf32, #tpu.memory_space<vmem>> -> memref<1x128xf32, #tpu.memory_space<vmem>>
        %dma_start3A_57 = tpu.memref_squeeze %dma_start3A_56 : memref<1x128xf32, #tpu.memory_space<vmem>> -> memref<128xf32, #tpu.memory_space<vmem>>
        %dma_start3A_58 = arith.constant 0 : i32
        %dma_start3A_59 = tpu.memref_slice %arg8[%scan3A_21, %dma_start3A_58] : memref<79x128xi32, #tpu.memory_space<vmem>> -> memref<1x128xi32, #tpu.memory_space<vmem>>
        %dma_start3A_60 = tpu.memref_squeeze %dma_start3A_59 : memref<1x128xi32, #tpu.memory_space<vmem>> -> memref<128xi32, #tpu.memory_space<vmem>>
        %dma_start3A_61 = tpu.memref_slice %arg11[%mul3A_51] : memref<655360xf32, #tpu.memory_space<vmem_shared>> -> memref<10240xf32, #tpu.memory_space<vmem_shared>>
        %dma_start3A_62 = arith.constant 0 : i32
        %dma_start3A_63 = tpu.memref_slice %dma_start3A_61[%dma_start3A_62] : memref<10240xf32, #tpu.memory_space<vmem_shared>> -> memref<10240xf32, #tpu.memory_space<vmem_shared>>
        tpu.enqueue_indirect_dma source(%dma_start3A_63 : memref<10240xf32, #tpu.memory_space<vmem_shared>>) target(%dma_start3A_57 : memref<128xf32, #tpu.memory_space<vmem>>) offsets(%dma_start3A_60 : memref<128xi32, #tpu.memory_space<vmem>>) semaphore(%arg12 : memref<!tpu.dma_semaphore, #tpu.memory_space<semaphore_mem>>)
        %mul3A_64 = arith.constant 4 : i32
        %mul3A_65 = arith.muli %scan3A_45, %mul3A_64 : i32
        %add3A_66 = arith.constant 1 : i32
        %add3A_67 = arith.addi %mul3A_65, %add3A_66 : i32
        %mul3A_68 = arith.constant 10240 : i32
        %mul3A_69 = arith.muli %add3A_67, %mul3A_68 : i32
        %dma_start3A_70 = arith.constant 0 : i32
        %dma_start3A_71 = arith.constant 0 : i32
        %dma_start3A_72 = tpu.memref_slice %arg10[%rem3A_22, %dma_start3A_70, %dma_start3A_71] : memref<2x32x128xf32, #tpu.memory_space<vmem>> -> memref<1x32x128xf32, #tpu.memory_space<vmem>>
        %dma_start3A_73 = tpu.memref_squeeze %dma_start3A_72 : memref<1x32x128xf32, #tpu.memory_space<vmem>> -> memref<32x128xf32, #tpu.memory_space<vmem>>
        %dma_start3A_74 = arith.constant 0 : i32
        %dma_start3A_75 = tpu.memref_slice %dma_start3A_73[%add3A_67, %dma_start3A_74] : memref<32x128xf32, #tpu.memory_space<vmem>> -> memref<1x128xf32, #tpu.memory_space<vmem>>
        %dma_start3A_76 = tpu.memref_squeeze %dma_start3A_75 : memref<1x128xf32, #tpu.memory_space<vmem>> -> memref<128xf32, #tpu.memory_space<vmem>>
        %dma_start3A_77 = arith.constant 0 : i32
        %dma_start3A_78 = tpu.memref_slice %arg8[%scan3A_21, %dma_start3A_77] : memref<79x128xi32, #tpu.memory_space<vmem>> -> memref<1x128xi32, #tpu.memory_space<vmem>>
        %dma_start3A_79 = tpu.memref_squeeze %dma_start3A_78 : memref<1x128xi32, #tpu.memory_space<vmem>> -> memref<128xi32, #tpu.memory_space<vmem>>
        %dma_start3A_80 = tpu.memref_slice %arg11[%mul3A_69] : memref<655360xf32, #tpu.memory_space<vmem_shared>> -> memref<10240xf32, #tpu.memory_space<vmem_shared>>
        %dma_start3A_81 = arith.constant 0 : i32
        %dma_start3A_82 = tpu.memref_slice %dma_start3A_80[%dma_start3A_81] : memref<10240xf32, #tpu.memory_space<vmem_shared>> -> memref<10240xf32, #tpu.memory_space<vmem_shared>>
        tpu.enqueue_indirect_dma source(%dma_start3A_82 : memref<10240xf32, #tpu.memory_space<vmem_shared>>) target(%dma_start3A_76 : memref<128xf32, #tpu.memory_space<vmem>>) offsets(%dma_start3A_79 : memref<128xi32, #tpu.memory_space<vmem>>) semaphore(%arg12 : memref<!tpu.dma_semaphore, #tpu.memory_space<semaphore_mem>>)
        %mul3A_83 = arith.constant 4 : i32
        %mul3A_84 = arith.muli %scan3A_45, %mul3A_83 : i32
        %add3A_85 = arith.constant 2 : i32
        %add3A_86 = arith.addi %mul3A_84, %add3A_85 : i32
        %mul3A_87 = arith.constant 10240 : i32
        %mul3A_88 = arith.muli %add3A_86, %mul3A_87 : i32
        %dma_start3A_89 = arith.constant 0 : i32
        %dma_start3A_90 = arith.constant 0 : i32
        %dma_start3A_91 = tpu.memref_slice %arg10[%rem3A_22, %dma_start3A_89, %dma_start3A_90] : memref<2x32x128xf32, #tpu.memory_space<vmem>> -> memref<1x32x128xf32, #tpu.memory_space<vmem>>
        %dma_start3A_92 = tpu.memref_squeeze %dma_start3A_91 : memref<1x32x128xf32, #tpu.memory_space<vmem>> -> memref<32x128xf32, #tpu.memory_space<vmem>>
        %dma_start3A_93 = arith.constant 0 : i32
        %dma_start3A_94 = tpu.memref_slice %dma_start3A_92[%add3A_86, %dma_start3A_93] : memref<32x128xf32, #tpu.memory_space<vmem>> -> memref<1x128xf32, #tpu.memory_space<vmem>>
        %dma_start3A_95 = tpu.memref_squeeze %dma_start3A_94 : memref<1x128xf32, #tpu.memory_space<vmem>> -> memref<128xf32, #tpu.memory_space<vmem>>
        %dma_start3A_96 = arith.constant 0 : i32
        %dma_start3A_97 = tpu.memref_slice %arg8[%scan3A_21, %dma_start3A_96] : memref<79x128xi32, #tpu.memory_space<vmem>> -> memref<1x128xi32, #tpu.memory_space<vmem>>
        %dma_start3A_98 = tpu.memref_squeeze %dma_start3A_97 : memref<1x128xi32, #tpu.memory_space<vmem>> -> memref<128xi32, #tpu.memory_space<vmem>>
        %dma_start3A_99 = tpu.memref_slice %arg11[%mul3A_88] : memref<655360xf32, #tpu.memory_space<vmem_shared>> -> memref<10240xf32, #tpu.memory_space<vmem_shared>>
        %dma_start3A_100 = arith.constant 0 : i32
        %dma_start3A_101 = tpu.memref_slice %dma_start3A_99[%dma_start3A_100] : memref<10240xf32, #tpu.memory_space<vmem_shared>> -> memref<10240xf32, #tpu.memory_space<vmem_shared>>
        tpu.enqueue_indirect_dma source(%dma_start3A_101 : memref<10240xf32, #tpu.memory_space<vmem_shared>>) target(%dma_start3A_95 : memref<128xf32, #tpu.memory_space<vmem>>) offsets(%dma_start3A_98 : memref<128xi32, #tpu.memory_space<vmem>>) semaphore(%arg12 : memref<!tpu.dma_semaphore, #tpu.memory_space<semaphore_mem>>)
        %mul3A_102 = arith.constant 4 : i32
        %mul3A_103 = arith.muli %scan3A_45, %mul3A_102 : i32
        %add3A_104 = arith.constant 3 : i32
        %add3A_105 = arith.addi %mul3A_103, %add3A_104 : i32
        %mul3A_106 = arith.constant 10240 : i32
        %mul3A_107 = arith.muli %add3A_105, %mul3A_106 : i32
        %dma_start3A_108 = arith.constant 0 : i32
        %dma_start3A_109 = arith.constant 0 : i32
        %dma_start3A_110 = tpu.memref_slice %arg10[%rem3A_22, %dma_start3A_108, %dma_start3A_109] : memref<2x32x128xf32, #tpu.memory_space<vmem>> -> memref<1x32x128xf32, #tpu.memory_space<vmem>>
        %dma_start3A_111 = tpu.memref_squeeze %dma_start3A_110 : memref<1x32x128xf32, #tpu.memory_space<vmem>> -> memref<32x128xf32, #tpu.memory_space<vmem>>
        %dma_start3A_112 = arith.constant 0 : i32
        %dma_start3A_113 = tpu.memref_slice %dma_start3A_111[%add3A_105, %dma_start3A_112] : memref<32x128xf32, #tpu.memory_space<vmem>> -> memref<1x128xf32, #tpu.memory_space<vmem>>
        %dma_start3A_114 = tpu.memref_squeeze %dma_start3A_113 : memref<1x128xf32, #tpu.memory_space<vmem>> -> memref<128xf32, #tpu.memory_space<vmem>>
        %dma_start3A_115 = arith.constant 0 : i32
        %dma_start3A_116 = tpu.memref_slice %arg8[%scan3A_21, %dma_start3A_115] : memref<79x128xi32, #tpu.memory_space<vmem>> -> memref<1x128xi32, #tpu.memory_space<vmem>>
        %dma_start3A_117 = tpu.memref_squeeze %dma_start3A_116 : memref<1x128xi32, #tpu.memory_space<vmem>> -> memref<128xi32, #tpu.memory_space<vmem>>
        %dma_start3A_118 = tpu.memref_slice %arg11[%mul3A_107] : memref<655360xf32, #tpu.memory_space<vmem_shared>> -> memref<10240xf32, #tpu.memory_space<vmem_shared>>
        %dma_start3A_119 = arith.constant 0 : i32
        %dma_start3A_120 = tpu.memref_slice %dma_start3A_118[%dma_start3A_119] : memref<10240xf32, #tpu.memory_space<vmem_shared>> -> memref<10240xf32, #tpu.memory_space<vmem_shared>>
        tpu.enqueue_indirect_dma source(%dma_start3A_120 : memref<10240xf32, #tpu.memory_space<vmem_shared>>) target(%dma_start3A_114 : memref<128xf32, #tpu.memory_space<vmem>>) offsets(%dma_start3A_117 : memref<128xi32, #tpu.memory_space<vmem>>) semaphore(%arg12 : memref<!tpu.dma_semaphore, #tpu.memory_space<semaphore_mem>>)
      }
      %scan3A_28 = arith.constant 8 : i32
      %dma_wait3A_29 = arith.constant 0 : i32
      %dma_wait3A_30 = arith.constant 0 : i32
      %dma_wait3A_31 = tpu.memref_slice %arg10[%rem3A_22, %dma_wait3A_29, %dma_wait3A_30] : memref<2x32x128xf32, #tpu.memory_space<vmem>> -> memref<1x32x128xf32, #tpu.memory_space<vmem>>
      %dma_wait3A_32 = tpu.memref_squeeze %dma_wait3A_31 : memref<1x32x128xf32, #tpu.memory_space<vmem>> -> memref<32x128xf32, #tpu.memory_space<vmem>>
      %dma_wait3A_33 = arith.constant 0 : i32
      %dma_wait3A_34 = arith.constant 0 : i32
      %dma_wait3A_35 = tpu.memref_slice %arg10[%rem3A_22, %dma_wait3A_33, %dma_wait3A_34] : memref<2x32x128xf32, #tpu.memory_space<vmem>> -> memref<1x32x128xf32, #tpu.memory_space<vmem>>
      %dma_wait3A_36 = tpu.memref_squeeze %dma_wait3A_35 : memref<1x32x128xf32, #tpu.memory_space<vmem>> -> memref<32x128xf32, #tpu.memory_space<vmem>>
      tpu.wait_dma2 semaphore(%arg12 : memref<!tpu.dma_semaphore, #tpu.memory_space<semaphore_mem>>) src(%arg6 : memref<32x128xf32, #tpu.memory_space<hbm>>) dst(%dma_wait3A_36 : memref<32x128xf32, #tpu.memory_space<vmem>>)
      %gt3A = arith.constant 0 : i32
      %gt3A_37 = arith.cmpi sgt, %scan3A_21, %gt3A : i32
      %convert_element_type3A = arith.extui %gt3A_37 : i1 to i32
      %cond3A = arith.constant 0 : i32
      %cond3A_38 = arith.cmpi ne, %convert_element_type3A, %cond3A : i32
      scf.if %cond3A_38 {
        %dma_wait3A_45 = arith.constant 0 : i32
        %dma_wait3A_46 = arith.constant 0 : i32
        %dma_wait3A_47 = tpu.memref_slice %arg10[%rem3A_22, %dma_wait3A_45, %dma_wait3A_46] : memref<2x32x128xf32, #tpu.memory_space<vmem>> -> memref<1x32x128xf32, #tpu.memory_space<vmem>>
        %dma_wait3A_48 = tpu.memref_squeeze %dma_wait3A_47 : memref<1x32x128xf32, #tpu.memory_space<vmem>> -> memref<32x128xf32, #tpu.memory_space<vmem>>
        %dma_wait3A_49 = arith.constant 0 : i32
        %dma_wait3A_50 = arith.constant 0 : i32
        %dma_wait3A_51 = tpu.memref_slice %arg10[%rem3A_22, %dma_wait3A_49, %dma_wait3A_50] : memref<2x32x128xf32, #tpu.memory_space<vmem>> -> memref<1x32x128xf32, #tpu.memory_space<vmem>>
        %dma_wait3A_52 = tpu.memref_squeeze %dma_wait3A_51 : memref<1x32x128xf32, #tpu.memory_space<vmem>> -> memref<32x128xf32, #tpu.memory_space<vmem>>
        tpu.wait_dma2 semaphore(%arg13 : memref<!tpu.dma_semaphore, #tpu.memory_space<semaphore_mem>>) src(%arg6 : memref<32x128xf32, #tpu.memory_space<hbm>>) dst(%dma_wait3A_52 : memref<32x128xf32, #tpu.memory_space<vmem>>)
      } else {
      }
      %scan3A_39 = arith.constant 0 : i32
      %scan3A_40 = arith.constant 0 : i32
      %scan3A_41 = arith.constant 8 : i32
      %scan3A_42 = arith.addi %scan3A_40, %scan3A_41 : i32
      %scan3A_43 = arith.constant 1 : i32
      scf.for %scan3A_45 = %scan3A_40 to %scan3A_42 step %scan3A_43  : i32 {
        %mul3A_46 = arith.constant 4 : i32
        %mul3A_47 = arith.muli %scan3A_45, %mul3A_46 : i32
        %add3A_48 = arith.constant 0 : i32
        %add3A_49 = arith.addi %mul3A_47, %add3A_48 : i32
        %mul3A_50 = arith.constant 10240 : i32
        %mul3A_51 = arith.muli %add3A_49, %mul3A_50 : i32
        %add3A_52 = arith.constant 327680 : i32
        %add3A_53 = arith.addi %add3A_52, %mul3A_51 : i32
        %dma_start3A = arith.constant 0 : i32
        %dma_start3A_54 = arith.constant 0 : i32
        %dma_start3A_55 = tpu.memref_slice %arg10[%rem3A_22, %dma_start3A, %dma_start3A_54] : memref<2x32x128xf32, #tpu.memory_space<vmem>> -> memref<1x32x128xf32, #tpu.memory_space<vmem>>
        %dma_start3A_56 = tpu.memref_squeeze %dma_start3A_55 : memref<1x32x128xf32, #tpu.memory_space<vmem>> -> memref<32x128xf32, #tpu.memory_space<vmem>>
        %dma_start3A_57 = arith.constant 0 : i32
        %dma_start3A_58 = tpu.memref_slice %dma_start3A_56[%add3A_49, %dma_start3A_57] : memref<32x128xf32, #tpu.memory_space<vmem>> -> memref<1x128xf32, #tpu.memory_space<vmem>>
        %dma_start3A_59 = tpu.memref_squeeze %dma_start3A_58 : memref<1x128xf32, #tpu.memory_space<vmem>> -> memref<128xf32, #tpu.memory_space<vmem>>
        %dma_start3A_60 = arith.constant 0 : i32
        %dma_start3A_61 = tpu.memref_slice %arg9[%scan3A_21, %dma_start3A_60] : memref<79x128xi32, #tpu.memory_space<vmem>> -> memref<1x128xi32, #tpu.memory_space<vmem>>
        %dma_start3A_62 = tpu.memref_squeeze %dma_start3A_61 : memref<1x128xi32, #tpu.memory_space<vmem>> -> memref<128xi32, #tpu.memory_space<vmem>>
        %dma_start3A_63 = tpu.memref_slice %arg11[%add3A_53] : memref<655360xf32, #tpu.memory_space<vmem_shared>> -> memref<10240xf32, #tpu.memory_space<vmem_shared>>
        %dma_start3A_64 = arith.constant 0 : i32
        %dma_start3A_65 = tpu.memref_slice %dma_start3A_63[%dma_start3A_64] : memref<10240xf32, #tpu.memory_space<vmem_shared>> -> memref<10240xf32, #tpu.memory_space<vmem_shared>>
        tpu.enqueue_indirect_dma source(%dma_start3A_59 : memref<128xf32, #tpu.memory_space<vmem>>) target(%dma_start3A_65 : memref<10240xf32, #tpu.memory_space<vmem_shared>>) offsets(%dma_start3A_62 : memref<128xi32, #tpu.memory_space<vmem>>) semaphore(%arg13 : memref<!tpu.dma_semaphore, #tpu.memory_space<semaphore_mem>>) {add = true}
        %mul3A_66 = arith.constant 4 : i32
        %mul3A_67 = arith.muli %scan3A_45, %mul3A_66 : i32
        %add3A_68 = arith.constant 1 : i32
        %add3A_69 = arith.addi %mul3A_67, %add3A_68 : i32
        %mul3A_70 = arith.constant 10240 : i32
        %mul3A_71 = arith.muli %add3A_69, %mul3A_70 : i32
        %add3A_72 = arith.constant 327680 : i32
        %add3A_73 = arith.addi %add3A_72, %mul3A_71 : i32
        %dma_start3A_74 = arith.constant 0 : i32
        %dma_start3A_75 = arith.constant 0 : i32
        %dma_start3A_76 = tpu.memref_slice %arg10[%rem3A_22, %dma_start3A_74, %dma_start3A_75] : memref<2x32x128xf32, #tpu.memory_space<vmem>> -> memref<1x32x128xf32, #tpu.memory_space<vmem>>
        %dma_start3A_77 = tpu.memref_squeeze %dma_start3A_76 : memref<1x32x128xf32, #tpu.memory_space<vmem>> -> memref<32x128xf32, #tpu.memory_space<vmem>>
        %dma_start3A_78 = arith.constant 0 : i32
        %dma_start3A_79 = tpu.memref_slice %dma_start3A_77[%add3A_69, %dma_start3A_78] : memref<32x128xf32, #tpu.memory_space<vmem>> -> memref<1x128xf32, #tpu.memory_space<vmem>>
        %dma_start3A_80 = tpu.memref_squeeze %dma_start3A_79 : memref<1x128xf32, #tpu.memory_space<vmem>> -> memref<128xf32, #tpu.memory_space<vmem>>
        %dma_start3A_81 = arith.constant 0 : i32
        %dma_start3A_82 = tpu.memref_slice %arg9[%scan3A_21, %dma_start3A_81] : memref<79x128xi32, #tpu.memory_space<vmem>> -> memref<1x128xi32, #tpu.memory_space<vmem>>
        %dma_start3A_83 = tpu.memref_squeeze %dma_start3A_82 : memref<1x128xi32, #tpu.memory_space<vmem>> -> memref<128xi32, #tpu.memory_space<vmem>>
        %dma_start3A_84 = tpu.memref_slice %arg11[%add3A_73] : memref<655360xf32, #tpu.memory_space<vmem_shared>> -> memref<10240xf32, #tpu.memory_space<vmem_shared>>
        %dma_start3A_85 = arith.constant 0 : i32
        %dma_start3A_86 = tpu.memref_slice %dma_start3A_84[%dma_start3A_85] : memref<10240xf32, #tpu.memory_space<vmem_shared>> -> memref<10240xf32, #tpu.memory_space<vmem_shared>>
        tpu.enqueue_indirect_dma source(%dma_start3A_80 : memref<128xf32, #tpu.memory_space<vmem>>) target(%dma_start3A_86 : memref<10240xf32, #tpu.memory_space<vmem_shared>>) offsets(%dma_start3A_83 : memref<128xi32, #tpu.memory_space<vmem>>) semaphore(%arg13 : memref<!tpu.dma_semaphore, #tpu.memory_space<semaphore_mem>>) {add = true}
        %mul3A_87 = arith.constant 4 : i32
        %mul3A_88 = arith.muli %scan3A_45, %mul3A_87 : i32
        %add3A_89 = arith.constant 2 : i32
        %add3A_90 = arith.addi %mul3A_88, %add3A_89 : i32
        %mul3A_91 = arith.constant 10240 : i32
        %mul3A_92 = arith.muli %add3A_90, %mul3A_91 : i32
        %add3A_93 = arith.constant 327680 : i32
        %add3A_94 = arith.addi %add3A_93, %mul3A_92 : i32
        %dma_start3A_95 = arith.constant 0 : i32
        %dma_start3A_96 = arith.constant 0 : i32
        %dma_start3A_97 = tpu.memref_slice %arg10[%rem3A_22, %dma_start3A_95, %dma_start3A_96] : memref<2x32x128xf32, #tpu.memory_space<vmem>> -> memref<1x32x128xf32, #tpu.memory_space<vmem>>
        %dma_start3A_98 = tpu.memref_squeeze %dma_start3A_97 : memref<1x32x128xf32, #tpu.memory_space<vmem>> -> memref<32x128xf32, #tpu.memory_space<vmem>>
        %dma_start3A_99 = arith.constant 0 : i32
        %dma_start3A_100 = tpu.memref_slice %dma_start3A_98[%add3A_90, %dma_start3A_99] : memref<32x128xf32, #tpu.memory_space<vmem>> -> memref<1x128xf32, #tpu.memory_space<vmem>>
        %dma_start3A_101 = tpu.memref_squeeze %dma_start3A_100 : memref<1x128xf32, #tpu.memory_space<vmem>> -> memref<128xf32, #tpu.memory_space<vmem>>
        %dma_start3A_102 = arith.constant 0 : i32
        %dma_start3A_103 = tpu.memref_slice %arg9[%scan3A_21, %dma_start3A_102] : memref<79x128xi32, #tpu.memory_space<vmem>> -> memref<1x128xi32, #tpu.memory_space<vmem>>
        %dma_start3A_104 = tpu.memref_squeeze %dma_start3A_103 : memref<1x128xi32, #tpu.memory_space<vmem>> -> memref<128xi32, #tpu.memory_space<vmem>>
        %dma_start3A_105 = tpu.memref_slice %arg11[%add3A_94] : memref<655360xf32, #tpu.memory_space<vmem_shared>> -> memref<10240xf32, #tpu.memory_space<vmem_shared>>
        %dma_start3A_106 = arith.constant 0 : i32
        %dma_start3A_107 = tpu.memref_slice %dma_start3A_105[%dma_start3A_106] : memref<10240xf32, #tpu.memory_space<vmem_shared>> -> memref<10240xf32, #tpu.memory_space<vmem_shared>>
        tpu.enqueue_indirect_dma source(%dma_start3A_101 : memref<128xf32, #tpu.memory_space<vmem>>) target(%dma_start3A_107 : memref<10240xf32, #tpu.memory_space<vmem_shared>>) offsets(%dma_start3A_104 : memref<128xi32, #tpu.memory_space<vmem>>) semaphore(%arg13 : memref<!tpu.dma_semaphore, #tpu.memory_space<semaphore_mem>>) {add = true}
        %mul3A_108 = arith.constant 4 : i32
        %mul3A_109 = arith.muli %scan3A_45, %mul3A_108 : i32
        %add3A_110 = arith.constant 3 : i32
        %add3A_111 = arith.addi %mul3A_109, %add3A_110 : i32
        %mul3A_112 = arith.constant 10240 : i32
        %mul3A_113 = arith.muli %add3A_111, %mul3A_112 : i32
        %add3A_114 = arith.constant 327680 : i32
        %add3A_115 = arith.addi %add3A_114, %mul3A_113 : i32
        %dma_start3A_116 = arith.constant 0 : i32
        %dma_start3A_117 = arith.constant 0 : i32
        %dma_start3A_118 = tpu.memref_slice %arg10[%rem3A_22, %dma_start3A_116, %dma_start3A_117] : memref<2x32x128xf32, #tpu.memory_space<vmem>> -> memref<1x32x128xf32, #tpu.memory_space<vmem>>
        %dma_start3A_119 = tpu.memref_squeeze %dma_start3A_118 : memref<1x32x128xf32, #tpu.memory_space<vmem>> -> memref<32x128xf32, #tpu.memory_space<vmem>>
        %dma_start3A_120 = arith.constant 0 : i32
        %dma_start3A_121 = tpu.memref_slice %dma_start3A_119[%add3A_111, %dma_start3A_120] : memref<32x128xf32, #tpu.memory_space<vmem>> -> memref<1x128xf32, #tpu.memory_space<vmem>>
        %dma_start3A_122 = tpu.memref_squeeze %dma_start3A_121 : memref<1x128xf32, #tpu.memory_space<vmem>> -> memref<128xf32, #tpu.memory_space<vmem>>
        %dma_start3A_123 = arith.constant 0 : i32
        %dma_start3A_124 = tpu.memref_slice %arg9[%scan3A_21, %dma_start3A_123] : memref<79x128xi32, #tpu.memory_space<vmem>> -> memref<1x128xi32, #tpu.memory_space<vmem>>
        %dma_start3A_125 = tpu.memref_squeeze %dma_start3A_124 : memref<1x128xi32, #tpu.memory_space<vmem>> -> memref<128xi32, #tpu.memory_space<vmem>>
        %dma_start3A_126 = tpu.memref_slice %arg11[%add3A_115] : memref<655360xf32, #tpu.memory_space<vmem_shared>> -> memref<10240xf32, #tpu.memory_space<vmem_shared>>
        %dma_start3A_127 = arith.constant 0 : i32
        %dma_start3A_128 = tpu.memref_slice %dma_start3A_126[%dma_start3A_127] : memref<10240xf32, #tpu.memory_space<vmem_shared>> -> memref<10240xf32, #tpu.memory_space<vmem_shared>>
        tpu.enqueue_indirect_dma source(%dma_start3A_122 : memref<128xf32, #tpu.memory_space<vmem>>) target(%dma_start3A_128 : memref<10240xf32, #tpu.memory_space<vmem_shared>>) offsets(%dma_start3A_125 : memref<128xi32, #tpu.memory_space<vmem>>) semaphore(%arg13 : memref<!tpu.dma_semaphore, #tpu.memory_space<semaphore_mem>>) {add = true}
      }
      %scan3A_44 = arith.constant 8 : i32
    }
    %scan3A_9 = arith.constant 79 : i32
    %dma_wait3A = arith.constant 0 : i32
    %dma_wait3A_10 = arith.constant 0 : i32
    %dma_wait3A_11 = arith.constant 0 : i32
    %dma_wait3A_12 = tpu.memref_slice %arg10[%dma_wait3A, %dma_wait3A_10, %dma_wait3A_11] : memref<2x32x128xf32, #tpu.memory_space<vmem>> -> memref<1x32x128xf32, #tpu.memory_space<vmem>>
    %dma_wait3A_13 = tpu.memref_squeeze %dma_wait3A_12 : memref<1x32x128xf32, #tpu.memory_space<vmem>> -> memref<32x128xf32, #tpu.memory_space<vmem>>
    %dma_wait3A_14 = arith.constant 0 : i32
    %dma_wait3A_15 = arith.constant 0 : i32
    %dma_wait3A_16 = tpu.memref_slice %arg10[%dma_wait3A, %dma_wait3A_14, %dma_wait3A_15] : memref<2x32x128xf32, #tpu.memory_space<vmem>> -> memref<1x32x128xf32, #tpu.memory_space<vmem>>
    %dma_wait3A_17 = tpu.memref_squeeze %dma_wait3A_16 : memref<1x32x128xf32, #tpu.memory_space<vmem>> -> memref<32x128xf32, #tpu.memory_space<vmem>>
    tpu.wait_dma2 semaphore(%arg13 : memref<!tpu.dma_semaphore, #tpu.memory_space<semaphore_mem>>) src(%arg6 : memref<32x128xf32, #tpu.memory_space<hbm>>) dst(%dma_wait3A_17 : memref<32x128xf32, #tpu.memory_space<vmem>>)
    %barrier3A_18 = arith.constant 0 : index
    tpu.barrier barrier_id(%barrier3A_18)
    %add3A_19 = arith.constant 327680 : i32
    %add3A_20 = arith.addi %add3A_19, %mul3A_2 : i32
    "tpu.region"() ({
      %run_scoped3A = tpu.sem_alloc : memref<!tpu.dma_semaphore, #tpu.memory_space<semaphore_mem>>
      %dma_start3A = tpu.memref_slice %arg7[%arg0, %mul3A_2] : memref<2x327680xf32, #tpu.memory_space<hbm>> -> memref<1x20480xf32, #tpu.memory_space<hbm>>
      %dma_start3A_21 = tpu.memref_squeeze %dma_start3A : memref<1x20480xf32, #tpu.memory_space<hbm>> -> memref<20480xf32, #tpu.memory_space<hbm>>
      %dma_start3A_22 = tpu.memref_slice %arg11[%add3A_20] : memref<655360xf32, #tpu.memory_space<vmem_shared>> -> memref<20480xf32, #tpu.memory_space<vmem_shared>>
      tpu.enqueue_dma source(%dma_start3A_22 : memref<20480xf32, #tpu.memory_space<vmem_shared>>) target(%dma_start3A_21 : memref<20480xf32, #tpu.memory_space<hbm>>) target_semaphore(%run_scoped3A : memref<!tpu.dma_semaphore, #tpu.memory_space<semaphore_mem>>)
      %dma_wait3A_23 = tpu.memref_slice %arg7[%arg0, %mul3A_2] : memref<2x327680xf32, #tpu.memory_space<hbm>> -> memref<1x20480xf32, #tpu.memory_space<hbm>>
      %dma_wait3A_24 = tpu.memref_squeeze %dma_wait3A_23 : memref<1x20480xf32, #tpu.memory_space<hbm>> -> memref<20480xf32, #tpu.memory_space<hbm>>
      %dma_wait3A_25 = tpu.memref_slice %arg11[%add3A_20] : memref<655360xf32, #tpu.memory_space<vmem_shared>> -> memref<20480xf32, #tpu.memory_space<vmem_shared>>
      tpu.wait_dma2 semaphore(%run_scoped3A : memref<!tpu.dma_semaphore, #tpu.memory_space<semaphore_mem>>) src(%dma_wait3A_25 : memref<20480xf32, #tpu.memory_space<vmem_shared>>) dst(%dma_wait3A_24 : memref<20480xf32, #tpu.memory_space<hbm>>)
      tpu.yield
    }) : () -> ()
    return
  }
}

module attributes {stable_mosaic.version = 14 : i64} {
  func.func @_tca_body(%arg0: i32, %arg1: memref<512x128xf32, #tpu.memory_space<vmem>>, %arg2: memref<128x32xf32, #tpu.memory_space<vmem>>, %arg3: memref<128x32xf32, #tpu.memory_space<vmem>>, %arg4: memref<1x32xf32, #tpu.memory_space<vmem>>, %arg5: memref<512x2xf32, #tpu.memory_space<vmem>>, %arg6: memref<32x512xf32, #tpu.memory_space<vmem>>, %arg7: memref<512x32xf32, #tpu.memory_space<vmem>>) attributes {dimension_semantics = [#tpu.dimension_semantics<arbitrary>], iteration_bounds = array<i64: 20>, scalar_prefetch = 0 : i64, scratch_operands = 0 : i64, tpu.core_type = #tpu.core_type<tc>, window_params = [{transform_indices = @transform_0, window_bounds = array<i64: 512, 128>}, {pipeline_mode = #tpu.pipeline_mode<synchronous>, transform_indices = @transform_1, window_bounds = array<i64: 128, 32>}, {pipeline_mode = #tpu.pipeline_mode<synchronous>, transform_indices = @transform_2, window_bounds = array<i64: 128, 32>}, {pipeline_mode = #tpu.pipeline_mode<synchronous>, transform_indices = @transform_3, window_bounds = array<i64: 1, 32>}, {transform_indices = @transform_4, window_bounds = array<i64: 512, 2>}, {transform_indices = @transform_5, window_bounds = array<i64: 32, 512>}, {transform_indices = @transform_6, window_bounds = array<i64: 512, 32>}]} {
    %get3A = arith.constant 0 : index
    %get3A_0 = arith.constant 0 : index
    %get3A_1 = vector.load %arg5[%get3A, %get3A_0] : memref<512x2xf32, #tpu.memory_space<vmem>>, vector<512x1xf32>
    %get3A_2 = arith.constant 0 : index
    %get3A_3 = arith.constant 1 : index
    %get3A_4 = vector.load %arg5[%get3A_2, %get3A_3] : memref<512x2xf32, #tpu.memory_space<vmem>>, vector<512x1xf32>
    %add3A = arith.addf %get3A_1, %get3A_4 : vector<512x1xf32>
    %add3A_5 = arith.constant 1.000000e+00 : f32
    %add3A_6 = vector.broadcast %add3A_5 : f32 to vector<512x1xf32>
    %add3A_7 = arith.addf %add3A, %add3A_6 : vector<512x1xf32>
    %rsqrt3A = math.rsqrt %add3A_7 : vector<512x1xf32>
    %get3A_8 = arith.constant 0 : index
    %get3A_9 = arith.constant 0 : index
    %get3A_10 = vector.load %arg1[%get3A_8, %get3A_9] : memref<512x128xf32, #tpu.memory_space<vmem>>, vector<512x128xf32>
    %get3A_11 = arith.constant 0 : index
    %get3A_12 = arith.constant 0 : index
    %get3A_13 = vector.load %arg2[%get3A_11, %get3A_12] : memref<128x32xf32, #tpu.memory_space<vmem>>, vector<128x32xf32>
    %dot_general3A = arith.constant dense<0.000000e+00> : vector<512x32xf32>
    %dot_general3A_14 = tpu.matmul %get3A_10, %get3A_13, %dot_general3A {dimension_numbers = #tpu.dot_dimension_numbers<[1], [0], [0], [1], [0, 0, 1, 1], [], []>, precision = #tpu.contract_precision<fp32>, transpose_lhs_hint = false} : vector<512x128xf32>, vector<128x32xf32>, vector<512x32xf32> -> vector<512x32xf32>
    %mul3A = vector.broadcast %rsqrt3A : vector<512x1xf32> to vector<512x32xf32>
    %mul3A_15 = arith.mulf %dot_general3A_14, %mul3A : vector<512x32xf32>
    %transpose3A = tpu.transpose %mul3A_15, [1, 0] : vector<512x32xf32> -> vector<32x512xf32>
    %swap3A = arith.constant 0 : index
    %swap3A_16 = arith.constant 0 : index
    %swap3A_17 = vector.load %arg6[%swap3A, %swap3A_16] : memref<32x512xf32, #tpu.memory_space<vmem>>, vector<32x512xf32>
    tpu.vector_store %arg6[%swap3A, %swap3A_16], %transpose3A {strides = array<i32>} : memref<32x512xf32, #tpu.memory_space<vmem>>, vector<32x512xf32>,
    %get3A_18 = arith.constant 0 : index
    %get3A_19 = arith.constant 0 : index
    %get3A_20 = vector.load %arg3[%get3A_18, %get3A_19] : memref<128x32xf32, #tpu.memory_space<vmem>>, vector<128x32xf32>
    %dot_general3A_21 = arith.constant dense<0.000000e+00> : vector<512x32xf32>
    %dot_general3A_22 = tpu.matmul %get3A_10, %get3A_20, %dot_general3A_21 {dimension_numbers = #tpu.dot_dimension_numbers<[1], [0], [0], [1], [0, 0, 1, 1], [], []>, precision = #tpu.contract_precision<fp32>, transpose_lhs_hint = false} : vector<512x128xf32>, vector<128x32xf32>, vector<512x32xf32> -> vector<512x32xf32>
    %get3A_23 = arith.constant 0 : index
    %get3A_24 = arith.constant 0 : index
    %get3A_25 = vector.load %arg4[%get3A_23, %get3A_24] : memref<1x32xf32, #tpu.memory_space<vmem>>, vector<1x32xf32>
    %add3A_26 = vector.broadcast %get3A_25 : vector<1x32xf32> to vector<512x32xf32>
    %add3A_27 = arith.addf %dot_general3A_22, %add3A_26 : vector<512x32xf32>
    %swap3A_28 = arith.constant 0 : index
    %swap3A_29 = arith.constant 0 : index
    %swap3A_30 = vector.load %arg7[%swap3A_28, %swap3A_29] : memref<512x32xf32, #tpu.memory_space<vmem>>, vector<512x32xf32>
    tpu.vector_store %arg7[%swap3A_28, %swap3A_29], %add3A_27 {strides = array<i32>} : memref<512x32xf32, #tpu.memory_space<vmem>>, vector<512x32xf32>,
    return
  }
  func.func @transform_0(%arg0: i32) -> (i32, i32) {
    %c0_i32 = arith.constant 0 : i32
    %c0_i32_0 = arith.constant 0 : i32
    return %arg0, %c0_i32 : i32, i32
  }
  func.func @transform_1(%arg0: i32) -> (i32, i32) {
    %c0_i32 = arith.constant 0 : i32
    %c0_i32_0 = arith.constant 0 : i32
    %c0_i32_1 = arith.constant 0 : i32
    return %c0_i32, %c0_i32_0 : i32, i32
  }
  func.func @transform_2(%arg0: i32) -> (i32, i32) {
    %c0_i32 = arith.constant 0 : i32
    %c0_i32_0 = arith.constant 0 : i32
    %c0_i32_1 = arith.constant 0 : i32
    return %c0_i32, %c0_i32_0 : i32, i32
  }
  func.func @transform_3(%arg0: i32) -> (i32, i32) {
    %c0_i32 = arith.constant 0 : i32
    %c0_i32_0 = arith.constant 0 : i32
    %c0_i32_1 = arith.constant 0 : i32
    return %c0_i32, %c0_i32_0 : i32, i32
  }
  func.func @transform_4(%arg0: i32) -> (i32, i32) {
    %c0_i32 = arith.constant 0 : i32
    %c0_i32_0 = arith.constant 0 : i32
    return %arg0, %c0_i32 : i32, i32
  }
  func.func @transform_5(%arg0: i32) -> (i32, i32) {
    %c0_i32 = arith.constant 0 : i32
    %c0_i32_0 = arith.constant 0 : i32
    return %c0_i32, %arg0 : i32, i32
  }
  func.func @transform_6(%arg0: i32) -> (i32, i32) {
    %c0_i32 = arith.constant 0 : i32
    %c0_i32_0 = arith.constant 0 : i32
    return %arg0, %c0_i32 : i32, i32
  }
}

module attributes {stable_mosaic.version = 14 : i64} {
  func.func @_tcb_body(%arg0: i32, %arg1: memref<32x512xf32, #tpu.memory_space<vmem>>, %arg2: memref<32x512xf32, #tpu.memory_space<vmem>>, %arg3: memref<32x512xf32, #tpu.memory_space<vmem>>, %arg4: memref<512x32xf32, #tpu.memory_space<vmem>>, %arg5: memref<512x2xf32, #tpu.memory_space<vmem>>, %arg6: memref<1x32xf32, #tpu.memory_space<vmem>>, %arg7: memref<32x32xf32, #tpu.memory_space<vmem>>, %arg8: memref<32x32xf32, #tpu.memory_space<vmem>>, %arg9: memref<1x32xf32, #tpu.memory_space<vmem>>, %arg10: memref<512x32xf32, #tpu.memory_space<vmem>>, %arg11: memref<32x512xf32, #tpu.memory_space<vmem>>, %arg12: memref<512x32xf32, #tpu.memory_space<vmem>>) attributes {dimension_semantics = [#tpu.dimension_semantics<arbitrary>], iteration_bounds = array<i64: 20>, scalar_prefetch = 0 : i64, scratch_operands = 0 : i64, tpu.core_type = #tpu.core_type<tc>, window_params = [{transform_indices = @transform_0, window_bounds = array<i64: 32, 512>}, {transform_indices = @transform_1, window_bounds = array<i64: 32, 512>}, {transform_indices = @transform_2, window_bounds = array<i64: 32, 512>}, {transform_indices = @transform_3, window_bounds = array<i64: 512, 32>}, {transform_indices = @transform_4, window_bounds = array<i64: 512, 2>}, {pipeline_mode = #tpu.pipeline_mode<synchronous>, transform_indices = @transform_5, window_bounds = array<i64: 1, 32>}, {pipeline_mode = #tpu.pipeline_mode<synchronous>, transform_indices = @transform_6, window_bounds = array<i64: 32, 32>}, {pipeline_mode = #tpu.pipeline_mode<synchronous>, transform_indices = @transform_7, window_bounds = array<i64: 32, 32>}, {pipeline_mode = #tpu.pipeline_mode<synchronous>, transform_indices = @transform_8, window_bounds = array<i64: 1, 32>}, {transform_indices = @transform_9, window_bounds = array<i64: 512, 32>}, {transform_indices = @transform_10, window_bounds = array<i64: 32, 512>}, {transform_indices = @transform_11, window_bounds = array<i64: 512, 32>}]} {
    %get3A = arith.constant 0 : index
    %get3A_0 = arith.constant 0 : index
    %get3A_1 = vector.load %arg5[%get3A, %get3A_0] : memref<512x2xf32, #tpu.memory_space<vmem>>, vector<512x1xf32>
    %get3A_2 = arith.constant 0 : index
    %get3A_3 = arith.constant 1 : index
    %get3A_4 = vector.load %arg5[%get3A_2, %get3A_3] : memref<512x2xf32, #tpu.memory_space<vmem>>, vector<512x1xf32>
    %add3A = arith.addf %get3A_1, %get3A_4 : vector<512x1xf32>
    %add3A_5 = arith.constant 1.000000e+00 : f32
    %add3A_6 = vector.broadcast %add3A_5 : f32 to vector<512x1xf32>
    %add3A_7 = arith.addf %add3A, %add3A_6 : vector<512x1xf32>
    %rsqrt3A = math.rsqrt %add3A_7 : vector<512x1xf32>
    %get3A_8 = arith.constant 0 : index
    %get3A_9 = arith.constant 0 : index
    %get3A_10 = vector.load %arg1[%get3A_8, %get3A_9] : memref<32x512xf32, #tpu.memory_space<vmem>>, vector<32x512xf32>
    %get3A_11 = arith.constant 0 : index
    %get3A_12 = arith.constant 0 : index
    %get3A_13 = vector.load %arg2[%get3A_11, %get3A_12] : memref<32x512xf32, #tpu.memory_space<vmem>>, vector<32x512xf32>
    %add3A_14 = arith.addf %get3A_10, %get3A_13 : vector<32x512xf32>
    %get3A_15 = arith.constant 0 : index
    %get3A_16 = arith.constant 0 : index
    %get3A_17 = vector.load %arg3[%get3A_15, %get3A_16] : memref<32x512xf32, #tpu.memory_space<vmem>>, vector<32x512xf32>
    %add3A_18 = arith.addf %add3A_14, %get3A_17 : vector<32x512xf32>
    %transpose3A = tpu.transpose %add3A_18, [1, 0] : vector<32x512xf32> -> vector<512x32xf32>
    %mul3A = vector.broadcast %rsqrt3A : vector<512x1xf32> to vector<512x32xf32>
    %mul3A_19 = arith.mulf %transpose3A, %mul3A : vector<512x32xf32>
    %get3A_20 = arith.constant 0 : index
    %get3A_21 = arith.constant 0 : index
    %get3A_22 = vector.load %arg6[%get3A_20, %get3A_21] : memref<1x32xf32, #tpu.memory_space<vmem>>, vector<1x32xf32>
    %add3A_23 = vector.broadcast %get3A_22 : vector<1x32xf32> to vector<512x32xf32>
    %add3A_24 = arith.addf %mul3A_19, %add3A_23 : vector<512x32xf32>
    %get3A_25 = arith.constant 0 : index
    %get3A_26 = arith.constant 0 : index
    %get3A_27 = vector.load %arg4[%get3A_25, %get3A_26] : memref<512x32xf32, #tpu.memory_space<vmem>>, vector<512x32xf32>
    %add3A_28 = arith.addf %add3A_24, %get3A_27 : vector<512x32xf32>
    %max3A = arith.constant 0.000000e+00 : f32
    %max3A_29 = vector.broadcast %max3A : f32 to vector<512x32xf32>
    %max3A_30 = arith.maximumf %add3A_28, %max3A_29 : vector<512x32xf32>
    %swap3A = arith.constant 0 : index
    %swap3A_31 = arith.constant 0 : index
    %swap3A_32 = vector.load %arg10[%swap3A, %swap3A_31] : memref<512x32xf32, #tpu.memory_space<vmem>>, vector<512x32xf32>
    tpu.vector_store %arg10[%swap3A, %swap3A_31], %max3A_30 {strides = array<i32>} : memref<512x32xf32, #tpu.memory_space<vmem>>, vector<512x32xf32>,
    %get3A_33 = arith.constant 0 : index
    %get3A_34 = arith.constant 0 : index
    %get3A_35 = vector.load %arg7[%get3A_33, %get3A_34] : memref<32x32xf32, #tpu.memory_space<vmem>>, vector<32x32xf32>
    %dot_general3A = arith.constant dense<0.000000e+00> : vector<512x32xf32>
    %dot_general3A_36 = tpu.matmul %max3A_30, %get3A_35, %dot_general3A {dimension_numbers = #tpu.dot_dimension_numbers<[1], [0], [0], [1], [0, 0, 1, 1], [], []>, precision = #tpu.contract_precision<fp32>, transpose_lhs_hint = false} : vector<512x32xf32>, vector<32x32xf32>, vector<512x32xf32> -> vector<512x32xf32>
    %mul3A_37 = vector.broadcast %rsqrt3A : vector<512x1xf32> to vector<512x32xf32>
    %mul3A_38 = arith.mulf %dot_general3A_36, %mul3A_37 : vector<512x32xf32>
    %transpose3A_39 = tpu.transpose %mul3A_38, [1, 0] : vector<512x32xf32> -> vector<32x512xf32>
    %swap3A_40 = arith.constant 0 : index
    %swap3A_41 = arith.constant 0 : index
    %swap3A_42 = vector.load %arg11[%swap3A_40, %swap3A_41] : memref<32x512xf32, #tpu.memory_space<vmem>>, vector<32x512xf32>
    tpu.vector_store %arg11[%swap3A_40, %swap3A_41], %transpose3A_39 {strides = array<i32>} : memref<32x512xf32, #tpu.memory_space<vmem>>, vector<32x512xf32>,
    %get3A_43 = arith.constant 0 : index
    %get3A_44 = arith.constant 0 : index
    %get3A_45 = vector.load %arg8[%get3A_43, %get3A_44] : memref<32x32xf32, #tpu.memory_space<vmem>>, vector<32x32xf32>
    %dot_general3A_46 = arith.constant dense<0.000000e+00> : vector<512x32xf32>
    %dot_general3A_47 = tpu.matmul %max3A_30, %get3A_45, %dot_general3A_46 {dimension_numbers = #tpu.dot_dimension_numbers<[1], [0], [0], [1], [0, 0, 1, 1], [], []>, precision = #tpu.contract_precision<fp32>, transpose_lhs_hint = false} : vector<512x32xf32>, vector<32x32xf32>, vector<512x32xf32> -> vector<512x32xf32>
    %get3A_48 = arith.constant 0 : index
    %get3A_49 = arith.constant 0 : index
    %get3A_50 = vector.load %arg9[%get3A_48, %get3A_49] : memref<1x32xf32, #tpu.memory_space<vmem>>, vector<1x32xf32>
    %add3A_51 = vector.broadcast %get3A_50 : vector<1x32xf32> to vector<512x32xf32>
    %add3A_52 = arith.addf %dot_general3A_47, %add3A_51 : vector<512x32xf32>
    %swap3A_53 = arith.constant 0 : index
    %swap3A_54 = arith.constant 0 : index
    %swap3A_55 = vector.load %arg12[%swap3A_53, %swap3A_54] : memref<512x32xf32, #tpu.memory_space<vmem>>, vector<512x32xf32>
    tpu.vector_store %arg12[%swap3A_53, %swap3A_54], %add3A_52 {strides = array<i32>} : memref<512x32xf32, #tpu.memory_space<vmem>>, vector<512x32xf32>,
    return
  }
  func.func @transform_0(%arg0: i32) -> (i32, i32) {
    %c0_i32 = arith.constant 0 : i32
    %c0_i32_0 = arith.constant 0 : i32
    return %c0_i32, %arg0 : i32, i32
  }
  func.func @transform_1(%arg0: i32) -> (i32, i32) {
    %c0_i32 = arith.constant 0 : i32
    %c0_i32_0 = arith.constant 0 : i32
    return %c0_i32, %arg0 : i32, i32
  }
  func.func @transform_2(%arg0: i32) -> (i32, i32) {
    %c0_i32 = arith.constant 0 : i32
    %c0_i32_0 = arith.constant 0 : i32
    return %c0_i32, %arg0 : i32, i32
  }
  func.func @transform_3(%arg0: i32) -> (i32, i32) {
    %c0_i32 = arith.constant 0 : i32
    %c0_i32_0 = arith.constant 0 : i32
    return %arg0, %c0_i32 : i32, i32
  }
  func.func @transform_4(%arg0: i32) -> (i32, i32) {
    %c0_i32 = arith.constant 0 : i32
    %c0_i32_0 = arith.constant 0 : i32
    return %arg0, %c0_i32 : i32, i32
  }
  func.func @transform_5(%arg0: i32) -> (i32, i32) {
    %c0_i32 = arith.constant 0 : i32
    %c0_i32_0 = arith.constant 0 : i32
    %c0_i32_1 = arith.constant 0 : i32
    return %c0_i32, %c0_i32_0 : i32, i32
  }
  func.func @transform_6(%arg0: i32) -> (i32, i32) {
    %c0_i32 = arith.constant 0 : i32
    %c0_i32_0 = arith.constant 0 : i32
    %c0_i32_1 = arith.constant 0 : i32
    return %c0_i32, %c0_i32_0 : i32, i32
  }
  func.func @transform_7(%arg0: i32) -> (i32, i32) {
    %c0_i32 = arith.constant 0 : i32
    %c0_i32_0 = arith.constant 0 : i32
    %c0_i32_1 = arith.constant 0 : i32
    return %c0_i32, %c0_i32_0 : i32, i32
  }
  func.func @transform_8(%arg0: i32) -> (i32, i32) {
    %c0_i32 = arith.constant 0 : i32
    %c0_i32_0 = arith.constant 0 : i32
    %c0_i32_1 = arith.constant 0 : i32
    return %c0_i32, %c0_i32_0 : i32, i32
  }
  func.func @transform_9(%arg0: i32) -> (i32, i32) {
    %c0_i32 = arith.constant 0 : i32
    %c0_i32_0 = arith.constant 0 : i32
    return %arg0, %c0_i32 : i32, i32
  }
  func.func @transform_10(%arg0: i32) -> (i32, i32) {
    %c0_i32 = arith.constant 0 : i32
    %c0_i32_0 = arith.constant 0 : i32
    return %c0_i32, %arg0 : i32, i32
  }
  func.func @transform_11(%arg0: i32) -> (i32, i32) {
    %c0_i32 = arith.constant 0 : i32
    %c0_i32_0 = arith.constant 0 : i32
    return %arg0, %c0_i32 : i32, i32
  }
}

module attributes {stable_mosaic.version = 14 : i64} {
  func.func @_tcc_body(%arg0: i32, %arg1: memref<32x512xf32, #tpu.memory_space<vmem>>, %arg2: memref<32x512xf32, #tpu.memory_space<vmem>>, %arg3: memref<32x512xf32, #tpu.memory_space<vmem>>, %arg4: memref<512x32xf32, #tpu.memory_space<vmem>>, %arg5: memref<512x2xf32, #tpu.memory_space<vmem>>, %arg6: memref<1x32xf32, #tpu.memory_space<vmem>>, %arg7: memref<512x32xf32, #tpu.memory_space<vmem>>, %arg8: memref<32x32xf32, #tpu.memory_space<vmem>>, %arg9: memref<32x32xf32, #tpu.memory_space<vmem>>, %arg10: memref<1x32xf32, #tpu.memory_space<vmem>>, %arg11: memref<32x64xf32, #tpu.memory_space<vmem>>, %arg12: memref<1x64xf32, #tpu.memory_space<vmem>>, %arg13: memref<512x64xf32, #tpu.memory_space<vmem>>) attributes {dimension_semantics = [#tpu.dimension_semantics<arbitrary>], iteration_bounds = array<i64: 20>, scalar_prefetch = 0 : i64, scratch_operands = 0 : i64, tpu.core_type = #tpu.core_type<tc>, window_params = [{transform_indices = @transform_0, window_bounds = array<i64: 32, 512>}, {transform_indices = @transform_1, window_bounds = array<i64: 32, 512>}, {transform_indices = @transform_2, window_bounds = array<i64: 32, 512>}, {transform_indices = @transform_3, window_bounds = array<i64: 512, 32>}, {transform_indices = @transform_4, window_bounds = array<i64: 512, 2>}, {pipeline_mode = #tpu.pipeline_mode<synchronous>, transform_indices = @transform_5, window_bounds = array<i64: 1, 32>}, {transform_indices = @transform_6, window_bounds = array<i64: 512, 32>}, {pipeline_mode = #tpu.pipeline_mode<synchronous>, transform_indices = @transform_7, window_bounds = array<i64: 32, 32>}, {pipeline_mode = #tpu.pipeline_mode<synchronous>, transform_indices = @transform_8, window_bounds = array<i64: 32, 32>}, {pipeline_mode = #tpu.pipeline_mode<synchronous>, transform_indices = @transform_9, window_bounds = array<i64: 1, 32>}, {pipeline_mode = #tpu.pipeline_mode<synchronous>, transform_indices = @transform_10, window_bounds = array<i64: 32, 64>}, {pipeline_mode = #tpu.pipeline_mode<synchronous>, transform_indices = @transform_11, window_bounds = array<i64: 1, 64>}, {transform_indices = @transform_12, window_bounds = array<i64: 512, 64>}]} {
    %get3A = arith.constant 0 : index
    %get3A_0 = arith.constant 0 : index
    %get3A_1 = vector.load %arg5[%get3A, %get3A_0] : memref<512x2xf32, #tpu.memory_space<vmem>>, vector<512x1xf32>
    %get3A_2 = arith.constant 0 : index
    %get3A_3 = arith.constant 1 : index
    %get3A_4 = vector.load %arg5[%get3A_2, %get3A_3] : memref<512x2xf32, #tpu.memory_space<vmem>>, vector<512x1xf32>
    %add3A = arith.addf %get3A_1, %get3A_4 : vector<512x1xf32>
    %add3A_5 = arith.constant 1.000000e+00 : f32
    %add3A_6 = vector.broadcast %add3A_5 : f32 to vector<512x1xf32>
    %add3A_7 = arith.addf %add3A, %add3A_6 : vector<512x1xf32>
    %rsqrt3A = math.rsqrt %add3A_7 : vector<512x1xf32>
    %get3A_8 = arith.constant 0 : index
    %get3A_9 = arith.constant 0 : index
    %get3A_10 = vector.load %arg1[%get3A_8, %get3A_9] : memref<32x512xf32, #tpu.memory_space<vmem>>, vector<32x512xf32>
    %get3A_11 = arith.constant 0 : index
    %get3A_12 = arith.constant 0 : index
    %get3A_13 = vector.load %arg2[%get3A_11, %get3A_12] : memref<32x512xf32, #tpu.memory_space<vmem>>, vector<32x512xf32>
    %add3A_14 = arith.addf %get3A_10, %get3A_13 : vector<32x512xf32>
    %get3A_15 = arith.constant 0 : index
    %get3A_16 = arith.constant 0 : index
    %get3A_17 = vector.load %arg3[%get3A_15, %get3A_16] : memref<32x512xf32, #tpu.memory_space<vmem>>, vector<32x512xf32>
    %add3A_18 = arith.addf %add3A_14, %get3A_17 : vector<32x512xf32>
    %transpose3A = tpu.transpose %add3A_18, [1, 0] : vector<32x512xf32> -> vector<512x32xf32>
    %mul3A = vector.broadcast %rsqrt3A : vector<512x1xf32> to vector<512x32xf32>
    %mul3A_19 = arith.mulf %transpose3A, %mul3A : vector<512x32xf32>
    %get3A_20 = arith.constant 0 : index
    %get3A_21 = arith.constant 0 : index
    %get3A_22 = vector.load %arg6[%get3A_20, %get3A_21] : memref<1x32xf32, #tpu.memory_space<vmem>>, vector<1x32xf32>
    %add3A_23 = vector.broadcast %get3A_22 : vector<1x32xf32> to vector<512x32xf32>
    %add3A_24 = arith.addf %mul3A_19, %add3A_23 : vector<512x32xf32>
    %get3A_25 = arith.constant 0 : index
    %get3A_26 = arith.constant 0 : index
    %get3A_27 = vector.load %arg4[%get3A_25, %get3A_26] : memref<512x32xf32, #tpu.memory_space<vmem>>, vector<512x32xf32>
    %add3A_28 = arith.addf %add3A_24, %get3A_27 : vector<512x32xf32>
    %max3A = arith.constant 0.000000e+00 : f32
    %max3A_29 = vector.broadcast %max3A : f32 to vector<512x32xf32>
    %max3A_30 = arith.maximumf %add3A_28, %max3A_29 : vector<512x32xf32>
    %get3A_31 = arith.constant 0 : index
    %get3A_32 = arith.constant 0 : index
    %get3A_33 = vector.load %arg7[%get3A_31, %get3A_32] : memref<512x32xf32, #tpu.memory_space<vmem>>, vector<512x32xf32>
    %get3A_34 = arith.constant 0 : index
    %get3A_35 = arith.constant 0 : index
    %get3A_36 = vector.load %arg8[%get3A_34, %get3A_35] : memref<32x32xf32, #tpu.memory_space<vmem>>, vector<32x32xf32>
    %dot_general3A = arith.constant dense<0.000000e+00> : vector<512x32xf32>
    %dot_general3A_37 = tpu.matmul %get3A_33, %get3A_36, %dot_general3A {dimension_numbers = #tpu.dot_dimension_numbers<[1], [0], [0], [1], [0, 0, 1, 1], [], []>, precision = #tpu.contract_precision<fp32>, transpose_lhs_hint = false} : vector<512x32xf32>, vector<32x32xf32>, vector<512x32xf32> -> vector<512x32xf32>
    %get3A_38 = arith.constant 0 : index
    %get3A_39 = arith.constant 0 : index
    %get3A_40 = vector.load %arg9[%get3A_38, %get3A_39] : memref<32x32xf32, #tpu.memory_space<vmem>>, vector<32x32xf32>
    %dot_general3A_41 = arith.constant dense<0.000000e+00> : vector<512x32xf32>
    %dot_general3A_42 = tpu.matmul %max3A_30, %get3A_40, %dot_general3A_41 {dimension_numbers = #tpu.dot_dimension_numbers<[1], [0], [0], [1], [0, 0, 1, 1], [], []>, precision = #tpu.contract_precision<fp32>, transpose_lhs_hint = false} : vector<512x32xf32>, vector<32x32xf32>, vector<512x32xf32> -> vector<512x32xf32>
    %add3A_43 = arith.addf %dot_general3A_37, %dot_general3A_42 : vector<512x32xf32>
    %get3A_44 = arith.constant 0 : index
    %get3A_45 = arith.constant 0 : index
    %get3A_46 = vector.load %arg10[%get3A_44, %get3A_45] : memref<1x32xf32, #tpu.memory_space<vmem>>, vector<1x32xf32>
    %add3A_47 = vector.broadcast %get3A_46 : vector<1x32xf32> to vector<512x32xf32>
    %add3A_48 = arith.addf %add3A_43, %add3A_47 : vector<512x32xf32>
    %max3A_49 = arith.constant 0.000000e+00 : f32
    %max3A_50 = vector.broadcast %max3A_49 : f32 to vector<512x32xf32>
    %max3A_51 = arith.maximumf %add3A_48, %max3A_50 : vector<512x32xf32>
    %get3A_52 = arith.constant 0 : index
    %get3A_53 = arith.constant 0 : index
    %get3A_54 = vector.load %arg11[%get3A_52, %get3A_53] : memref<32x64xf32, #tpu.memory_space<vmem>>, vector<32x64xf32>
    %dot_general3A_55 = arith.constant dense<0.000000e+00> : vector<512x64xf32>
    %dot_general3A_56 = tpu.matmul %max3A_51, %get3A_54, %dot_general3A_55 {dimension_numbers = #tpu.dot_dimension_numbers<[1], [0], [0], [1], [0, 0, 1, 1], [], []>, precision = #tpu.contract_precision<fp32>, transpose_lhs_hint = false} : vector<512x32xf32>, vector<32x64xf32>, vector<512x64xf32> -> vector<512x64xf32>
    %get3A_57 = arith.constant 0 : index
    %get3A_58 = arith.constant 0 : index
    %get3A_59 = vector.load %arg12[%get3A_57, %get3A_58] : memref<1x64xf32, #tpu.memory_space<vmem>>, vector<1x64xf32>
    %add3A_60 = vector.broadcast %get3A_59 : vector<1x64xf32> to vector<512x64xf32>
    %add3A_61 = arith.addf %dot_general3A_56, %add3A_60 : vector<512x64xf32>
    %swap3A = arith.constant 0 : index
    %swap3A_62 = arith.constant 0 : index
    %swap3A_63 = vector.load %arg13[%swap3A, %swap3A_62] : memref<512x64xf32, #tpu.memory_space<vmem>>, vector<512x64xf32>
    tpu.vector_store %arg13[%swap3A, %swap3A_62], %add3A_61 {strides = array<i32>} : memref<512x64xf32, #tpu.memory_space<vmem>>, vector<512x64xf32>,
    return
  }
  func.func @transform_0(%arg0: i32) -> (i32, i32) {
    %c0_i32 = arith.constant 0 : i32
    %c0_i32_0 = arith.constant 0 : i32
    return %c0_i32, %arg0 : i32, i32
  }
  func.func @transform_1(%arg0: i32) -> (i32, i32) {
    %c0_i32 = arith.constant 0 : i32
    %c0_i32_0 = arith.constant 0 : i32
    return %c0_i32, %arg0 : i32, i32
  }
  func.func @transform_2(%arg0: i32) -> (i32, i32) {
    %c0_i32 = arith.constant 0 : i32
    %c0_i32_0 = arith.constant 0 : i32
    return %c0_i32, %arg0 : i32, i32
  }
  func.func @transform_3(%arg0: i32) -> (i32, i32) {
    %c0_i32 = arith.constant 0 : i32
    %c0_i32_0 = arith.constant 0 : i32
    return %arg0, %c0_i32 : i32, i32
  }
  func.func @transform_4(%arg0: i32) -> (i32, i32) {
    %c0_i32 = arith.constant 0 : i32
    %c0_i32_0 = arith.constant 0 : i32
    return %arg0, %c0_i32 : i32, i32
  }
  func.func @transform_5(%arg0: i32) -> (i32, i32) {
    %c0_i32 = arith.constant 0 : i32
    %c0_i32_0 = arith.constant 0 : i32
    %c0_i32_1 = arith.constant 0 : i32
    return %c0_i32, %c0_i32_0 : i32, i32
  }
  func.func @transform_6(%arg0: i32) -> (i32, i32) {
    %c0_i32 = arith.constant 0 : i32
    %c0_i32_0 = arith.constant 0 : i32
    return %arg0, %c0_i32 : i32, i32
  }
  func.func @transform_7(%arg0: i32) -> (i32, i32) {
    %c0_i32 = arith.constant 0 : i32
    %c0_i32_0 = arith.constant 0 : i32
    %c0_i32_1 = arith.constant 0 : i32
    return %c0_i32, %c0_i32_0 : i32, i32
  }
  func.func @transform_8(%arg0: i32) -> (i32, i32) {
    %c0_i32 = arith.constant 0 : i32
    %c0_i32_0 = arith.constant 0 : i32
    %c0_i32_1 = arith.constant 0 : i32
    return %c0_i32, %c0_i32_0 : i32, i32
  }
  func.func @transform_9(%arg0: i32) -> (i32, i32) {
    %c0_i32 = arith.constant 0 : i32
    %c0_i32_0 = arith.constant 0 : i32
    %c0_i32_1 = arith.constant 0 : i32
    return %c0_i32, %c0_i32_0 : i32, i32
  }
  func.func @transform_10(%arg0: i32) -> (i32, i32) {
    %c0_i32 = arith.constant 0 : i32
    %c0_i32_0 = arith.constant 0 : i32
    %c0_i32_1 = arith.constant 0 : i32
    return %c0_i32, %c0_i32_0 : i32, i32
  }
  func.func @transform_11(%arg0: i32) -> (i32, i32) {
    %c0_i32 = arith.constant 0 : i32
    %c0_i32_0 = arith.constant 0 : i32
    %c0_i32_1 = arith.constant 0 : i32
    return %c0_i32, %c0_i32_0 : i32, i32
  }
  func.func @transform_12(%arg0: i32) -> (i32, i32) {
    %c0_i32 = arith.constant 0 : i32
    %c0_i32_0 = arith.constant 0 : i32
    return %arg0, %c0_i32 : i32, i32
  }
}

</mosaic_0001>

<sc_bundles>
// kernel: kernel.11.cloned.1.call-start
scs
__scs_entry_jumppad:
0x0: {  	(pc) =	sbr.rel $0x88, $3  }
0x1: {  	(tag) =	ssettag $0x0;
	lr =	simm.s32 $0x1  }
0x2: {  	[smem:$0x3F93] =	sst lr;
	_ =	strace $0xD0000000  }
0x3: {  	_ = 	snop  }
0x4: {  	_ = 	snop  }
0x5: {  	_ = 	snop  }
0x6: {  	_ = 	snop  }
0x7: {  	_ = 	snop  }
__scs_overlays_trampoline_lowered:
0x8: {  	[smem:$0x3FA2] =	sst s0  }
0x9: {  	[smem:$0x3FA3] =	sst s1  }
0xa: {  	[smem:$0x3FA4] =	sst s2  }
0xb: {  	[smem:$0x3FA5] =	sst s3  }
0xc: {  	[smem:$0x3FA6] =	sst s4  }
0xd: {  	[smem:$0x3FA7] =	sst s5  }
0xe: {  	[smem:$0x3FA8] =	sst s6  }
0xf: {  	[smem:$0x3FA9] =	sst s7  }
0x10: {  	[smem:$0x3FAA] =	sst s8  }
0x11: {  	[smem:$0x3FAB] =	sst s9;
	s0 =	simm.s32 @!p0 $0x0  }
0x12: {  	s1 =	sld [smem:$0x3F91];
	s0 =	simm.s32 @p0 $0x1  }
0x13: {  	[smem:$0x3FAC] =	sst s0;
	s0 =	simm.s32 @!p1 $0x0  }
0x14: {  	s2 =	sld [smem:$0x3F90];
	s0 =	simm.s32 @p1 $0x1  }
0x15: {  	[smem:$0x3FAD] =	sst s0;
	s0 =	simm.s32 @!p2 $0x0  }
0x16: {  	s3 =	sld [smem:$0x3FDB];
	s0 =	simm.s32 @p2 $0x1  }
0x17: {  	s4 =	simm.s32 $0x1BF5;
	[smem:$0x3FAF] =	sst s0  }
0x18: {  	s0 =	sld [smem:$0x3F92];
	_ =	swait.ge [sflag:s4], $0x0  }
0x19: {  	s7 =	sld [smem:$0x3F93]  }
0x1a: {  	s8 =	sadd.s32 $0xFFFFE003, lr  }
0x1b: {  	s9 =	sadd.s32 $0xFFFFFEF7, lr;
	s5 =	simm.s32 $0xFFFFFFFF;
	p2 =	slt.u32 s8, $0xFFFFF086  }
0x1c: {  	p1 =	slt.u32 s9, $0xF7A;
	s5 =	simm.s32 @!p2 $0x0  }
0x1d: {  	s5 =	simm.s32 @p1 $0x1;
	p0 =	seq.s32 s7, s2  }
0x1e: {  	s7 =	smul.u32 @!p0 $0xF7A, s2;
	p2 =	seq.s32 @!p0 s5, $0x0  }
0x1f: {  	s9 =	smul.u32 $0xF7A, s1;
	s8 =	simm.s32 @!p0 $0x1BF5;
	p2 =	por !p2, p0  }
0x20: {  	[sflag:s8] =	ssyncset.s32 @!p0 $0xFFFFF086;
	s6 =	sadd.s32 @!p0 s3, s7;
	s7 =	simm.s32 @!p0 $0x108  }
0x21: {  	s3 =	sadd.s32 s3, s9;
	s6 =	sadd.s32 @!p0 $0x88, s6;
	s7 =	simm.s32 @p2 $0x1082  }
0x22: {  	[simem:s7], [sflag:s8] =	dma.local @!p0 [hbm:s6], $0xF7A  }
0x23: {  	s9 =	sor.u32 $0xD0000000, s2;
	s6 =	simm.s32 $0x108;
	_ =	swait.ge @!p0 [sflag:s8], $0x0  }
0x24: {  	s3 =	sadd.s32 $0x88, s3;
	s6 =	simm.s32 @!p1 $0x1082;
	[sflag:s4] =	ssyncset.s32 $0xFFFFF086  }
0x25: {  	[simem:s6], [sflag:s4] =	dma.local [hbm:s3], $0xF7A  }
0x26: {  	[smem:$0x3F93] =	sst s1;
	(tag) =	ssettag s2;
	_ =	strace s9  }
0x27: {  	s1 =	sld [smem:$0x3FA3]  }
0x28: {  	s2 =	sld [smem:$0x3FA4]  }
0x29: {  	s4 =	sld [smem:$0x3FA6]  }
0x2a: {  	p0 =	seq.s32 s5, $0x0;
	s5 =	sld [smem:$0x3FA7]  }
0x2b: {  	s6 =	sld [smem:$0x3FA8]  }
0x2c: {  	s7 =	sld [smem:$0x3FA9]  }
0x2d: {  	s3 =	simm.s32 $0x108;
	s8 =	sld [smem:$0x3FAA]  }
0x2e: {  	s3 =	simm.s32 @!p0 $0x1082;
	s9 =	sld [smem:$0x3FAB]  }
0x2f: {  	lr =	sadd.s32 s0, s3;
	s0 =	sld [smem:$0x3FA2]  }
0x30: {  	s3 =	sld [smem:$0x3FA5]  }
0x31: {  	[smem:$0x3FAE] =	sst s10  }
0x32: {  	s10 =	sld [smem:$0x3FAC];
	_ =	sdelay $0x3  }
0x33: {  	p0 =	seq.s32 s10, $0x1;
	s10 =	sld [smem:$0x3FAE];
	_ =	sdelay $0x3  }
0x34: {  	[smem:$0x3FAE] =	sst s10  }
0x35: {  	s10 =	sld [smem:$0x3FAD];
	_ =	sdelay $0x3  }
0x36: {  	p1 =	seq.s32 s10, $0x1;
	s10 =	sld [smem:$0x3FAE];
	_ =	sdelay $0x3  }
0x37: {  	[smem:$0x3FAE] =	sst s10  }
0x38: {  	s10 =	sld [smem:$0x3FAF]  }
0x39: {  	_ = 	snop;
	(pc) =	sbr.ind lr, $3  }
0x3a: {  	_ = 	snop  }
0x3b: {  	_ = 	snop  }
0x3c: {  	p2 =	seq.s32 s10, $0x1;
	s10 =	sld [smem:$0x3FAE]  }
0x3d: {  	_ =	shalt  }
0x3e: {  	_ =	shalt  }
0x3f: {  	_ =	shalt  }
0x40: {  	_ =	shalt  }
0x41: {  	_ =	shalt  }
0x42: {  	_ =	shalt  }
0x43: {  	_ =	shalt  }
0x44: {  	_ =	shalt  }
0x45: {  	_ =	shalt  }
0x46: {  	_ =	shalt  }
0x47: {  	_ =	shalt  }
0x48: {  	_ =	shalt  }
0x49: {  	_ =	shalt  }
0x4a: {  	_ =	shalt  }
0x4b: {  	_ =	shalt  }
0x4c: {  	_ =	shalt  }
0x4d: {  	_ =	shalt  }
0x4e: {  	_ =	shalt  }
0x4f: {  	_ =	shalt  }
0x50: {  	_ =	shalt  }
0x51: {  	_ =	shalt  }
0x52: {  	_ =	shalt  }
0x53: {  	_ =	shalt  }
0x54: {  	_ =	shalt  }
0x55: {  	_ =	shalt  }
0x56: {  	_ =	shalt  }
0x57: {  	_ =	shalt  }
0x58: {  	_ =	shalt  }
0x59: {  	_ =	shalt  }
0x5a: {  	_ =	shalt  }
0x5b: {  	_ =	shalt  }
0x5c: {  	_ =	shalt  }
0x5d: {  	_ =	shalt  }
0x5e: {  	_ =	shalt  }
0x5f: {  	_ =	shalt  }
0x60: {  	_ =	shalt  }
0x61: {  	_ =	shalt  }
0x62: {  	_ =	shalt  }
0x63: {  	_ =	shalt  }
0x64: {  	_ =	shalt  }
0x65: {  	_ =	shalt  }
0x66: {  	_ =	shalt  }
0x67: {  	_ =	shalt  }
0x68: {  	_ =	shalt  }
0x69: {  	_ =	shalt  }
0x6a: {  	_ =	shalt  }
0x6b: {  	_ =	shalt  }
0x6c: {  	_ =	shalt  }
0x6d: {  	_ =	shalt  }
0x6e: {  	_ =	shalt  }
0x6f: {  	_ =	shalt  }
0x70: {  	_ =	shalt  }
0x71: {  	_ =	shalt  }
0x72: {  	_ =	shalt  }
0x73: {  	_ =	shalt  }
0x74: {  	_ =	shalt  }
0x75: {  	_ =	shalt  }
0x76: {  	_ =	shalt  }
0x77: {  	_ =	shalt  }
0x78: {  	_ =	shalt  }
0x79: {  	_ =	shalt  }
0x7a: {  	_ =	shalt  }
0x7b: {  	_ =	shalt  }
0x7c: {  	_ =	shalt  }
0x7d: {  	_ =	shalt  }
0x7e: {  	_ =	shalt  }
0x7f: {  	_ =	shalt  }
0x80: {  	_ =	shalt  }
0x81: {  	_ =	shalt  }
0x82: {  	_ =	shalt  }
0x83: {  	_ =	shalt  }
0x84: {  	_ =	shalt  }
0x85: {  	_ =	shalt  }
0x86: {  	_ =	shalt  }
0x87: {  	_ =	shalt  }
.Lfunc_end0:
.L_simem_size_0:
called_computation.1_lowered:
.L_overlay_start_0:
0x88: {  	s2 =	sld [smem:$0x3FD9]  }
0x89: {  	s3 =	sld [smem:$0x3FFE];
	_ =	sdelay $0x1  }
0x8a: {  	s1 =	srdreg.scid  }
0x8b: {  	s0 =	sand.u32 $0x1, s1  }
0x8c: {  	s17 =	sshll.u32 s0, $0xA;
	s2 =	sadd.s32 s3, s2  }
0x8d: {  	s2 =	sadd.s32 s2, s17  }
0x8e: {  	[smem:$0x3FBA] =	sst s2  }
0x8f: {  	_ = 	snop  }
0x90: {  	s2 =	sld [smem:$0x3FD0];
	(tm) =	ssettm $0x1  }
0x91: {  	s18 =	sld [smem:$0x3FFB];
	_ =	sdelay $0x3  }
0x92: {  	_ =	strace s18  }
0x93: {  	s3 =	sld [smem:$0x3FFC];
	_ =	sdelay $0x3  }
0x94: {  	_ =	strace s3  }
0x95: {  	s3 =	sld [smem:$0x3FFD];
	_ =	sdelay $0x3  }
0x96: {  	_ =	strace s3  }
0x97: {  	_ =	strace $0x8FFFFFFF  }
0x98: {  	s19 =	sld [smem:$0x3FDB];
	_ =	sdelay $0x1  }
0x99: {  	s4 =	simm.s32 $_scs_section_size  }
0x9a: {  	s5 =	simm.s32 $_size__tile_overlayer_lowered;
	s6 =	simm.s32 $_tile_overlayer_lowered  }
0x9b: {  	s22 =	simm.s32 $0x1BFF;
	s21 =	sshll.u32 s6, $0x1;
	s3 =	sadd.s32 s4, s19  }
0x9c: {  	s7 =	simm.s32 $0x0;
	s20 =	sshll.u32 s5, $0x1;
	s5 =	sadd.s32 s21, s3  }
0x9d: {  	[timem:s7], [sflag:s22] =	dma.local [hbm:s5], s20  }
0x9e: {  	_ =	swait.ge [sflag:s22], s20  }
0x9f: {  	s4 =	ssub.s32 $0x0, s20;
	[sflag:s22] =	ssyncset.done $0x0  }
0xa0: {  	[sflag:s22] =	ssyncadd.s32 s4;
	_ =	sdelay $0x1  }
0xa1: {  	s23 =	simm.s32 $0x1B8B  }
0xa2: {  	_ =	swait.ge [sflag:s23], $0x1  }
0xa3: {  	[sflag:s23] =	ssyncset.done $0x0  }
0xa4: {  	s25 =	simm.s32 $0x1B8E;
	s24 =	sld [smem:$0x3FFE];
	[sflag:s23] =	ssyncadd.s32 $0xFFFFFFFF  }
0xa5: {  	s26 =	simm.s32 $execute0_lowered;
	[smem:$0x3FD2] =	sst s25  }
0xa6: {  	s5 =	sshll.u32 s26, $0x1;
	_ =	strace $0x80000049;
	[dreg:$0x1] =	wrdreg $0xFFFFFFFF  }
0xa7: {  	s28 =	simm.s32 $_size_execute0_lowered;
	s3 =	sadd.s32 s3, s5;
	[dreg:$0x0] =	wrdreg $0x0  }
0xa8: {  	s5 =	sshll.u32 s28, $0x1;
	[dreg:$0x2] =	wrdreg s3  }
0xa9: {  	[dreg:$0x3] =	wrdreg s5  }
0xaa: {  	[dreg:$0x4] =	wrdreg $0xC0  }
0xab: {  	_ =	task [dreg:s7], $0x5FFFF  }
0xac: {  	[dreg:$0x1] =	wrdreg $0xFFFFFFFF  }
0xad: {  	[dreg:$0x0] =	wrdreg $0x60  }
0xae: {  	[dreg:$0x2] =	wrdreg s2  }
0xaf: {  	[dreg:$0x3] =	wrdreg s24  }
0xb0: {  	[dreg:$0x4] =	wrdreg $0x70000  }
0xb1: {  	[dreg:$0x5] =	wrdreg $0x9  }
0xb2: {  	_ =	task.clear_ibuf [dreg:s7], $0x6FFFF;
	_ =	strace $0x90000049  }
0xb3: {  	s29 =	simm.s32 $0x9;
	_ =	strace $0x8000004B  }
0xb4: {  	_ =	swait.ge [sflag:s29], $0x1  }
0xb5: {  	[sflag:s29] =	ssyncadd.s32 $0xFFFFFFFF  }
0xb6: {  	_ =	strace $0x9000004B  }
0xb7: {  	_ =	sfence  }
0xb8: {  	s30 =	sld [smem:$0x0];
	_ =	sdelay $0x2  }
0xb9: {  	s31 =	sshll.u32 s1, $0xD;
	s1 =	sshrl.u32 s1, $0x2  }
0xba: {  	s3 =	sand.u32 $0x4000, s31;
	s1 =	sadd.s32 s1, s30  }
0xbb: {  	s0 =	sor.u32 s3, s0;
	s1 =	sshll.u32 s1, $0x11  }
0xbc: {  	s0 =	sor.u32 s1, s0  }
0xbd: {  	s0 =	sadd.s32 $0x8F2B, s0  }
0xbe: {  	[sflag:s0] =	ssyncadd.remote.s32 $0x1  }
0xbf: {  	_ =	sfence.sel $0xFFFF  }
0xc0: {  	[dreg:$0x0] =	wrdreg $0xFFFFFFFF;
	(pc) =	sbr.abs _section_cstart, $3  }
0xc1: {  	[dreg:$0x1] =	wrdreg $0xFFFFFFFF  }
0xc2: {  	_ =	task.clear_ibuf [dreg:s7], $0x2FFFF;
	_ =	strace $0x9FFFFFFF  }
0xc3: {  	(tm) =	ssettm $0x7FFFFFFF  }
tec
execute0_lowered:
.L_overlay_start_1:
0x0: {  	(tag) =	ssettag $0x1  }
0x1: {  	s0 =	rddreg [dreg:$0x0]  }
0x2: {  	s1 =	rddreg [dreg:$0x1]  }
0x3: {  	s10 =	rddreg [dreg:$0x2];
	s2 =	simm.s32 $0x0  }
0x4: {  	[smem:$0x7FF] =	sst s2;
	s9 =	sadd.s32 $0x50000, s10  }
0x5: {  	s11 =	sadd.s32 $0x2800, s10;
	_ =	strace $0x8000004A;
	[dreg:$0x4] =	wrdreg s9  }
0x6: {  	s12 =	sadd.s32 $0x5000, s10;
	[dreg:$0x5] =	wrdreg s11  }
0x7: {  	s13 =	sadd.s32 $0x7800, s10;
	[dreg:$0x6] =	wrdreg s12  }
0x8: {  	s14 =	sadd.s32 $0xA000, s10;
	[dreg:$0x7] =	wrdreg s13  }
0x9: {  	s15 =	sadd.s32 $0xC800, s10;
	[dreg:$0x8] =	wrdreg s14  }
0xa: {  	s16 =	sadd.s32 $0xF000, s10;
	[dreg:$0x9] =	wrdreg s15  }
0xb: {  	s17 =	sadd.s32 $0x11800, s10;
	[dreg:$0xa] =	wrdreg s16  }
0xc: {  	s18 =	sadd.s32 $0x14000, s10;
	[dreg:$0xb] =	wrdreg s17  }
0xd: {  	s19 =	sadd.s32 $0x16800, s10;
	[dreg:$0xc] =	wrdreg s18  }
0xe: {  	s20 =	sadd.s32 $0x19000, s10;
	[dreg:$0xd] =	wrdreg s19  }
0xf: {  	s21 =	sadd.s32 $0x1B800, s10;
	[dreg:$0xe] =	wrdreg s20  }
0x10: {  	s22 =	sadd.s32 $0x1E000, s10;
	[dreg:$0xf] =	wrdreg s21  }
0x11: {  	s23 =	sadd.s32 $0x20800, s10;
	[dreg:$0x10] =	wrdreg s22  }
0x12: {  	s24 =	sadd.s32 $0x23000, s10;
	[dreg:$0x11] =	wrdreg s23  }
0x13: {  	s25 =	sadd.s32 $0x25800, s10;
	[dreg:$0x12] =	wrdreg s24  }
0x14: {  	s26 =	sadd.s32 $0x28000, s10;
	[dreg:$0x13] =	wrdreg s25  }
0x15: {  	s28 =	sadd.s32 $0x2A800, s10;
	[dreg:$0x14] =	wrdreg s26  }
0x16: {  	s29 =	sadd.s32 $0x2D000, s10;
	[dreg:$0x15] =	wrdreg s28  }
0x17: {  	s30 =	sadd.s32 $0x2F800, s10;
	[dreg:$0x16] =	wrdreg s29  }
0x18: {  	s31 =	sadd.s32 $0x32000, s10;
	[dreg:$0x17] =	wrdreg s30  }
0x19: {  	s3 =	sadd.s32 $0x34800, s10;
	[dreg:$0x18] =	wrdreg s31  }
0x1a: {  	s4 =	sadd.s32 $0x37000, s10;
	[dreg:$0x19] =	wrdreg s3  }
0x1b: {  	s5 =	sadd.s32 $0x39800, s10;
	[dreg:$0x1a] =	wrdreg s4  }
0x1c: {  	s6 =	sadd.s32 $0x3C000, s10;
	[dreg:$0x1b] =	wrdreg s5  }
0x1d: {  	s7 =	sadd.s32 $0x3E800, s10;
	[dreg:$0x1c] =	wrdreg s6  }
0x1e: {  	s8 =	sadd.s32 $0x41000, s10;
	[dreg:$0x1d] =	wrdreg s7  }
0x1f: {  	[dreg:$0x1e] =	wrdreg s8;
	s9 =	sadd.s32 $0x43800, s10  }
0x20: {  	s11 =	sadd.s32 $0x46000, s10;
	[dreg:$0x1f] =	wrdreg s9  }
0x21: {  	s12 =	sadd.s32 $0x48800, s10;
	[smem:$0x7D3] =	sst s11  }
0x22: {  	s13 =	sadd.s32 $0x4B000, s10;
	[smem:$0x7D4] =	sst s12  }
0x23: {  	s14 =	sadd.s32 $0x4D800, s10;
	[smem:$0x7D5] =	sst s13  }
0x24: {  	s15 =	sadd.s32 $0x52800, s10;
	[smem:$0x7D6] =	sst s14  }
0x25: {  	s16 =	sadd.s32 $0x55000, s10;
	[smem:$0x7D7] =	sst s15  }
0x26: {  	s17 =	sadd.s32 $0x57800, s10;
	[smem:$0x7D8] =	sst s16  }
0x27: {  	s18 =	sadd.s32 $0x5A000, s10;
	[smem:$0x7D9] =	sst s17  }
0x28: {  	s19 =	sadd.s32 $0x5C800, s10;
	[smem:$0x7DA] =	sst s18  }
0x29: {  	s20 =	sadd.s32 $0x5F000, s10;
	[smem:$0x7DB] =	sst s19  }
0x2a: {  	s21 =	sadd.s32 $0x61800, s10;
	[smem:$0x7DC] =	sst s20  }
0x2b: {  	s22 =	sadd.s32 $0x64000, s10;
	[smem:$0x7DD] =	sst s21  }
0x2c: {  	s23 =	sadd.s32 $0x66800, s10;
	[smem:$0x7DE] =	sst s22  }
0x2d: {  	s24 =	sadd.s32 $0x69000, s10;
	[smem:$0x7DF] =	sst s23  }
0x2e: {  	s25 =	sadd.s32 $0x6B800, s10;
	[smem:$0x7E0] =	sst s24  }
0x2f: {  	s26 =	sadd.s32 $0x6E000, s10;
	[smem:$0x7E1] =	sst s25  }
0x30: {  	s28 =	sadd.s32 $0x70800, s10;
	[smem:$0x7E2] =	sst s26  }
0x31: {  	s29 =	sadd.s32 $0x73000, s10;
	[smem:$0x7E3] =	sst s28  }
0x32: {  	s30 =	sadd.s32 $0x75800, s10;
	[smem:$0x7E4] =	sst s29  }
0x33: {  	s31 =	sadd.s32 $0x78000, s10;
	[smem:$0x7E5] =	sst s30  }
0x34: {  	s9 =	sadd.s32 $0x3FA00, s1;
	[smem:$0x7E7] =	sst s31  }
0x35: {  	s11 =	sadd.s32 $0x7D000, s10;
	[smem:$0x7E6] =	sst s9  }
0x36: {  	s13 =	sadd.s32 $0x7F800, s10;
	[smem:$0x7E9] =	sst s11  }
0x37: {  	s14 =	sadd.s32 $0x82000, s10;
	[smem:$0x7EA] =	sst s13  }
0x38: {  	s15 =	sadd.s32 $0x84800, s10;
	[smem:$0x7EB] =	sst s14  }
0x39: {  	s16 =	sadd.s32 $0x87000, s10;
	[smem:$0x7EC] =	sst s15  }
0x3a: {  	s17 =	sadd.s32 $0x89800, s10;
	[smem:$0x7ED] =	sst s16  }
0x3b: {  	s3 =	srdreg.scid;
	s19 =	sadd.s32 $0x8C000, s10;
	[smem:$0x7EE] =	sst s17  }
0x3c: {  	s8 =	stileid.u32;
	s20 =	sadd.s32 $0x8E800, s10;
	[smem:$0x7EF] =	sst s19  }
0x3d: {  	s3 =	sand.u32 $0x1, s3;
	s21 =	sadd.s32 $0x91000, s10;
	[smem:$0x7F1] =	sst s20  }
0x3e: {  	s4 =	sshll.u32 s8, $0x1;
	s23 =	sadd.s32 $0x93800, s10;
	[smem:$0x7F3] =	sst s21  }
0x3f: {  	s5 =	smul.u32 $0x5000, s8;
	s25 =	sadd.s32 $0x96000, s10;
	[smem:$0x7F4] =	sst s23  }
0x40: {  	s8 =	smul.u32 $0xA000, s8;
	s28 =	sadd.s32 $0x98800, s10;
	[smem:$0x7F6] =	sst s25  }
0x41: {  	s29 =	sadd.s32 $0x9B000, s10;
	s30 =	sadd.s32 $0x9D800, s10;
	[smem:$0x7F9] =	sst s28  }
0x42: {  	s4 =	sor.u32 s3, s4;
	s9 =	sadd.s32 $0x7A800, s10;
	[smem:$0x7FB] =	sst s29  }
0x43: {  	s12 =	sshll.u32 s3, $0x7;
	s3 =	ssub.s32 $0x2, s3;
	[smem:$0x7FD] =	sst s30  }
0x44: {  	s4 =	smul.u32 $0x500, s4;
	s7 =	sshrl.u32 s5, $0x3;
	[smem:$0x7E8] =	sst s9  }
0x45: {  	s8 =	sor.u32 s12, s8;
	s18 =	sshrl.u32 s3, $0x1;
	s24 =	sadd.s32 s5, s10  }
0x46: {  	s7 =	sadd.s32 s7, s1;
	[smem:$0x7F7] =	sst s24;
	s2 =	sadd.s32 $0x50000, s24  }
0x47: {  	s8 =	sshrl.u32 s8, $0x3;
	s0 =	sadd.s32 s0, s4;
	[smem:$0x7F8] =	sst s2  }
0x48: {  	s3 =	ssub.s32 s3, s18;
	s26 =	sadd.s32 $0x35A00, s7;
	[smem:$0x7F0] =	sst s0  }
0x49: {  	s6 =	sadd.s32 s4, s1;
	s31 =	smax.u32 s3, $0x1;
	[smem:$0x7F5] =	sst s26  }
0x4a: {  	s1 =	sadd.s32 s8, s1;
	s22 =	sadd.s32 $0x3A00, s6;
	[smem:$0x7FC] =	sst s31  }
0x4b: {  	s13 =	simm.s32 $0x80;
	s1 =	sadd.s32 $0x40600, s1;
	[smem:$0x7F2] =	sst s22  }
0x4c: {  	s3 =	simm.s32 $0x3;
	[smem:$0x7FA] =	sst s1;
	s1 =	simm.s32 $0x0  }
.LBB2_1:
0x4d: {  	s0 =	sld [smem:$0x7F0];
	_ =	sdelay $0x1  }
0x4e: {  	[smem:$0x7C9] =	sst s1;
	s2 =	simm.s32 $0x0  }
0x4f: {  	[tilespmem:s2], [sflag:$0x3] =	stream.linear.gather [hbm4b:s0+s2], $0x2780, $0x38;
	[tilespmem:$0x11000] =	vst v63  }
0x50: {  	_ =	swait.ge [sflag:s3], $0x2780  }
0x51: {  	s11 =	sld [smem:$0x7F2]  }
0x52: {  	[sflag:s3] =	ssyncset.done $0x0  }
0x53: {  	s5 =	simm.s32 $0x2800;
	[sflag:s3] =	ssyncadd.s32 $0xFFFFD880  }
0x54: {  	[tilespmem:s5], [sflag:$0x3] =	stream.linear.gather [hbm4b:s11+s2], $0x2780, $0x38;
	[tilespmem:$0x11000] =	vst v63  }
0x55: {  	_ =	swait.ge [sflag:s3], $0x2780  }
0x56: {  	s14 =	sld [smem:$0x7F7]  }
0x57: {  	s12 =	stileid.u32;
	s15 =	sld [smem:$0x7F5]  }
0x58: {  	s0 =	sshll.u32 s12, $0x6;
	[sflag:s3] =	ssyncset.done $0x0  }
0x59: {  	s4 =	sor.u32 $0x1C03, s0;
	[sflag:s3] =	ssyncadd.s32 $0xFFFFD880;
	s0 =	sshrl.u32 s14, $0x3  }
0x5a: {  	[spmem:s0], [sflag:s4] =	dma.local [hbm:s15], $0xA00  }
0x5b: {  	_ =	swait.ge [sflag:s3], $0xA00  }
0x5c: {  	s16 =	sld [smem:$0x7F8];
	_ =	sdelay $0x1  }
0x5d: {  	s18 =	sld [smem:$0x7E6]  }
0x5e: {  	[sflag:s3] =	ssyncset.done $0x0;
	[smem:$0x7CA] =	sst s4;
	s17 =	sshrl.u32 s16, $0x3  }
0x5f: {  	[sflag:s3] =	ssyncadd.s32 $0xFFFFF600;
	[smem:$0x7CB] =	sst s17  }
0x60: {  	[spmem:s17], [sflag:s4] =	dma.local [hbm:s18], $0xA00  }
0x61: {  	_ =	swait.ge [sflag:s3], $0xA00  }
0x62: {  	s19 =	simm.s32 $0x0;
	[sflag:s3] =	ssyncset.done $0x0  }
0x63: {  	s11 =	sand.u32 $0x1000, s19;
	[sflag:s3] =	ssyncadd.s32 $0xFFFFF600  }
0x64: {  	s20 =	sadd.s32 $0x5000, s11;
	[bflag:$0x0] =	sbarrier.arrive $0xFFFF  }
0x65: {  	[smem:$0x7CC] =	sst s20  }
0x66: {  	s21 =	rddreg [dreg:$0x5]  }
0x67: {  	s23 =	sadd.s32 $0x5080, s11;
	s22 =	rddreg [dreg:$0x2]  }
0x68: {  	[smem:$0x7CD] =	sst s23  }
0x69: {  	s25 =	sadd.s32 $0x5100, s11;
	s24 =	rddreg [dreg:$0x6]  }
0x6a: {  	[smem:$0x7CE] =	sst s25  }
0x6b: {  	s29 =	sadd.s32 $0x5180, s11;
	s26 =	rddreg [dreg:$0x7]  }
0x6c: {  	[smem:$0x7CF] =	sst s29  }
0x6d: {  	[tilespmem:s20], [sflag:$0x1] =	stream.indirect.gather [spmem:s22], $0x1, s2, s13, $0xb8;
	[tilespmem:$0x11000] =	vst v63  }
0x6e: {  	s30 =	rddreg [dreg:$0x8]  }
0x6f: {  	[tilespmem:s23], [sflag:$0x1] =	stream.indirect.gather [spmem:s21], $0x1, s2, s13, $0xb8;
	[tilespmem:$0x11000] =	vst v63  }
0x70: {  	s1 =	sadd.s32 $0x5280, s11;
	s31 =	rddreg [dreg:$0x9]  }
0x71: {  	[tilespmem:s25], [sflag:$0x1] =	stream.indirect.gather [spmem:s24], $0x1, s2, s13, $0xb8;
	[tilespmem:$0x11000] =	vst v63  }
0x72: {  	[smem:$0x7D0] =	sst s1  }
0x73: {  	[tilespmem:s29], [sflag:$0x1] =	stream.indirect.gather [spmem:s26], $0x1, s2, s13, $0xb8;
	[tilespmem:$0x11000] =	vst v63  }
0x74: {  	s7 =	sadd.s32 $0x5300, s11;
	s4 =	sadd.s32 $0x5200, s11;
	s6 =	rddreg [dreg:$0xa]  }
0x75: {  	[tilespmem:s4], [sflag:$0x1] =	stream.indirect.gather [spmem:s30], $0x1, s2, s13, $0xb8;
	[tilespmem:$0x11000] =	vst v63  }
0x76: {  	[smem:$0x7D1] =	sst s7  }
0x77: {  	[tilespmem:s1], [sflag:$0x1] =	stream.indirect.gather [spmem:s31], $0x1, s2, s13, $0xb8;
	[tilespmem:$0x11000] =	vst v63  }
0x78: {  	s8 =	rddreg [dreg:$0xb]  }
0x79: {  	[tilespmem:s7], [sflag:$0x1] =	stream.indirect.gather [spmem:s6], $0x1, s2, s13, $0xb8;
	[tilespmem:$0x11000] =	vst v63  }
0x7a: {  	s9 =	rddreg [dreg:$0xc];
	s7 =	sadd.s32 $0x5380, s11  }
0x7b: {  	[tilespmem:s7], [sflag:$0x1] =	stream.indirect.gather [spmem:s8], $0x1, s2, s13, $0xb8;
	[tilespmem:$0x11000] =	vst v63  }
0x7c: {  	s10 =	rddreg [dreg:$0xd];
	s8 =	sadd.s32 $0x5400, s11  }
0x7d: {  	[tilespmem:s8], [sflag:$0x1] =	stream.indirect.gather [spmem:s9], $0x1, s2, s13, $0xb8;
	[tilespmem:$0x11000] =	vst v63  }
0x7e: {  	s12 =	rddreg [dreg:$0xe];
	s9 =	sadd.s32 $0x5480, s11  }
0x7f: {  	[tilespmem:s9], [sflag:$0x1] =	stream.indirect.gather [spmem:s10], $0x1, s2, s13, $0xb8;
	[tilespmem:$0x11000] =	vst v63  }
0x80: {  	s14 =	rddreg [dreg:$0xf];
	s10 =	sadd.s32 $0x5500, s11  }
0x81: {  	[tilespmem:s10], [sflag:$0x1] =	stream.indirect.gather [spmem:s12], $0x1, s2, s13, $0xb8;
	[tilespmem:$0x11000] =	vst v63  }
0x82: {  	s15 =	rddreg [dreg:$0x10];
	s12 =	sadd.s32 $0x5580, s11  }
0x83: {  	[tilespmem:s12], [sflag:$0x1] =	stream.indirect.gather [spmem:s14], $0x1, s2, s13, $0xb8;
	[tilespmem:$0x11000] =	vst v63  }
0x84: {  	s16 =	rddreg [dreg:$0x11];
	s14 =	sadd.s32 $0x5600, s11  }
0x85: {  	[tilespmem:s14], [sflag:$0x1] =	stream.indirect.gather [spmem:s15], $0x1, s2, s13, $0xb8;
	[tilespmem:$0x11000] =	vst v63  }
0x86: {  	s17 =	rddreg [dreg:$0x12];
	s15 =	sadd.s32 $0x5680, s11  }
0x87: {  	[tilespmem:s15], [sflag:$0x1] =	stream.indirect.gather [spmem:s16], $0x1, s2, s13, $0xb8;
	[tilespmem:$0x11000] =	vst v63  }
0x88: {  	s18 =	rddreg [dreg:$0x13];
	s16 =	sadd.s32 $0x5700, s11  }
0x89: {  	[tilespmem:s16], [sflag:$0x1] =	stream.indirect.gather [spmem:s17], $0x1, s2, s13, $0xb8;
	[tilespmem:$0x11000] =	vst v63  }
0x8a: {  	s19 =	rddreg [dreg:$0x14];
	s17 =	sadd.s32 $0x5780, s11  }
0x8b: {  	[tilespmem:s17], [sflag:$0x1] =	stream.indirect.gather [spmem:s18], $0x1, s2, s13, $0xb8;
	[tilespmem:$0x11000] =	vst v63  }
0x8c: {  	s3 =	rddreg [dreg:$0x1f];
	s18 =	sadd.s32 $0x5800, s11  }
0x8d: {  	[tilespmem:s18], [sflag:$0x1] =	stream.indirect.gather [spmem:s19], $0x1, s2, s13, $0xb8;
	[tilespmem:$0x11000] =	vst v63  }
0x8e: {  	s20 =	rddreg [dreg:$0x15];
	s19 =	sadd.s32 $0x5880, s11  }
0x8f: {  	[tilespmem:s19], [sflag:$0x1] =	stream.indirect.gather [spmem:s20], $0x1, s2, s13, $0xb8;
	[tilespmem:$0x11000] =	vst v63  }
0x90: {  	s21 =	rddreg [dreg:$0x16];
	s20 =	sadd.s32 $0x5900, s11  }
0x91: {  	[tilespmem:s20], [sflag:$0x1] =	stream.indirect.gather [spmem:s21], $0x1, s2, s13, $0xb8;
	[tilespmem:$0x11000] =	vst v63  }
0x92: {  	s22 =	rddreg [dreg:$0x17];
	s21 =	sadd.s32 $0x5980, s11  }
0x93: {  	[tilespmem:s21], [sflag:$0x1] =	stream.indirect.gather [spmem:s22], $0x1, s2, s13, $0xb8;
	[tilespmem:$0x11000] =	vst v63  }
0x94: {  	s23 =	rddreg [dreg:$0x18];
	s22 =	sadd.s32 $0x5A00, s11  }
0x95: {  	[tilespmem:s22], [sflag:$0x1] =	stream.indirect.gather [spmem:s23], $0x1, s2, s13, $0xb8;
	[tilespmem:$0x11000] =	vst v63  }
0x96: {  	s24 =	rddreg [dreg:$0x19];
	s23 =	sadd.s32 $0x5A80, s11  }
0x97: {  	[tilespmem:s23], [sflag:$0x1] =	stream.indirect.gather [spmem:s24], $0x1, s2, s13, $0xb8;
	[tilespmem:$0x11000] =	vst v63  }
0x98: {  	s25 =	rddreg [dreg:$0x1a];
	s24 =	sadd.s32 $0x5B00, s11  }
0x99: {  	[tilespmem:s24], [sflag:$0x1] =	stream.indirect.gather [spmem:s25], $0x1, s2, s13, $0xb8;
	[tilespmem:$0x11000] =	vst v63  }
0x9a: {  	s26 =	rddreg [dreg:$0x1b];
	s25 =	sadd.s32 $0x5B80, s11  }
0x9b: {  	[tilespmem:s25], [sflag:$0x1] =	stream.indirect.gather [spmem:s26], $0x1, s2, s13, $0xb8;
	[tilespmem:$0x11000] =	vst v63  }
0x9c: {  	s29 =	rddreg [dreg:$0x1c];
	s26 =	sadd.s32 $0x5C00, s11  }
0x9d: {  	[tilespmem:s26], [sflag:$0x1] =	stream.indirect.gather [spmem:s29], $0x1, s2, s13, $0xb8;
	[tilespmem:$0x11000] =	vst v63  }
0x9e: {  	s30 =	rddreg [dreg:$0x1d];
	s29 =	sadd.s32 $0x5C80, s11  }
0x9f: {  	[tilespmem:s29], [sflag:$0x1] =	stream.indirect.gather [spmem:s30], $0x1, s2, s13, $0xb8;
	[tilespmem:$0x11000] =	vst v63  }
0xa0: {  	s31 =	rddreg [dreg:$0x1e];
	s30 =	sadd.s32 $0x5D00, s11  }
0xa1: {  	[tilespmem:s30], [sflag:$0x1] =	stream.indirect.gather [spmem:s31], $0x1, s2, s13, $0xb8;
	[tilespmem:$0x11000] =	vst v63  }
0xa2: {  	s6 =	sld [smem:$0x7D3];
	s31 =	sadd.s32 $0x5D80, s11  }
0xa3: {  	[tilespmem:s31], [sflag:$0x1] =	stream.indirect.gather [spmem:s3], $0x1, s2, s13, $0xb8;
	[tilespmem:$0x11000] =	vst v63  }
0xa4: {  	s0 =	sld [smem:$0x7D4];
	s3 =	sadd.s32 $0x5E00, s11  }
0xa5: {  	[tilespmem:s3], [sflag:$0x1] =	stream.indirect.gather [spmem:s6], $0x1, s2, s13, $0xb8;
	[tilespmem:$0x11000] =	vst v63  }
0xa6: {  	s28 =	sld [smem:$0x7D5];
	s6 =	sadd.s32 $0x5E80, s11  }
0xa7: {  	[tilespmem:s6], [sflag:$0x1] =	stream.indirect.gather [spmem:s0], $0x1, s2, s13, $0xb8;
	[tilespmem:$0x11000] =	vst v63  }
0xa8: {  	s1 =	sadd.s32 $0x5F00, s11;
	s0 =	sld [smem:$0x7D6]  }
0xa9: {  	[tilespmem:s1], [sflag:$0x1] =	stream.indirect.gather [spmem:s28], $0x1, s2, s13, $0xb8;
	[tilespmem:$0x11000] =	vst v63  }
0xaa: {  	s28 =	sadd.s32 $0x5F80, s11;
	s11 =	simm.s32 $0x1  }
0xab: {  	[tilespmem:s28], [sflag:$0x1] =	stream.indirect.gather [spmem:s0], $0x1, s2, s13, $0xb8;
	[tilespmem:$0x11000] =	vst v63  }
0xac: {  	_ =	swait.ge [sflag:s11], $0x1000  }
0xad: {  	p0 =	por $0x1, $0x1;
	[sflag:s11] =	ssyncset.done $0x0  }
0xae: {  	s0 =	simm.s32 @!p0 $0x2;
	[sflag:s11] =	ssyncadd.s32 $0xFFFFF000  }
0xaf: {  	_ =	swait.ge @!p0 [sflag:s0], $0x1000  }
0xb0: {  	s2 =	sld [smem:$0x7CC]  }
0xb1: {  	s11 =	rddreg [dreg:$0x4];
	[sflag:s0] =	ssyncset.done @!p0 $0x0  }
0xb2: {  	[sflag:s0] =	ssyncadd.s32 @!p0 $0xFFFFF000;
	s0 =	sld [smem:$0x7D7]  }
0xb3: {  	[spmem:s11] =	stream.indirect.scatter.add.f32 [tilespmem:s2], [sflag:$0x2], $0x1, s5, s13, $0xb8;
	[tilespmem:$0x11000] =	vst v63  }
0xb4: {  	s2 =	sld [smem:$0x7CD];
	_ =	sdelay $0x1  }
0xb5: {  	s11 =	sld [smem:$0x7D8]  }
0xb6: {  	[spmem:s0] =	stream.indirect.scatter.add.f32 [tilespmem:s2], [sflag:$0x2], $0x1, s5, s13, $0xb8;
	[tilespmem:$0x11000] =	vst v63  }
0xb7: {  	s2 =	sld [smem:$0x7CE];
	_ =	sdelay $0x1  }
0xb8: {  	s0 =	sld [smem:$0x7D9]  }
0xb9: {  	[spmem:s11] =	stream.indirect.scatter.add.f32 [tilespmem:s2], [sflag:$0x2], $0x1, s5, s13, $0xb8;
	[tilespmem:$0x11000] =	vst v63  }
0xba: {  	s2 =	sld [smem:$0x7CF];
	_ =	sdelay $0x1  }
0xbb: {  	s11 =	sld [smem:$0x7DA]  }
0xbc: {  	[spmem:s0] =	stream.indirect.scatter.add.f32 [tilespmem:s2], [sflag:$0x2], $0x1, s5, s13, $0xb8;
	[tilespmem:$0x11000] =	vst v63  }
0xbd: {  	s2 =	sld [smem:$0x7DB]  }
0xbe: {  	[spmem:s11] =	stream.indirect.scatter.add.f32 [tilespmem:s4], [sflag:$0x2], $0x1, s5, s13, $0xb8;
	[tilespmem:$0x11000] =	vst v63  }
0xbf: {  	s11 =	sld [smem:$0x7D0];
	_ =	sdelay $0x1  }
0xc0: {  	s4 =	sld [smem:$0x7DC]  }
0xc1: {  	[spmem:s2] =	stream.indirect.scatter.add.f32 [tilespmem:s11], [sflag:$0x2], $0x1, s5, s13, $0xb8;
	[tilespmem:$0x11000] =	vst v63  }
0xc2: {  	s11 =	sld [smem:$0x7D1];
	_ =	sdelay $0x1  }
0xc3: {  	s0 =	sld [smem:$0x7DD]  }
0xc4: {  	[spmem:s4] =	stream.indirect.scatter.add.f32 [tilespmem:s11], [sflag:$0x2], $0x1, s5, s13, $0xb8;
	[tilespmem:$0x11000] =	vst v63  }
0xc5: {  	s11 =	sld [smem:$0x7DE]  }
0xc6: {  	[spmem:s0] =	stream.indirect.scatter.add.f32 [tilespmem:s7], [sflag:$0x2], $0x1, s5, s13, $0xb8;
	[tilespmem:$0x11000] =	vst v63  }
0xc7: {  	s2 =	sld [smem:$0x7DF]  }
0xc8: {  	[spmem:s11] =	stream.indirect.scatter.add.f32 [tilespmem:s8], [sflag:$0x2], $0x1, s5, s13, $0xb8;
	[tilespmem:$0x11000] =	vst v63  }
0xc9: {  	s7 =	sld [smem:$0x7E0]  }
0xca: {  	[spmem:s2] =	stream.indirect.scatter.add.f32 [tilespmem:s9], [sflag:$0x2], $0x1, s5, s13, $0xb8;
	[tilespmem:$0x11000] =	vst v63  }
0xcb: {  	s8 =	sld [smem:$0x7E1]  }
0xcc: {  	[spmem:s7] =	stream.indirect.scatter.add.f32 [tilespmem:s10], [sflag:$0x2], $0x1, s5, s13, $0xb8;
	[tilespmem:$0x11000] =	vst v63  }
0xcd: {  	s9 =	sld [smem:$0x7E2]  }
0xce: {  	[spmem:s8] =	stream.indirect.scatter.add.f32 [tilespmem:s12], [sflag:$0x2], $0x1, s5, s13, $0xb8;
	[tilespmem:$0x11000] =	vst v63  }
0xcf: {  	s10 =	sld [smem:$0x7E3]  }
0xd0: {  	[spmem:s9] =	stream.indirect.scatter.add.f32 [tilespmem:s14], [sflag:$0x2], $0x1, s5, s13, $0xb8;
	[tilespmem:$0x11000] =	vst v63  }
0xd1: {  	s11 =	sld [smem:$0x7E4]  }
0xd2: {  	[spmem:s10] =	stream.indirect.scatter.add.f32 [tilespmem:s15], [sflag:$0x2], $0x1, s5, s13, $0xb8;
	[tilespmem:$0x11000] =	vst v63  }
0xd3: {  	s12 =	sld [smem:$0x7E5]  }
0xd4: {  	[spmem:s11] =	stream.indirect.scatter.add.f32 [tilespmem:s16], [sflag:$0x2], $0x1, s5, s13, $0xb8;
	[tilespmem:$0x11000] =	vst v63  }
0xd5: {  	s14 =	sld [smem:$0x7E7]  }
0xd6: {  	[spmem:s12] =	stream.indirect.scatter.add.f32 [tilespmem:s17], [sflag:$0x2], $0x1, s5, s13, $0xb8;
	[tilespmem:$0x11000] =	vst v63  }
0xd7: {  	s15 =	sld [smem:$0x7E8]  }
0xd8: {  	[spmem:s14] =	stream.indirect.scatter.add.f32 [tilespmem:s18], [sflag:$0x2], $0x1, s5, s13, $0xb8;
	[tilespmem:$0x11000] =	vst v63  }
0xd9: {  	s16 =	sld [smem:$0x7E9]  }
0xda: {  	[spmem:s15] =	stream.indirect.scatter.add.f32 [tilespmem:s19], [sflag:$0x2], $0x1, s5, s13, $0xb8;
	[tilespmem:$0x11000] =	vst v63  }
0xdb: {  	s17 =	sld [smem:$0x7EA]  }
0xdc: {  	[spmem:s16] =	stream.indirect.scatter.add.f32 [tilespmem:s20], [sflag:$0x2], $0x1, s5, s13, $0xb8;
	[tilespmem:$0x11000] =	vst v63  }
0xdd: {  	s18 =	sld [smem:$0x7EB]  }
0xde: {  	[spmem:s17] =	stream.indirect.scatter.add.f32 [tilespmem:s21], [sflag:$0x2], $0x1, s5, s13, $0xb8;
	[tilespmem:$0x11000] =	vst v63  }
0xdf: {  	s19 =	sld [smem:$0x7EC]  }
0xe0: {  	[spmem:s18] =	stream.indirect.scatter.add.f32 [tilespmem:s22], [sflag:$0x2], $0x1, s5, s13, $0xb8;
	[tilespmem:$0x11000] =	vst v63  }
0xe1: {  	s20 =	sld [smem:$0x7ED]  }
0xe2: {  	[spmem:s19] =	stream.indirect.scatter.add.f32 [tilespmem:s23], [sflag:$0x2], $0x1, s5, s13, $0xb8;
	[tilespmem:$0x11000] =	vst v63  }
0xe3: {  	s21 =	sld [smem:$0x7EE]  }
0xe4: {  	[spmem:s20] =	stream.indirect.scatter.add.f32 [tilespmem:s24], [sflag:$0x2], $0x1, s5, s13, $0xb8;
	[tilespmem:$0x11000] =	vst v63  }
0xe5: {  	s22 =	sld [smem:$0x7EF]  }
0xe6: {  	[spmem:s21] =	stream.indirect.scatter.add.f32 [tilespmem:s25], [sflag:$0x2], $0x1, s5, s13, $0xb8;
	[tilespmem:$0x11000] =	vst v63  }
0xe7: {  	s23 =	sld [smem:$0x7F1]  }
0xe8: {  	[spmem:s22] =	stream.indirect.scatter.add.f32 [tilespmem:s26], [sflag:$0x2], $0x1, s5, s13, $0xb8;
	[tilespmem:$0x11000] =	vst v63  }
0xe9: {  	s24 =	sld [smem:$0x7F3]  }
0xea: {  	[spmem:s23] =	stream.indirect.scatter.add.f32 [tilespmem:s29], [sflag:$0x2], $0x1, s5, s13, $0xb8;
	[tilespmem:$0x11000] =	vst v63  }
0xeb: {  	s25 =	sld [smem:$0x7F4]  }
0xec: {  	[spmem:s24] =	stream.indirect.scatter.add.f32 [tilespmem:s30], [sflag:$0x2], $0x1, s5, s13, $0xb8;
	[tilespmem:$0x11000] =	vst v63  }
0xed: {  	s26 =	sld [smem:$0x7F6]  }
0xee: {  	[spmem:s25] =	stream.indirect.scatter.add.f32 [tilespmem:s31], [sflag:$0x2], $0x1, s5, s13, $0xb8;
	[tilespmem:$0x11000] =	vst v63  }
0xef: {  	s29 =	sld [smem:$0x7F9]  }
0xf0: {  	[spmem:s26] =	stream.indirect.scatter.add.f32 [tilespmem:s3], [sflag:$0x2], $0x1, s5, s13, $0xb8;
	[tilespmem:$0x11000] =	vst v63  }
0xf1: {  	s0 =	simm.s32 $0x2800;
	s30 =	sld [smem:$0x7FB];
	s31 =	simm.s32 $0x4000  }
0xf2: {  	[spmem:s29] =	stream.indirect.scatter.add.f32 [tilespmem:s6], [sflag:$0x2], $0x1, s5, s13, $0xb8;
	[tilespmem:$0x11000] =	vst v63  }
0xf3: {  	s2 =	simm.s32 $0x1000;
	s22 =	simm.s32 $0x2880;
	[smem:$0x7D2] =	sst s31  }
0xf4: {  	[spmem:s30] =	stream.indirect.scatter.add.f32 [tilespmem:s1], [sflag:$0x2], $0x1, s0, s13, $0xb8;
	[tilespmem:$0x11000] =	vst v63  }
0xf5: {  	s24 =	simm.s32 $0x80;
	s26 =	simm.s32 $0x8000;
	s1 =	sld [smem:$0x7FD]  }
.LBB2_2:
0xf6: {  	s5 =	rddreg [dreg:$0x5]  }
0xf7: {  	s6 =	rddreg [dreg:$0x2]  }
0xf8: {  	s8 =	rddreg [dreg:$0x6]  }
0xf9: {  	s10 =	rddreg [dreg:$0x7]  }
0xfa: {  	s12 =	rddreg [dreg:$0x8]  }
0xfb: {  	s15 =	rddreg [dreg:$0x9]  }
0xfc: {  	s17 =	rddreg [dreg:$0xa]  }
0xfd: {  	s19 =	rddreg [dreg:$0xb]  }
0xfe: {  	s21 =	rddreg [dreg:$0xc]  }
0xff: {  	s23 =	rddreg [dreg:$0xd]  }
0x100: {  	[spmem:s1] =	stream.indirect.scatter.add.f32 [tilespmem:s28], [sflag:$0x2], $0x1, s0, s13, $0xb8;
	[tilespmem:$0x11000] =	vst v63  }
0x101: {  	s3 =	smov.u32 s22;
	s25 =	rddreg [dreg:$0xe];
	s28 =	sand.u32 $0x1000, s2  }
0x102: {  	s31 =	smov.u32 s26;
	[smem:$0x7C7] =	sst s3;
	s2 =	sadd.s32 $0x5000, s28  }
0x103: {  	[tilespmem:s2], [sflag:$0x1] =	stream.indirect.gather [spmem:s6], $0x1, s24, s13, $0xb8;
	[tilespmem:$0x11000] =	vst v63  }
0x104: {  	s4 =	sshrl.u32 s31, $0x2;
	s3 =	rddreg [dreg:$0x10];
	s7 =	sadd.s32 $0x5080, s28  }
0x105: {  	[tilespmem:s7], [sflag:$0x1] =	stream.indirect.gather [spmem:s5], $0x1, s24, s13, $0xb8;
	[tilespmem:$0x11000] =	vst v63  }
0x106: {  	[smem:$0x7C8] =	sst s4;
	s9 =	sadd.s32 $0x5100, s28  }
0x107: {  	[tilespmem:s9], [sflag:$0x1] =	stream.indirect.gather [spmem:s8], $0x1, s24, s13, $0xb8;
	[tilespmem:$0x11000] =	vst v63  }
0x108: {  	s4 =	rddreg [dreg:$0x11];
	s11 =	sadd.s32 $0x5180, s28  }
0x109: {  	[tilespmem:s11], [sflag:$0x1] =	stream.indirect.gather [spmem:s10], $0x1, s24, s13, $0xb8;
	[tilespmem:$0x11000] =	vst v63  }
0x10a: {  	s14 =	sadd.s32 $0x5200, s28;
	[smem:$0x7BF] =	sst s2  }
0x10b: {  	[tilespmem:s14], [sflag:$0x1] =	stream.indirect.gather [spmem:s12], $0x1, s24, s13, $0xb8;
	[tilespmem:$0x11000] =	vst v63  }
0x10c: {  	s16 =	sadd.s32 $0x5280, s28;
	[smem:$0x7C0] =	sst s7  }
0x10d: {  	[tilespmem:s16], [sflag:$0x1] =	stream.indirect.gather [spmem:s15], $0x1, s24, s13, $0xb8;
	[tilespmem:$0x11000] =	vst v63  }
0x10e: {  	s18 =	sadd.s32 $0x5300, s28;
	[smem:$0x7C1] =	sst s9  }
0x10f: {  	[tilespmem:s18], [sflag:$0x1] =	stream.indirect.gather [spmem:s17], $0x1, s24, s13, $0xb8;
	[tilespmem:$0x11000] =	vst v63  }
0x110: {  	s20 =	sadd.s32 $0x5380, s28;
	[smem:$0x7C2] =	sst s11  }
0x111: {  	[tilespmem:s20], [sflag:$0x1] =	stream.indirect.gather [spmem:s19], $0x1, s24, s13, $0xb8;
	[tilespmem:$0x11000] =	vst v63  }
0x112: {  	s30 =	sadd.s32 $0x5400, s28;
	[smem:$0x7C3] =	sst s14  }
0x113: {  	[tilespmem:s30], [sflag:$0x1] =	stream.indirect.gather [spmem:s21], $0x1, s24, s13, $0xb8;
	[tilespmem:$0x11000] =	vst v63  }
0x114: {  	s29 =	sadd.s32 $0x5480, s28;
	[smem:$0x7C4] =	sst s16  }
0x115: {  	[tilespmem:s29], [sflag:$0x1] =	stream.indirect.gather [spmem:s23], $0x1, s24, s13, $0xb8;
	[tilespmem:$0x11000] =	vst v63  }
0x116: {  	[smem:$0x7C5] =	sst s18;
	s17 =	sadd.s32 $0x5500, s28  }
0x117: {  	[tilespmem:s17], [sflag:$0x1] =	stream.indirect.gather [spmem:s25], $0x1, s24, s13, $0xb8;
	[tilespmem:$0x11000] =	vst v63  }
0x118: {  	s2 =	rddreg [dreg:$0xf];
	s16 =	sadd.s32 $0x5580, s28  }
0x119: {  	[tilespmem:s16], [sflag:$0x1] =	stream.indirect.gather [spmem:s2], $0x1, s24, s13, $0xb8;
	[tilespmem:$0x11000] =	vst v63  }
0x11a: {  	[smem:$0x7C6] =	sst s20;
	s11 =	sadd.s32 $0x5600, s28  }
0x11b: {  	[tilespmem:s11], [sflag:$0x1] =	stream.indirect.gather [spmem:s3], $0x1, s24, s13, $0xb8;
	[tilespmem:$0x11000] =	vst v63  }
0x11c: {  	s6 =	rddreg [dreg:$0x13];
	s10 =	sadd.s32 $0x5680, s28  }
0x11d: {  	[tilespmem:s10], [sflag:$0x1] =	stream.indirect.gather [spmem:s4], $0x1, s24, s13, $0xb8;
	[tilespmem:$0x11000] =	vst v63  }
0x11e: {  	s5 =	rddreg [dreg:$0x12];
	s15 =	sadd.s32 $0x5700, s28  }
0x11f: {  	[tilespmem:s15], [sflag:$0x1] =	stream.indirect.gather [spmem:s5], $0x1, s24, s13, $0xb8;
	[tilespmem:$0x11000] =	vst v63  }
0x120: {  	s7 =	rddreg [dreg:$0x14];
	s20 =	sadd.s32 $0x5780, s28  }
0x121: {  	[tilespmem:s20], [sflag:$0x1] =	stream.indirect.gather [spmem:s6], $0x1, s24, s13, $0xb8;
	[tilespmem:$0x11000] =	vst v63  }
0x122: {  	s8 =	rddreg [dreg:$0x15];
	s19 =	sadd.s32 $0x5800, s28  }
0x123: {  	[tilespmem:s19], [sflag:$0x1] =	stream.indirect.gather [spmem:s7], $0x1, s24, s13, $0xb8;
	[tilespmem:$0x11000] =	vst v63  }
0x124: {  	s9 =	rddreg [dreg:$0x16];
	s18 =	sadd.s32 $0x5880, s28  }
0x125: {  	[tilespmem:s18], [sflag:$0x1] =	stream.indirect.gather [spmem:s8], $0x1, s24, s13, $0xb8;
	[tilespmem:$0x11000] =	vst v63  }
0x126: {  	s12 =	sadd.s32 $0x5900, s28;
	s14 =	rddreg [dreg:$0x17]  }
0x127: {  	[tilespmem:s12], [sflag:$0x1] =	stream.indirect.gather [spmem:s9], $0x1, s24, s13, $0xb8;
	[tilespmem:$0x11000] =	vst v63  }
0x128: {  	s21 =	rddreg [dreg:$0x18];
	s9 =	sadd.s32 $0x5980, s28  }
0x129: {  	[tilespmem:s9], [sflag:$0x1] =	stream.indirect.gather [spmem:s14], $0x1, s24, s13, $0xb8;
	[tilespmem:$0x11000] =	vst v63  }
0x12a: {  	s23 =	rddreg [dreg:$0x19];
	s8 =	sadd.s32 $0x5A00, s28  }
0x12b: {  	[tilespmem:s8], [sflag:$0x1] =	stream.indirect.gather [spmem:s21], $0x1, s24, s13, $0xb8;
	[tilespmem:$0x11000] =	vst v63  }
0x12c: {  	s25 =	rddreg [dreg:$0x1a];
	s14 =	sadd.s32 $0x5A80, s28  }
0x12d: {  	[tilespmem:s14], [sflag:$0x1] =	stream.indirect.gather [spmem:s23], $0x1, s24, s13, $0xb8;
	[tilespmem:$0x11000] =	vst v63  }
0x12e: {  	s2 =	rddreg [dreg:$0x1b];
	s21 =	sadd.s32 $0x5B00, s28  }
0x12f: {  	[tilespmem:s21], [sflag:$0x1] =	stream.indirect.gather [spmem:s25], $0x1, s24, s13, $0xb8;
	[tilespmem:$0x11000] =	vst v63  }
0x130: {  	s3 =	rddreg [dreg:$0x1c];
	s23 =	sadd.s32 $0x5B80, s28  }
0x131: {  	[tilespmem:s23], [sflag:$0x1] =	stream.indirect.gather [spmem:s2], $0x1, s24, s13, $0xb8;
	[tilespmem:$0x11000] =	vst v63  }
0x132: {  	s4 =	rddreg [dreg:$0x1d];
	s25 =	sadd.s32 $0x5C00, s28  }
0x133: {  	[tilespmem:s25], [sflag:$0x1] =	stream.indirect.gather [spmem:s3], $0x1, s24, s13, $0xb8;
	[tilespmem:$0x11000] =	vst v63  }
0x134: {  	s5 =	rddreg [dreg:$0x1e];
	s7 =	sadd.s32 $0x5C80, s28  }
0x135: {  	[tilespmem:s7], [sflag:$0x1] =	stream.indirect.gather [spmem:s4], $0x1, s24, s13, $0xb8;
	[tilespmem:$0x11000] =	vst v63  }
0x136: {  	s6 =	sadd.s32 $0x5D00, s28;
	s2 =	rddreg [dreg:$0x1f]  }
0x137: {  	[tilespmem:s6], [sflag:$0x1] =	stream.indirect.gather [spmem:s5], $0x1, s24, s13, $0xb8;
	[tilespmem:$0x11000] =	vst v63  }
0x138: {  	s3 =	sld [smem:$0x7D3];
	s5 =	sadd.s32 $0x5D80, s28  }
0x139: {  	[tilespmem:s5], [sflag:$0x1] =	stream.indirect.gather [spmem:s2], $0x1, s24, s13, $0xb8;
	[tilespmem:$0x11000] =	vst v63  }
0x13a: {  	s4 =	sadd.s32 $0x5E00, s28;
	s2 =	sld [smem:$0x7D4]  }
0x13b: {  	[tilespmem:s4], [sflag:$0x1] =	stream.indirect.gather [spmem:s3], $0x1, s24, s13, $0xb8;
	[tilespmem:$0x11000] =	vst v63  }
0x13c: {  	s1 =	sld [smem:$0x7D5];
	s3 =	sadd.s32 $0x5E80, s28  }
0x13d: {  	[tilespmem:s3], [sflag:$0x1] =	stream.indirect.gather [spmem:s2], $0x1, s24, s13, $0xb8;
	[tilespmem:$0x11000] =	vst v63  }
0x13e: {  	s0 =	sld [smem:$0x7D6];
	s2 =	sadd.s32 $0x5F00, s28  }
0x13f: {  	[tilespmem:s2], [sflag:$0x1] =	stream.indirect.gather [spmem:s1], $0x1, s24, s13, $0xb8;
	[tilespmem:$0x11000] =	vst v63  }
0x140: {  	s28 =	sadd.s32 $0x5F80, s28  }
0x141: {  	[tilespmem:s28], [sflag:$0x1] =	stream.indirect.gather [spmem:s0], $0x1, s24, s13, $0xb8;
	[tilespmem:$0x11000] =	vst v63  }
0x142: {  	s0 =	simm.s32 $0x1  }
0x143: {  	_ =	swait.ge [sflag:s0], $0x1000  }
0x144: {  	s1 =	sld [smem:$0x7D2];
	_ =	sdelay $0x2  }
0x145: {  	[sflag:s0] =	ssyncset.done $0x0;
	p1 =	seq.s32 s1, $0x0;
	s1 =	smov.u32 s31  }
0x146: {  	[sflag:s0] =	ssyncadd.s32 $0xFFFFF000;
	[smem:$0x7D2] =	sst s1;
	s0 =	simm.s32 @!p1 $0x2  }
0x147: {  	_ =	swait.ge @!p1 [sflag:s0], $0x1000  }
0x148: {  	s31 =	sld [smem:$0x7BF]  }
0x149: {  	s1 =	rddreg [dreg:$0x4];
	[sflag:s0] =	ssyncset.done @!p1 $0x0  }
0x14a: {  	[sflag:s0] =	ssyncadd.s32 @!p1 $0xFFFFF000;
	s0 =	sld [smem:$0x7D7]  }
0x14b: {  	[spmem:s1] =	stream.indirect.scatter.add.f32 [tilespmem:s31], [sflag:$0x2], $0x1, s22, s13, $0xb8;
	[tilespmem:$0x11000] =	vst v63  }
0x14c: {  	s31 =	sld [smem:$0x7C0];
	_ =	sdelay $0x1  }
0x14d: {  	s1 =	sld [smem:$0x7D8]  }
0x14e: {  	[spmem:s0] =	stream.indirect.scatter.add.f32 [tilespmem:s31], [sflag:$0x2], $0x1, s22, s13, $0xb8;
	[tilespmem:$0x11000] =	vst v63  }
0x14f: {  	s31 =	sld [smem:$0x7C1];
	_ =	sdelay $0x1  }
0x150: {  	s0 =	sld [smem:$0x7D9]  }
0x151: {  	[spmem:s1] =	stream.indirect.scatter.add.f32 [tilespmem:s31], [sflag:$0x2], $0x1, s22, s13, $0xb8;
	[tilespmem:$0x11000] =	vst v63  }
0x152: {  	s31 =	sld [smem:$0x7C2];
	_ =	sdelay $0x1  }
0x153: {  	s1 =	sld [smem:$0x7DA]  }
0x154: {  	[spmem:s0] =	stream.indirect.scatter.add.f32 [tilespmem:s31], [sflag:$0x2], $0x1, s22, s13, $0xb8;
	[tilespmem:$0x11000] =	vst v63  }
0x155: {  	s31 =	sld [smem:$0x7C3];
	_ =	sdelay $0x1  }
0x156: {  	s0 =	sld [smem:$0x7DB]  }
0x157: {  	[spmem:s1] =	stream.indirect.scatter.add.f32 [tilespmem:s31], [sflag:$0x2], $0x1, s22, s13, $0xb8;
	[tilespmem:$0x11000] =	vst v63  }
0x158: {  	s31 =	sld [smem:$0x7C4];
	_ =	sdelay $0x1  }
0x159: {  	s1 =	sld [smem:$0x7DC]  }
0x15a: {  	[spmem:s0] =	stream.indirect.scatter.add.f32 [tilespmem:s31], [sflag:$0x2], $0x1, s22, s13, $0xb8;
	[tilespmem:$0x11000] =	vst v63  }
0x15b: {  	s31 =	sld [smem:$0x7C5];
	_ =	sdelay $0x1  }
0x15c: {  	s0 =	sld [smem:$0x7DD]  }
0x15d: {  	[spmem:s1] =	stream.indirect.scatter.add.f32 [tilespmem:s31], [sflag:$0x2], $0x1, s22, s13, $0xb8;
	[tilespmem:$0x11000] =	vst v63  }
0x15e: {  	s31 =	sld [smem:$0x7C6];
	_ =	sdelay $0x1  }
0x15f: {  	s1 =	sld [smem:$0x7DE]  }
0x160: {  	[spmem:s0] =	stream.indirect.scatter.add.f32 [tilespmem:s31], [sflag:$0x2], $0x1, s22, s13, $0xb8;
	[tilespmem:$0x11000] =	vst v63  }
0x161: {  	s0 =	sld [smem:$0x7DF]  }
0x162: {  	s31 =	sld [smem:$0x7E0]  }
0x163: {  	[spmem:s1] =	stream.indirect.scatter.add.f32 [tilespmem:s30], [sflag:$0x2], $0x1, s22, s13, $0xb8;
	[tilespmem:$0x11000] =	vst v63  }
0x164: {  	s30 =	sld [smem:$0x7E1]  }
0x165: {  	[spmem:s0] =	stream.indirect.scatter.add.f32 [tilespmem:s29], [sflag:$0x2], $0x1, s22, s13, $0xb8;
	[tilespmem:$0x11000] =	vst v63  }
0x166: {  	s1 =	sld [smem:$0x7FD]  }
0x167: {  	[spmem:s31] =	stream.indirect.scatter.add.f32 [tilespmem:s17], [sflag:$0x2], $0x1, s22, s13, $0xb8;
	[tilespmem:$0x11000] =	vst v63  }
0x168: {  	s31 =	sld [smem:$0x7E2]  }
0x169: {  	[spmem:s30] =	stream.indirect.scatter.add.f32 [tilespmem:s16], [sflag:$0x2], $0x1, s22, s13, $0xb8;
	[tilespmem:$0x11000] =	vst v63  }
0x16a: {  	s17 =	sld [smem:$0x7E3]  }
0x16b: {  	[spmem:s31] =	stream.indirect.scatter.add.f32 [tilespmem:s11], [sflag:$0x2], $0x1, s22, s13, $0xb8;
	[tilespmem:$0x11000] =	vst v63  }
0x16c: {  	s29 =	sld [smem:$0x7E4]  }
0x16d: {  	[spmem:s17] =	stream.indirect.scatter.add.f32 [tilespmem:s10], [sflag:$0x2], $0x1, s22, s13, $0xb8;
	[tilespmem:$0x11000] =	vst v63  }
0x16e: {  	s30 =	sld [smem:$0x7E5]  }
0x16f: {  	[spmem:s29] =	stream.indirect.scatter.add.f32 [tilespmem:s15], [sflag:$0x2], $0x1, s22, s13, $0xb8;
	[tilespmem:$0x11000] =	vst v63  }
0x170: {  	s31 =	sld [smem:$0x7E7]  }
0x171: {  	[spmem:s30] =	stream.indirect.scatter.add.f32 [tilespmem:s20], [sflag:$0x2], $0x1, s22, s13, $0xb8;
	[tilespmem:$0x11000] =	vst v63  }
0x172: {  	s10 =	sld [smem:$0x7E8]  }
0x173: {  	[spmem:s31] =	stream.indirect.scatter.add.f32 [tilespmem:s19], [sflag:$0x2], $0x1, s22, s13, $0xb8;
	[tilespmem:$0x11000] =	vst v63  }
0x174: {  	s11 =	sld [smem:$0x7E9]  }
0x175: {  	[spmem:s10] =	stream.indirect.scatter.add.f32 [tilespmem:s18], [sflag:$0x2], $0x1, s22, s13, $0xb8;
	[tilespmem:$0x11000] =	vst v63  }
0x176: {  	s15 =	sld [smem:$0x7EA]  }
0x177: {  	[spmem:s11] =	stream.indirect.scatter.add.f32 [tilespmem:s12], [sflag:$0x2], $0x1, s22, s13, $0xb8;
	[tilespmem:$0x11000] =	vst v63  }
0x178: {  	s16 =	sld [smem:$0x7EB]  }
0x179: {  	[spmem:s15] =	stream.indirect.scatter.add.f32 [tilespmem:s9], [sflag:$0x2], $0x1, s22, s13, $0xb8;
	[tilespmem:$0x11000] =	vst v63  }
0x17a: {  	s17 =	sld [smem:$0x7EC]  }
0x17b: {  	[spmem:s16] =	stream.indirect.scatter.add.f32 [tilespmem:s8], [sflag:$0x2], $0x1, s22, s13, $0xb8;
	[tilespmem:$0x11000] =	vst v63  }
0x17c: {  	s18 =	sld [smem:$0x7ED]  }
0x17d: {  	[spmem:s17] =	stream.indirect.scatter.add.f32 [tilespmem:s14], [sflag:$0x2], $0x1, s22, s13, $0xb8;
	[tilespmem:$0x11000] =	vst v63  }
0x17e: {  	s19 =	sld [smem:$0x7EE]  }
0x17f: {  	[spmem:s18] =	stream.indirect.scatter.add.f32 [tilespmem:s21], [sflag:$0x2], $0x1, s22, s13, $0xb8;
	[tilespmem:$0x11000] =	vst v63  }
0x180: {  	s20 =	sld [smem:$0x7EF]  }
0x181: {  	[spmem:s19] =	stream.indirect.scatter.add.f32 [tilespmem:s23], [sflag:$0x2], $0x1, s22, s13, $0xb8;
	[tilespmem:$0x11000] =	vst v63  }
0x182: {  	s21 =	sld [smem:$0x7F1]  }
0x183: {  	[spmem:s20] =	stream.indirect.scatter.add.f32 [tilespmem:s25], [sflag:$0x2], $0x1, s22, s13, $0xb8;
	[tilespmem:$0x11000] =	vst v63  }
0x184: {  	s23 =	sld [smem:$0x7F3]  }
0x185: {  	[spmem:s21] =	stream.indirect.scatter.add.f32 [tilespmem:s7], [sflag:$0x2], $0x1, s22, s13, $0xb8;
	[tilespmem:$0x11000] =	vst v63  }
0x186: {  	s25 =	sld [smem:$0x7F4]  }
0x187: {  	[spmem:s23] =	stream.indirect.scatter.add.f32 [tilespmem:s6], [sflag:$0x2], $0x1, s22, s13, $0xb8;
	[tilespmem:$0x11000] =	vst v63  }
0x188: {  	s26 =	sadd.s32 $0x4000, s26;
	s29 =	sld [smem:$0x7F6]  }
0x189: {  	[spmem:s25] =	stream.indirect.scatter.add.f32 [tilespmem:s5], [sflag:$0x2], $0x1, s22, s13, $0xb8;
	[tilespmem:$0x11000] =	vst v63  }
0x18a: {  	p0 =	sne.s32 s26, $0x13C000;
	s30 =	sld [smem:$0x7F9]  }
0x18b: {  	[spmem:s29] =	stream.indirect.scatter.add.f32 [tilespmem:s4], [sflag:$0x2], $0x1, s22, s13, $0xb8;
	[tilespmem:$0x11000] =	vst v63  }
.Ltmp0:
0x18c: {  	s31 =	sld [smem:$0x7FB];
	(pc) =	sbr.rel @p0 .LBB2_2-.Ltmp0, $4  }
0x18d: {  	[spmem:s30] =	stream.indirect.scatter.add.f32 [tilespmem:s3], [sflag:$0x2], $0x1, s22, s13, $0xb8;
	[tilespmem:$0x11000] =	vst v63  }
0x18e: {  	s0 =	sld [smem:$0x7C7]  }
0x18f: {  	[spmem:s31] =	stream.indirect.scatter.add.f32 [tilespmem:s2], [sflag:$0x2], $0x1, s22, s13, $0xb8;
	[tilespmem:$0x11000] =	vst v63  }
0x190: {  	s24 =	sadd.s32 $0x80, s24;
	s2 =	sld [smem:$0x7C8];
	s22 =	sadd.s32 $0x80, s22  }
0x191: {  	[spmem:s1] =	stream.indirect.scatter.add.f32 [tilespmem:s28], [sflag:$0x2], $0x1, s0, s13, $0xb8;
	[tilespmem:$0x11000] =	vst v63  }
0x192: {  	s25 =	rddreg [dreg:$0x5]  }
0x193: {  	s26 =	rddreg [dreg:$0x2]  }
0x194: {  	s29 =	rddreg [dreg:$0x6]  }
0x195: {  	s31 =	rddreg [dreg:$0x7]  }
0x196: {  	s3 =	rddreg [dreg:$0x8]  }
0x197: {  	s5 =	rddreg [dreg:$0x9]  }
0x198: {  	s7 =	rddreg [dreg:$0xa]  }
0x199: {  	s9 =	rddreg [dreg:$0xb];
	s11 =	sand.u32 $0x1000, s2  }
0x19a: {  	s10 =	rddreg [dreg:$0xc];
	s2 =	sadd.s32 $0x5000, s11  }
0x19b: {  	[tilespmem:s2], [sflag:$0x1] =	stream.indirect.gather [spmem:s26], $0x1, s24, s13, $0xb8;
	[tilespmem:$0x11000] =	vst v63  }
0x19c: {  	s12 =	rddreg [dreg:$0xd];
	s28 =	sadd.s32 $0x5080, s11  }
0x19d: {  	[tilespmem:s28], [sflag:$0x1] =	stream.indirect.gather [spmem:s25], $0x1, s24, s13, $0xb8;
	[tilespmem:$0x11000] =	vst v63  }
0x19e: {  	s14 =	rddreg [dreg:$0xe];
	s30 =	sadd.s32 $0x5100, s11  }
0x19f: {  	[tilespmem:s30], [sflag:$0x1] =	stream.indirect.gather [spmem:s29], $0x1, s24, s13, $0xb8;
	[tilespmem:$0x11000] =	vst v63  }
0x1a0: {  	s15 =	rddreg [dreg:$0xf];
	s1 =	sadd.s32 $0x5180, s11  }
0x1a1: {  	[tilespmem:s1], [sflag:$0x1] =	stream.indirect.gather [spmem:s31], $0x1, s24, s13, $0xb8;
	[tilespmem:$0x11000] =	vst v63  }
0x1a2: {  	s16 =	rddreg [dreg:$0x10];
	s4 =	sadd.s32 $0x5200, s11  }
0x1a3: {  	[tilespmem:s4], [sflag:$0x1] =	stream.indirect.gather [spmem:s3], $0x1, s24, s13, $0xb8;
	[tilespmem:$0x11000] =	vst v63  }
0x1a4: {  	s17 =	rddreg [dreg:$0x11];
	s6 =	sadd.s32 $0x5280, s11  }
0x1a5: {  	[tilespmem:s6], [sflag:$0x1] =	stream.indirect.gather [spmem:s5], $0x1, s24, s13, $0xb8;
	[tilespmem:$0x11000] =	vst v63  }
0x1a6: {  	s18 =	rddreg [dreg:$0x12];
	s8 =	sadd.s32 $0x5300, s11  }
0x1a7: {  	[tilespmem:s8], [sflag:$0x1] =	stream.indirect.gather [spmem:s7], $0x1, s24, s13, $0xb8;
	[tilespmem:$0x11000] =	vst v63  }
0x1a8: {  	s19 =	rddreg [dreg:$0x13];
	s7 =	sadd.s32 $0x5380, s11  }
0x1a9: {  	[tilespmem:s7], [sflag:$0x1] =	stream.indirect.gather [spmem:s9], $0x1, s24, s13, $0xb8;
	[tilespmem:$0x11000] =	vst v63  }
0x1aa: {  	[smem:$0x7BE] =	sst s8;
	s8 =	sadd.s32 $0x5400, s11  }
0x1ab: {  	[tilespmem:s8], [sflag:$0x1] =	stream.indirect.gather [spmem:s10], $0x1, s24, s13, $0xb8;
	[tilespmem:$0x11000] =	vst v63  }
0x1ac: {  	s20 =	rddreg [dreg:$0x14];
	s9 =	sadd.s32 $0x5480, s11  }
0x1ad: {  	[tilespmem:s9], [sflag:$0x1] =	stream.indirect.gather [spmem:s12], $0x1, s24, s13, $0xb8;
	[tilespmem:$0x11000] =	vst v63  }
0x1ae: {  	s21 =	rddreg [dreg:$0x15];
	s10 =	sadd.s32 $0x5500, s11  }
0x1af: {  	[tilespmem:s10], [sflag:$0x1] =	stream.indirect.gather [spmem:s14], $0x1, s24, s13, $0xb8;
	[tilespmem:$0x11000] =	vst v63  }
0x1b0: {  	s23 =	rddreg [dreg:$0x16];
	s12 =	sadd.s32 $0x5580, s11  }
0x1b1: {  	[tilespmem:s12], [sflag:$0x1] =	stream.indirect.gather [spmem:s15], $0x1, s24, s13, $0xb8;
	[tilespmem:$0x11000] =	vst v63  }
0x1b2: {  	[smem:$0x7B8] =	sst s2;
	s14 =	sadd.s32 $0x5600, s11  }
0x1b3: {  	[tilespmem:s14], [sflag:$0x1] =	stream.indirect.gather [spmem:s16], $0x1, s24, s13, $0xb8;
	[tilespmem:$0x11000] =	vst v63  }
0x1b4: {  	[smem:$0x7B9] =	sst s28;
	s15 =	sadd.s32 $0x5680, s11  }
0x1b5: {  	[tilespmem:s15], [sflag:$0x1] =	stream.indirect.gather [spmem:s17], $0x1, s24, s13, $0xb8;
	[tilespmem:$0x11000] =	vst v63  }
0x1b6: {  	[smem:$0x7BA] =	sst s30;
	s16 =	sadd.s32 $0x5700, s11  }
0x1b7: {  	[tilespmem:s16], [sflag:$0x1] =	stream.indirect.gather [spmem:s18], $0x1, s24, s13, $0xb8;
	[tilespmem:$0x11000] =	vst v63  }
0x1b8: {  	[smem:$0x7BB] =	sst s1;
	s17 =	sadd.s32 $0x5780, s11  }
0x1b9: {  	[tilespmem:s17], [sflag:$0x1] =	stream.indirect.gather [spmem:s19], $0x1, s24, s13, $0xb8;
	[tilespmem:$0x11000] =	vst v63  }
0x1ba: {  	[smem:$0x7BC] =	sst s4;
	s18 =	sadd.s32 $0x5800, s11  }
0x1bb: {  	[tilespmem:s18], [sflag:$0x1] =	stream.indirect.gather [spmem:s20], $0x1, s24, s13, $0xb8;
	[tilespmem:$0x11000] =	vst v63  }
0x1bc: {  	[smem:$0x7BD] =	sst s6;
	s19 =	sadd.s32 $0x5880, s11  }
0x1bd: {  	[tilespmem:s19], [sflag:$0x1] =	stream.indirect.gather [spmem:s21], $0x1, s24, s13, $0xb8;
	[tilespmem:$0x11000] =	vst v63  }
0x1be: {  	s26 =	rddreg [dreg:$0x18];
	s20 =	sadd.s32 $0x5900, s11  }
0x1bf: {  	[tilespmem:s20], [sflag:$0x1] =	stream.indirect.gather [spmem:s23], $0x1, s24, s13, $0xb8;
	[tilespmem:$0x11000] =	vst v63  }
0x1c0: {  	s25 =	rddreg [dreg:$0x17];
	s21 =	sadd.s32 $0x5980, s11  }
0x1c1: {  	[tilespmem:s21], [sflag:$0x1] =	stream.indirect.gather [spmem:s25], $0x1, s24, s13, $0xb8;
	[tilespmem:$0x11000] =	vst v63  }
0x1c2: {  	s2 =	rddreg [dreg:$0x1d];
	s23 =	sadd.s32 $0x5A00, s11  }
0x1c3: {  	[tilespmem:s23], [sflag:$0x1] =	stream.indirect.gather [spmem:s26], $0x1, s24, s13, $0xb8;
	[tilespmem:$0x11000] =	vst v63  }
0x1c4: {  	s28 =	rddreg [dreg:$0x19];
	s25 =	sadd.s32 $0x5A80, s11  }
0x1c5: {  	[tilespmem:s25], [sflag:$0x1] =	stream.indirect.gather [spmem:s28], $0x1, s24, s13, $0xb8;
	[tilespmem:$0x11000] =	vst v63  }
0x1c6: {  	s29 =	rddreg [dreg:$0x1a];
	s26 =	sadd.s32 $0x5B00, s11  }
0x1c7: {  	[tilespmem:s26], [sflag:$0x1] =	stream.indirect.gather [spmem:s29], $0x1, s24, s13, $0xb8;
	[tilespmem:$0x11000] =	vst v63  }
0x1c8: {  	s30 =	rddreg [dreg:$0x1b];
	s28 =	sadd.s32 $0x5B80, s11  }
0x1c9: {  	[tilespmem:s28], [sflag:$0x1] =	stream.indirect.gather [spmem:s30], $0x1, s24, s13, $0xb8;
	[tilespmem:$0x11000] =	vst v63  }
0x1ca: {  	s31 =	rddreg [dreg:$0x1c];
	s29 =	sadd.s32 $0x5C00, s11  }
0x1cb: {  	[tilespmem:s29], [sflag:$0x1] =	stream.indirect.gather [spmem:s31], $0x1, s24, s13, $0xb8;
	[tilespmem:$0x11000] =	vst v63  }
0x1cc: {  	s3 =	rddreg [dreg:$0x1e];
	s30 =	sadd.s32 $0x5C80, s11  }
0x1cd: {  	[tilespmem:s30], [sflag:$0x1] =	stream.indirect.gather [spmem:s2], $0x1, s24, s13, $0xb8;
	[tilespmem:$0x11000] =	vst v63  }
0x1ce: {  	s4 =	rddreg [dreg:$0x1f];
	s31 =	sadd.s32 $0x5D00, s11  }
0x1cf: {  	[tilespmem:s31], [sflag:$0x1] =	stream.indirect.gather [spmem:s3], $0x1, s24, s13, $0xb8;
	[tilespmem:$0x11000] =	vst v63  }
0x1d0: {  	s5 =	sadd.s32 $0x5D80, s11;
	s6 =	sld [smem:$0x7D3]  }
0x1d1: {  	[tilespmem:s5], [sflag:$0x1] =	stream.indirect.gather [spmem:s4], $0x1, s24, s13, $0xb8;
	[tilespmem:$0x11000] =	vst v63  }
0x1d2: {  	s2 =	sld [smem:$0x7D4];
	s4 =	sadd.s32 $0x5E00, s11  }
0x1d3: {  	[tilespmem:s4], [sflag:$0x1] =	stream.indirect.gather [spmem:s6], $0x1, s24, s13, $0xb8;
	[tilespmem:$0x11000] =	vst v63  }
0x1d4: {  	s1 =	sld [smem:$0x7D5];
	s3 =	sadd.s32 $0x5E80, s11  }
0x1d5: {  	[tilespmem:s3], [sflag:$0x1] =	stream.indirect.gather [spmem:s2], $0x1, s24, s13, $0xb8;
	[tilespmem:$0x11000] =	vst v63  }
0x1d6: {  	s6 =	sld [smem:$0x7D6];
	s2 =	sadd.s32 $0x5F00, s11  }
0x1d7: {  	[tilespmem:s2], [sflag:$0x1] =	stream.indirect.gather [spmem:s1], $0x1, s24, s13, $0xb8;
	[tilespmem:$0x11000] =	vst v63  }
0x1d8: {  	s11 =	sadd.s32 $0x5F80, s11  }
0x1d9: {  	[tilespmem:s11], [sflag:$0x1] =	stream.indirect.gather [spmem:s6], $0x1, s24, s13, $0xb8;
	[tilespmem:$0x11000] =	vst v63  }
0x1da: {  	s24 =	simm.s32 $0x1  }
0x1db: {  	_ =	swait.ge [sflag:s24], $0x1000  }
0x1dc: {  	s1 =	sld [smem:$0x7D2];
	_ =	sdelay $0x2  }
0x1dd: {  	[sflag:s24] =	ssyncset.done $0x0;
	p0 =	seq.s32 s1, $0x0  }
0x1de: {  	[sflag:s24] =	ssyncadd.s32 $0xFFFFF000;
	s0 =	simm.s32 @!p0 $0x2  }
0x1df: {  	_ =	swait.ge @!p0 [sflag:s0], $0x1000  }
0x1e0: {  	s6 =	sld [smem:$0x7B8]  }
0x1e1: {  	s1 =	rddreg [dreg:$0x4];
	[sflag:s0] =	ssyncset.done @!p0 $0x0  }
0x1e2: {  	[sflag:s0] =	ssyncadd.s32 @!p0 $0xFFFFF000;
	s0 =	sld [smem:$0x7D7]  }
0x1e3: {  	[spmem:s1] =	stream.indirect.scatter.add.f32 [tilespmem:s6], [sflag:$0x2], $0x1, s22, s13, $0xb8;
	[tilespmem:$0x11000] =	vst v63  }
0x1e4: {  	s6 =	sld [smem:$0x7B9];
	_ =	sdelay $0x1  }
0x1e5: {  	s1 =	sld [smem:$0x7D8]  }
0x1e6: {  	[spmem:s0] =	stream.indirect.scatter.add.f32 [tilespmem:s6], [sflag:$0x2], $0x1, s22, s13, $0xb8;
	[tilespmem:$0x11000] =	vst v63  }
0x1e7: {  	s6 =	sld [smem:$0x7BA];
	_ =	sdelay $0x1  }
0x1e8: {  	s0 =	sld [smem:$0x7D9]  }
0x1e9: {  	[spmem:s1] =	stream.indirect.scatter.add.f32 [tilespmem:s6], [sflag:$0x2], $0x1, s22, s13, $0xb8;
	[tilespmem:$0x11000] =	vst v63  }
0x1ea: {  	s6 =	sld [smem:$0x7BB];
	_ =	sdelay $0x1  }
0x1eb: {  	s1 =	sld [smem:$0x7DA]  }
0x1ec: {  	[spmem:s0] =	stream.indirect.scatter.add.f32 [tilespmem:s6], [sflag:$0x2], $0x1, s22, s13, $0xb8;
	[tilespmem:$0x11000] =	vst v63  }
0x1ed: {  	s6 =	sld [smem:$0x7BC];
	_ =	sdelay $0x1  }
0x1ee: {  	s0 =	sld [smem:$0x7DB]  }
0x1ef: {  	[spmem:s1] =	stream.indirect.scatter.add.f32 [tilespmem:s6], [sflag:$0x2], $0x1, s22, s13, $0xb8;
	[tilespmem:$0x11000] =	vst v63  }
0x1f0: {  	s6 =	sld [smem:$0x7BD];
	_ =	sdelay $0x1  }
0x1f1: {  	s1 =	sld [smem:$0x7DC]  }
0x1f2: {  	[spmem:s0] =	stream.indirect.scatter.add.f32 [tilespmem:s6], [sflag:$0x2], $0x1, s22, s13, $0xb8;
	[tilespmem:$0x11000] =	vst v63  }
0x1f3: {  	s6 =	sld [smem:$0x7BE];
	_ =	sdelay $0x1  }
0x1f4: {  	s0 =	sld [smem:$0x7DD]  }
0x1f5: {  	[spmem:s1] =	stream.indirect.scatter.add.f32 [tilespmem:s6], [sflag:$0x2], $0x1, s22, s13, $0xb8;
	[tilespmem:$0x11000] =	vst v63  }
0x1f6: {  	s6 =	sld [smem:$0x7DE]  }
0x1f7: {  	[spmem:s0] =	stream.indirect.scatter.add.f32 [tilespmem:s7], [sflag:$0x2], $0x1, s22, s13, $0xb8;
	[tilespmem:$0x11000] =	vst v63  }
0x1f8: {  	s7 =	sld [smem:$0x7DF]  }
0x1f9: {  	[spmem:s6] =	stream.indirect.scatter.add.f32 [tilespmem:s8], [sflag:$0x2], $0x1, s22, s13, $0xb8;
	[tilespmem:$0x11000] =	vst v63  }
0x1fa: {  	s8 =	sld [smem:$0x7E0]  }
0x1fb: {  	[spmem:s7] =	stream.indirect.scatter.add.f32 [tilespmem:s9], [sflag:$0x2], $0x1, s22, s13, $0xb8;
	[tilespmem:$0x11000] =	vst v63  }
0x1fc: {  	s9 =	sld [smem:$0x7E1]  }
0x1fd: {  	[spmem:s8] =	stream.indirect.scatter.add.f32 [tilespmem:s10], [sflag:$0x2], $0x1, s22, s13, $0xb8;
	[tilespmem:$0x11000] =	vst v63  }
0x1fe: {  	s10 =	sld [smem:$0x7E2]  }
0x1ff: {  	[spmem:s9] =	stream.indirect.scatter.add.f32 [tilespmem:s12], [sflag:$0x2], $0x1, s22, s13, $0xb8;
	[tilespmem:$0x11000] =	vst v63  }
0x200: {  	s12 =	sld [smem:$0x7E3]  }
0x201: {  	[spmem:s10] =	stream.indirect.scatter.add.f32 [tilespmem:s14], [sflag:$0x2], $0x1, s22, s13, $0xb8;
	[tilespmem:$0x11000] =	vst v63  }
0x202: {  	s14 =	sld [smem:$0x7E4]  }
0x203: {  	[spmem:s12] =	stream.indirect.scatter.add.f32 [tilespmem:s15], [sflag:$0x2], $0x1, s22, s13, $0xb8;
	[tilespmem:$0x11000] =	vst v63  }
0x204: {  	s15 =	sld [smem:$0x7E5]  }
0x205: {  	[spmem:s14] =	stream.indirect.scatter.add.f32 [tilespmem:s16], [sflag:$0x2], $0x1, s22, s13, $0xb8;
	[tilespmem:$0x11000] =	vst v63  }
0x206: {  	s16 =	sld [smem:$0x7E7]  }
0x207: {  	[spmem:s15] =	stream.indirect.scatter.add.f32 [tilespmem:s17], [sflag:$0x2], $0x1, s22, s13, $0xb8;
	[tilespmem:$0x11000] =	vst v63  }
0x208: {  	s17 =	sld [smem:$0x7E8]  }
0x209: {  	[spmem:s16] =	stream.indirect.scatter.add.f32 [tilespmem:s18], [sflag:$0x2], $0x1, s22, s13, $0xb8;
	[tilespmem:$0x11000] =	vst v63  }
0x20a: {  	s6 =	sld [smem:$0x7E9]  }
0x20b: {  	[spmem:s17] =	stream.indirect.scatter.add.f32 [tilespmem:s19], [sflag:$0x2], $0x1, s22, s13, $0xb8;
	[tilespmem:$0x11000] =	vst v63  }
0x20c: {  	s7 =	sld [smem:$0x7EA]  }
0x20d: {  	[spmem:s6] =	stream.indirect.scatter.add.f32 [tilespmem:s20], [sflag:$0x2], $0x1, s22, s13, $0xb8;
	[tilespmem:$0x11000] =	vst v63  }
0x20e: {  	s8 =	sld [smem:$0x7EB]  }
0x20f: {  	[spmem:s7] =	stream.indirect.scatter.add.f32 [tilespmem:s21], [sflag:$0x2], $0x1, s22, s13, $0xb8;
	[tilespmem:$0x11000] =	vst v63  }
0x210: {  	s9 =	sld [smem:$0x7EC]  }
0x211: {  	[spmem:s8] =	stream.indirect.scatter.add.f32 [tilespmem:s23], [sflag:$0x2], $0x1, s22, s13, $0xb8;
	[tilespmem:$0x11000] =	vst v63  }
0x212: {  	s10 =	sld [smem:$0x7ED]  }
0x213: {  	[spmem:s9] =	stream.indirect.scatter.add.f32 [tilespmem:s25], [sflag:$0x2], $0x1, s22, s13, $0xb8;
	[tilespmem:$0x11000] =	vst v63  }
0x214: {  	s12 =	sld [smem:$0x7EE]  }
0x215: {  	[spmem:s10] =	stream.indirect.scatter.add.f32 [tilespmem:s26], [sflag:$0x2], $0x1, s22, s13, $0xb8;
	[tilespmem:$0x11000] =	vst v63  }
0x216: {  	s14 =	sld [smem:$0x7EF]  }
0x217: {  	[spmem:s12] =	stream.indirect.scatter.add.f32 [tilespmem:s28], [sflag:$0x2], $0x1, s22, s13, $0xb8;
	[tilespmem:$0x11000] =	vst v63  }
0x218: {  	s15 =	sld [smem:$0x7F1]  }
0x219: {  	[spmem:s14] =	stream.indirect.scatter.add.f32 [tilespmem:s29], [sflag:$0x2], $0x1, s22, s13, $0xb8;
	[tilespmem:$0x11000] =	vst v63  }
0x21a: {  	s16 =	sld [smem:$0x7F3]  }
0x21b: {  	[spmem:s15] =	stream.indirect.scatter.add.f32 [tilespmem:s30], [sflag:$0x2], $0x1, s22, s13, $0xb8;
	[tilespmem:$0x11000] =	vst v63  }
0x21c: {  	s17 =	sld [smem:$0x7F4]  }
0x21d: {  	[spmem:s16] =	stream.indirect.scatter.add.f32 [tilespmem:s31], [sflag:$0x2], $0x1, s22, s13, $0xb8;
	[tilespmem:$0x11000] =	vst v63  }
0x21e: {  	s18 =	sld [smem:$0x7F6]  }
0x21f: {  	[spmem:s17] =	stream.indirect.scatter.add.f32 [tilespmem:s5], [sflag:$0x2], $0x1, s22, s13, $0xb8;
	[tilespmem:$0x11000] =	vst v63  }
0x220: {  	s19 =	sld [smem:$0x7F9]  }
0x221: {  	[spmem:s18] =	stream.indirect.scatter.add.f32 [tilespmem:s4], [sflag:$0x2], $0x1, s22, s13, $0xb8;
	[tilespmem:$0x11000] =	vst v63  }
0x222: {  	s20 =	sld [smem:$0x7FB]  }
0x223: {  	[spmem:s19] =	stream.indirect.scatter.add.f32 [tilespmem:s3], [sflag:$0x2], $0x1, s22, s13, $0xb8;
	[tilespmem:$0x11000] =	vst v63  }
0x224: {  	s21 =	sld [smem:$0x7FD]  }
0x225: {  	[spmem:s20] =	stream.indirect.scatter.add.f32 [tilespmem:s2], [sflag:$0x2], $0x1, s22, s13, $0xb8;
	[tilespmem:$0x11000] =	vst v63  }
0x226: {  	_ = 	snop  }
0x227: {  	[spmem:s21] =	stream.indirect.scatter.add.f32 [tilespmem:s11], [sflag:$0x2], $0x1, s22, s13, $0xb8;
	[tilespmem:$0x11000] =	vst v63  }
0x228: {  	s22 =	simm.s32 $0x2  }
0x229: {  	_ =	swait.ge [sflag:s22], $0x1000  }
0x22a: {  	[sflag:s22] =	ssyncset.done $0x0  }
0x22b: {  	[sflag:s22] =	ssyncadd.s32 $0xFFFFF000  }
0x22c: {  	[bflag:$0x0] =	sbarrier.arrive $0xFFFF  }
0x22d: {  	s23 =	sld [smem:$0x7FA]  }
0x22e: {  	s28 =	sld [smem:$0x7CA]  }
0x22f: {  	s29 =	sld [smem:$0x7CB];
	_ =	sdelay $0x1  }
0x230: {  	s25 =	simm.s32 $0x20;
	s26 =	simm.s32 $0x10;
	s3 =	simm.s32 $0x3  }
0x231: {  	[hbm:s23@s25], [sflag:s28] =	dma.strided [spmem:s29@s26], $0xA00, s24, $0x10   }
0x232: {  	_ =	swait.ge [sflag:s3], $0xA00  }
0x233: {  	s30 =	sld [smem:$0x7C9]  }
0x234: {  	s31 =	sld [smem:$0x7FC];
	_ =	sdelay $0x1  }
0x235: {  	s1 =	sadd.s32 $0x1, s30  }
0x236: {  	p0 =	sne.s32 s1, s31  }
.Ltmp1:
0x237: {  	_ = 	snop;
	(pc) =	sbr.rel @p0 .LBB2_1-.Ltmp1, $3  }
0x238: {  	_ =	sdelay $0x1  }
0x239: {  	[sflag:s3] =	ssyncset.done $0x0  }
0x23a: {  	[sflag:s3] =	ssyncadd.s32 $0xFFFFF600  }
0x23b: {  	_ =	sfence.sel $0x180000  }
0x23c: {  	[bflag:$0x0] =	sbarrier.arrive $0xFFFF  }
0x23d: {  	_ =	strace $0x9000004A  }
0x23e: {  	s0 =	stileid.u32;
	[bflag:$0x2] =	sbarrier.arrive $0xFFFF  }
0x23f: {  	p0 =	sne.s32 s0, $0x0;
	s0 =	rddreg [dreg:$0x3]  }
0x240: {  	s0 =	sadd.s32 @!p0 $0x100000, s0  }
0x241: {  	[sflag:s0] =	ssyncadd.tile.s32 @!p0 $0x1;
	_ =	shalt  }
.Lfunc_end2:
_tile_overlayer_lowered:
.L_overlay_start_2:
0x242: {  	(tag) =	ssettag $0x2  }
0x243: {  	s0 =	rddreg [dreg:$0x0];
	s2 =	stileid.u32  }
0x244: {  	s1 =	rddreg [dreg:$0x1];
	p0 =	sne.s32 s2, $0x0  }
0x245: {  	s3 =	rddreg [dreg:$0x2];
	[bflag:$0x3] =	sbarrier.arrive $0xFFFF;
	s2 =	simm.s32 @!p0 $0x1C03  }
0x246: {  	[timem:s3], [sflag:s2] =	dma.local @!p0 [hbm:s0], s1  }
0x247: {  	s0 =	simm.s32 @!p0 $0x3  }
0x248: {  	_ =	swait.ge @!p0 [sflag:s0], s1  }
0x249: {  	s1 =	ssub.s32 @!p0 $0x0, s1;
	[sflag:s0] =	ssyncset.done @!p0 $0x0  }
0x24a: {  	[sflag:s0] =	ssyncadd.s32 @!p0 s1  }
0x24b: {  	[bflag:$0x3] =	sbarrier.arrive $0xFFFF  }
0x24c: {  	_ =	shalt  }

// kernel: kernel.14.cloned.1.call-start
scs
__scs_entry_jumppad:
0x0: {  	(pc) =	sbr.rel $0x88, $3  }
0x1: {  	(tag) =	ssettag $0x0;
	lr =	simm.s32 $0x1  }
0x2: {  	[smem:$0x3F93] =	sst lr;
	_ =	strace $0xD0000000  }
0x3: {  	_ = 	snop  }
0x4: {  	_ = 	snop  }
0x5: {  	_ = 	snop  }
0x6: {  	_ = 	snop  }
0x7: {  	_ = 	snop  }
__scs_overlays_trampoline_lowered:
0x8: {  	[smem:$0x3FA2] =	sst s0  }
0x9: {  	[smem:$0x3FA3] =	sst s1  }
0xa: {  	[smem:$0x3FA4] =	sst s2  }
0xb: {  	[smem:$0x3FA5] =	sst s3  }
0xc: {  	[smem:$0x3FA6] =	sst s4  }
0xd: {  	[smem:$0x3FA7] =	sst s5  }
0xe: {  	[smem:$0x3FA8] =	sst s6  }
0xf: {  	[smem:$0x3FA9] =	sst s7  }
0x10: {  	[smem:$0x3FAA] =	sst s8  }
0x11: {  	[smem:$0x3FAB] =	sst s9;
	s0 =	simm.s32 @!p0 $0x0  }
0x12: {  	s1 =	sld [smem:$0x3F91];
	s0 =	simm.s32 @p0 $0x1  }
0x13: {  	[smem:$0x3FAC] =	sst s0;
	s0 =	simm.s32 @!p1 $0x0  }
0x14: {  	s2 =	sld [smem:$0x3F90];
	s0 =	simm.s32 @p1 $0x1  }
0x15: {  	[smem:$0x3FAD] =	sst s0;
	s0 =	simm.s32 @!p2 $0x0  }
0x16: {  	s3 =	sld [smem:$0x3FDB];
	s0 =	simm.s32 @p2 $0x1  }
0x17: {  	s4 =	simm.s32 $0x1BF5;
	[smem:$0x3FAF] =	sst s0  }
0x18: {  	s0 =	sld [smem:$0x3F92];
	_ =	swait.ge [sflag:s4], $0x0  }
0x19: {  	s7 =	sld [smem:$0x3F93]  }
0x1a: {  	s8 =	sadd.s32 $0xFFFFE003, lr  }
0x1b: {  	s9 =	sadd.s32 $0xFFFFFEF7, lr;
	s5 =	simm.s32 $0xFFFFFFFF;
	p2 =	slt.u32 s8, $0xFFFFF086  }
0x1c: {  	p1 =	slt.u32 s9, $0xF7A;
	s5 =	simm.s32 @!p2 $0x0  }
0x1d: {  	s5 =	simm.s32 @p1 $0x1;
	p0 =	seq.s32 s7, s2  }
0x1e: {  	s7 =	smul.u32 @!p0 $0xF7A, s2;
	p2 =	seq.s32 @!p0 s5, $0x0  }
0x1f: {  	s9 =	smul.u32 $0xF7A, s1;
	s8 =	simm.s32 @!p0 $0x1BF5;
	p2 =	por !p2, p0  }
0x20: {  	[sflag:s8] =	ssyncset.s32 @!p0 $0xFFFFF086;
	s6 =	sadd.s32 @!p0 s3, s7;
	s7 =	simm.s32 @!p0 $0x108  }
0x21: {  	s3 =	sadd.s32 s3, s9;
	s6 =	sadd.s32 @!p0 $0x88, s6;
	s7 =	simm.s32 @p2 $0x1082  }
0x22: {  	[simem:s7], [sflag:s8] =	dma.local @!p0 [hbm:s6], $0xF7A  }
0x23: {  	s9 =	sor.u32 $0xD0000000, s2;
	s6 =	simm.s32 $0x108;
	_ =	swait.ge @!p0 [sflag:s8], $0x0  }
0x24: {  	s3 =	sadd.s32 $0x88, s3;
	s6 =	simm.s32 @!p1 $0x1082;
	[sflag:s4] =	ssyncset.s32 $0xFFFFF086  }
0x25: {  	[simem:s6], [sflag:s4] =	dma.local [hbm:s3], $0xF7A  }
0x26: {  	[smem:$0x3F93] =	sst s1;
	(tag) =	ssettag s2;
	_ =	strace s9  }
0x27: {  	s1 =	sld [smem:$0x3FA3]  }
0x28: {  	s2 =	sld [smem:$0x3FA4]  }
0x29: {  	s4 =	sld [smem:$0x3FA6]  }
0x2a: {  	p0 =	seq.s32 s5, $0x0;
	s5 =	sld [smem:$0x3FA7]  }
0x2b: {  	s6 =	sld [smem:$0x3FA8]  }
0x2c: {  	s7 =	sld [smem:$0x3FA9]  }
0x2d: {  	s3 =	simm.s32 $0x108;
	s8 =	sld [smem:$0x3FAA]  }
0x2e: {  	s3 =	simm.s32 @!p0 $0x1082;
	s9 =	sld [smem:$0x3FAB]  }
0x2f: {  	lr =	sadd.s32 s0, s3;
	s0 =	sld [smem:$0x3FA2]  }
0x30: {  	s3 =	sld [smem:$0x3FA5]  }
0x31: {  	[smem:$0x3FAE] =	sst s10  }
0x32: {  	s10 =	sld [smem:$0x3FAC];
	_ =	sdelay $0x3  }
0x33: {  	p0 =	seq.s32 s10, $0x1;
	s10 =	sld [smem:$0x3FAE];
	_ =	sdelay $0x3  }
0x34: {  	[smem:$0x3FAE] =	sst s10  }
0x35: {  	s10 =	sld [smem:$0x3FAD];
	_ =	sdelay $0x3  }
0x36: {  	p1 =	seq.s32 s10, $0x1;
	s10 =	sld [smem:$0x3FAE];
	_ =	sdelay $0x3  }
0x37: {  	[smem:$0x3FAE] =	sst s10  }
0x38: {  	s10 =	sld [smem:$0x3FAF]  }
0x39: {  	_ = 	snop;
	(pc) =	sbr.ind lr, $3  }
0x3a: {  	_ = 	snop  }
0x3b: {  	_ = 	snop  }
0x3c: {  	p2 =	seq.s32 s10, $0x1;
	s10 =	sld [smem:$0x3FAE]  }
0x3d: {  	_ =	shalt  }
0x3e: {  	_ =	shalt  }
0x3f: {  	_ =	shalt  }
0x40: {  	_ =	shalt  }
0x41: {  	_ =	shalt  }
0x42: {  	_ =	shalt  }
0x43: {  	_ =	shalt  }
0x44: {  	_ =	shalt  }
0x45: {  	_ =	shalt  }
0x46: {  	_ =	shalt  }
0x47: {  	_ =	shalt  }
0x48: {  	_ =	shalt  }
0x49: {  	_ =	shalt  }
0x4a: {  	_ =	shalt  }
0x4b: {  	_ =	shalt  }
0x4c: {  	_ =	shalt  }
0x4d: {  	_ =	shalt  }
0x4e: {  	_ =	shalt  }
0x4f: {  	_ =	shalt  }
0x50: {  	_ =	shalt  }
0x51: {  	_ =	shalt  }
0x52: {  	_ =	shalt  }
0x53: {  	_ =	shalt  }
0x54: {  	_ =	shalt  }
0x55: {  	_ =	shalt  }
0x56: {  	_ =	shalt  }
0x57: {  	_ =	shalt  }
0x58: {  	_ =	shalt  }
0x59: {  	_ =	shalt  }
0x5a: {  	_ =	shalt  }
0x5b: {  	_ =	shalt  }
0x5c: {  	_ =	shalt  }
0x5d: {  	_ =	shalt  }
0x5e: {  	_ =	shalt  }
0x5f: {  	_ =	shalt  }
0x60: {  	_ =	shalt  }
0x61: {  	_ =	shalt  }
0x62: {  	_ =	shalt  }
0x63: {  	_ =	shalt  }
0x64: {  	_ =	shalt  }
0x65: {  	_ =	shalt  }
0x66: {  	_ =	shalt  }
0x67: {  	_ =	shalt  }
0x68: {  	_ =	shalt  }
0x69: {  	_ =	shalt  }
0x6a: {  	_ =	shalt  }
0x6b: {  	_ =	shalt  }
0x6c: {  	_ =	shalt  }
0x6d: {  	_ =	shalt  }
0x6e: {  	_ =	shalt  }
0x6f: {  	_ =	shalt  }
0x70: {  	_ =	shalt  }
0x71: {  	_ =	shalt  }
0x72: {  	_ =	shalt  }
0x73: {  	_ =	shalt  }
0x74: {  	_ =	shalt  }
0x75: {  	_ =	shalt  }
0x76: {  	_ =	shalt  }
0x77: {  	_ =	shalt  }
0x78: {  	_ =	shalt  }
0x79: {  	_ =	shalt  }
0x7a: {  	_ =	shalt  }
0x7b: {  	_ =	shalt  }
0x7c: {  	_ =	shalt  }
0x7d: {  	_ =	shalt  }
0x7e: {  	_ =	shalt  }
0x7f: {  	_ =	shalt  }
0x80: {  	_ =	shalt  }
0x81: {  	_ =	shalt  }
0x82: {  	_ =	shalt  }
0x83: {  	_ =	shalt  }
0x84: {  	_ =	shalt  }
0x85: {  	_ =	shalt  }
0x86: {  	_ =	shalt  }
0x87: {  	_ =	shalt  }
.Lfunc_end0:
.L_simem_size_0:
called_computation.2_lowered:
.L_overlay_start_0:
0x88: {  	s2 =	sld [smem:$0x3FD9]  }
0x89: {  	s3 =	sld [smem:$0x3FFE];
	_ =	sdelay $0x1  }
0x8a: {  	s1 =	srdreg.scid  }
0x8b: {  	s0 =	sand.u32 $0x1, s1  }
0x8c: {  	s17 =	sshll.u32 s0, $0xA;
	s2 =	sadd.s32 s3, s2  }
0x8d: {  	s2 =	sadd.s32 s2, s17  }
0x8e: {  	[smem:$0x3FBA] =	sst s2  }
0x8f: {  	_ = 	snop  }
0x90: {  	s2 =	sld [smem:$0x3FD0];
	(tm) =	ssettm $0x1  }
0x91: {  	s18 =	sld [smem:$0x3FFB];
	_ =	sdelay $0x3  }
0x92: {  	_ =	strace s18  }
0x93: {  	s3 =	sld [smem:$0x3FFC];
	_ =	sdelay $0x3  }
0x94: {  	_ =	strace s3  }
0x95: {  	s3 =	sld [smem:$0x3FFD];
	_ =	sdelay $0x3  }
0x96: {  	_ =	strace s3  }
0x97: {  	_ =	strace $0x8FFFFFFF  }
0x98: {  	s19 =	sld [smem:$0x3FDB];
	_ =	sdelay $0x1  }
0x99: {  	s4 =	simm.s32 $_scs_section_size  }
0x9a: {  	s5 =	simm.s32 $_size__tile_overlayer_lowered;
	s6 =	simm.s32 $_tile_overlayer_lowered  }
0x9b: {  	s22 =	simm.s32 $0x1BFF;
	s21 =	sshll.u32 s6, $0x1;
	s3 =	sadd.s32 s4, s19  }
0x9c: {  	s7 =	simm.s32 $0x0;
	s20 =	sshll.u32 s5, $0x1;
	s5 =	sadd.s32 s21, s3  }
0x9d: {  	[timem:s7], [sflag:s22] =	dma.local [hbm:s5], s20  }
0x9e: {  	_ =	swait.ge [sflag:s22], s20  }
0x9f: {  	s4 =	ssub.s32 $0x0, s20;
	[sflag:s22] =	ssyncset.done $0x0  }
0xa0: {  	[sflag:s22] =	ssyncadd.s32 s4;
	_ =	sdelay $0x1  }
0xa1: {  	s23 =	simm.s32 $0x1B8B  }
0xa2: {  	_ =	swait.ge [sflag:s23], $0x1  }
0xa3: {  	[sflag:s23] =	ssyncset.done $0x0  }
0xa4: {  	s25 =	simm.s32 $0x1B8E;
	s24 =	sld [smem:$0x3FFE];
	[sflag:s23] =	ssyncadd.s32 $0xFFFFFFFF  }
0xa5: {  	s26 =	simm.s32 $execute0_lowered;
	[smem:$0x3FD2] =	sst s25  }
0xa6: {  	s5 =	sshll.u32 s26, $0x1;
	_ =	strace $0x8000004C;
	[dreg:$0x1] =	wrdreg $0xFFFFFFFF  }
0xa7: {  	s28 =	simm.s32 $_size_execute0_lowered;
	s3 =	sadd.s32 s3, s5;
	[dreg:$0x0] =	wrdreg $0x0  }
0xa8: {  	s5 =	sshll.u32 s28, $0x1;
	[dreg:$0x2] =	wrdreg s3  }
0xa9: {  	[dreg:$0x3] =	wrdreg s5  }
0xaa: {  	[dreg:$0x4] =	wrdreg $0xC0  }
0xab: {  	_ =	task [dreg:s7], $0x5FFFF  }
0xac: {  	[dreg:$0x1] =	wrdreg $0xFFFFFFFF  }
0xad: {  	[dreg:$0x0] =	wrdreg $0x60  }
0xae: {  	[dreg:$0x2] =	wrdreg s2  }
0xaf: {  	[dreg:$0x3] =	wrdreg s24  }
0xb0: {  	[dreg:$0x4] =	wrdreg $0x70000  }
0xb1: {  	[dreg:$0x5] =	wrdreg $0x9  }
0xb2: {  	_ =	task.clear_ibuf [dreg:s7], $0x6FFFF;
	_ =	strace $0x9000004C  }
0xb3: {  	s29 =	simm.s32 $0x9;
	_ =	strace $0x8000004E  }
0xb4: {  	_ =	swait.ge [sflag:s29], $0x1  }
0xb5: {  	[sflag:s29] =	ssyncadd.s32 $0xFFFFFFFF  }
0xb6: {  	_ =	strace $0x9000004E  }
0xb7: {  	_ =	sfence  }
0xb8: {  	s30 =	sld [smem:$0x0];
	_ =	sdelay $0x2  }
0xb9: {  	s31 =	sshll.u32 s1, $0xD;
	s1 =	sshrl.u32 s1, $0x2  }
0xba: {  	s3 =	sand.u32 $0x4000, s31;
	s1 =	sadd.s32 s1, s30  }
0xbb: {  	s0 =	sor.u32 s3, s0;
	s1 =	sshll.u32 s1, $0x11  }
0xbc: {  	s0 =	sor.u32 s1, s0  }
0xbd: {  	s0 =	sadd.s32 $0x8F2B, s0  }
0xbe: {  	[sflag:s0] =	ssyncadd.remote.s32 $0x1  }
0xbf: {  	_ =	sfence.sel $0xFFFF  }
0xc0: {  	[dreg:$0x0] =	wrdreg $0xFFFFFFFF;
	(pc) =	sbr.abs _section_cstart, $3  }
0xc1: {  	[dreg:$0x1] =	wrdreg $0xFFFFFFFF  }
0xc2: {  	_ =	task.clear_ibuf [dreg:s7], $0x2FFFF;
	_ =	strace $0x9FFFFFFF  }
0xc3: {  	(tm) =	ssettm $0x7FFFFFFF  }
tec
execute0_lowered:
.L_overlay_start_1:
0x0: {  	(tag) =	ssettag $0x1  }
0x1: {  	s0 =	rddreg [dreg:$0x0]  }
0x2: {  	s1 =	rddreg [dreg:$0x1]  }
0x3: {  	s10 =	rddreg [dreg:$0x2];
	s2 =	simm.s32 $0x0  }
0x4: {  	[smem:$0x7FF] =	sst s2;
	s9 =	sadd.s32 $0x50000, s10  }
0x5: {  	s11 =	sadd.s32 $0x2800, s10;
	_ =	strace $0x8000004D;
	[dreg:$0x4] =	wrdreg s9  }
0x6: {  	s12 =	sadd.s32 $0x5000, s10;
	[dreg:$0x5] =	wrdreg s11  }
0x7: {  	s13 =	sadd.s32 $0x7800, s10;
	[dreg:$0x6] =	wrdreg s12  }
0x8: {  	s14 =	sadd.s32 $0xA000, s10;
	[dreg:$0x7] =	wrdreg s13  }
0x9: {  	s15 =	sadd.s32 $0xC800, s10;
	[dreg:$0x8] =	wrdreg s14  }
0xa: {  	s16 =	sadd.s32 $0xF000, s10;
	[dreg:$0x9] =	wrdreg s15  }
0xb: {  	s17 =	sadd.s32 $0x11800, s10;
	[dreg:$0xa] =	wrdreg s16  }
0xc: {  	s18 =	sadd.s32 $0x14000, s10;
	[dreg:$0xb] =	wrdreg s17  }
0xd: {  	s19 =	sadd.s32 $0x16800, s10;
	[dreg:$0xc] =	wrdreg s18  }
0xe: {  	s20 =	sadd.s32 $0x19000, s10;
	[dreg:$0xd] =	wrdreg s19  }
0xf: {  	s21 =	sadd.s32 $0x1B800, s10;
	[dreg:$0xe] =	wrdreg s20  }
0x10: {  	s22 =	sadd.s32 $0x1E000, s10;
	[dreg:$0xf] =	wrdreg s21  }
0x11: {  	s23 =	sadd.s32 $0x20800, s10;
	[dreg:$0x10] =	wrdreg s22  }
0x12: {  	s24 =	sadd.s32 $0x23000, s10;
	[dreg:$0x11] =	wrdreg s23  }
0x13: {  	s25 =	sadd.s32 $0x25800, s10;
	[dreg:$0x12] =	wrdreg s24  }
0x14: {  	s26 =	sadd.s32 $0x28000, s10;
	[dreg:$0x13] =	wrdreg s25  }
0x15: {  	s28 =	sadd.s32 $0x2A800, s10;
	[dreg:$0x14] =	wrdreg s26  }
0x16: {  	s29 =	sadd.s32 $0x2D000, s10;
	[dreg:$0x15] =	wrdreg s28  }
0x17: {  	s30 =	sadd.s32 $0x2F800, s10;
	[dreg:$0x16] =	wrdreg s29  }
0x18: {  	s31 =	sadd.s32 $0x32000, s10;
	[dreg:$0x17] =	wrdreg s30  }
0x19: {  	s3 =	sadd.s32 $0x34800, s10;
	[dreg:$0x18] =	wrdreg s31  }
0x1a: {  	s4 =	sadd.s32 $0x37000, s10;
	[dreg:$0x19] =	wrdreg s3  }
0x1b: {  	s5 =	sadd.s32 $0x39800, s10;
	[dreg:$0x1a] =	wrdreg s4  }
0x1c: {  	s6 =	sadd.s32 $0x3C000, s10;
	[dreg:$0x1b] =	wrdreg s5  }
0x1d: {  	s7 =	sadd.s32 $0x3E800, s10;
	[dreg:$0x1c] =	wrdreg s6  }
0x1e: {  	s8 =	sadd.s32 $0x41000, s10;
	[dreg:$0x1d] =	wrdreg s7  }
0x1f: {  	[dreg:$0x1e] =	wrdreg s8;
	s9 =	sadd.s32 $0x43800, s10  }
0x20: {  	s11 =	sadd.s32 $0x46000, s10;
	[dreg:$0x1f] =	wrdreg s9  }
0x21: {  	s12 =	sadd.s32 $0x48800, s10;
	[smem:$0x7D3] =	sst s11  }
0x22: {  	s13 =	sadd.s32 $0x4B000, s10;
	[smem:$0x7D4] =	sst s12  }
0x23: {  	s14 =	sadd.s32 $0x4D800, s10;
	[smem:$0x7D5] =	sst s13  }
0x24: {  	s15 =	sadd.s32 $0x52800, s10;
	[smem:$0x7D6] =	sst s14  }
0x25: {  	s16 =	sadd.s32 $0x55000, s10;
	[smem:$0x7D7] =	sst s15  }
0x26: {  	s17 =	sadd.s32 $0x57800, s10;
	[smem:$0x7D8] =	sst s16  }
0x27: {  	s18 =	sadd.s32 $0x5A000, s10;
	[smem:$0x7D9] =	sst s17  }
0x28: {  	s19 =	sadd.s32 $0x5C800, s10;
	[smem:$0x7DA] =	sst s18  }
0x29: {  	s20 =	sadd.s32 $0x5F000, s10;
	[smem:$0x7DB] =	sst s19  }
0x2a: {  	s21 =	sadd.s32 $0x61800, s10;
	[smem:$0x7DC] =	sst s20  }
0x2b: {  	s22 =	sadd.s32 $0x64000, s10;
	[smem:$0x7DD] =	sst s21  }
0x2c: {  	s23 =	sadd.s32 $0x66800, s10;
	[smem:$0x7DE] =	sst s22  }
0x2d: {  	s24 =	sadd.s32 $0x69000, s10;
	[smem:$0x7DF] =	sst s23  }
0x2e: {  	s25 =	sadd.s32 $0x6B800, s10;
	[smem:$0x7E0] =	sst s24  }
0x2f: {  	s26 =	sadd.s32 $0x6E000, s10;
	[smem:$0x7E1] =	sst s25  }
0x30: {  	s28 =	sadd.s32 $0x70800, s10;
	[smem:$0x7E2] =	sst s26  }
0x31: {  	s29 =	sadd.s32 $0x73000, s10;
	[smem:$0x7E3] =	sst s28  }
0x32: {  	s30 =	sadd.s32 $0x75800, s10;
	[smem:$0x7E4] =	sst s29  }
0x33: {  	s31 =	sadd.s32 $0x78000, s10;
	[smem:$0x7E5] =	sst s30  }
0x34: {  	s9 =	sadd.s32 $0x3FA00, s1;
	[smem:$0x7E7] =	sst s31  }
0x35: {  	s11 =	sadd.s32 $0x7D000, s10;
	[smem:$0x7E6] =	sst s9  }
0x36: {  	s13 =	sadd.s32 $0x7F800, s10;
	[smem:$0x7E9] =	sst s11  }
0x37: {  	s14 =	sadd.s32 $0x82000, s10;
	[smem:$0x7EA] =	sst s13  }
0x38: {  	s15 =	sadd.s32 $0x84800, s10;
	[smem:$0x7EB] =	sst s14  }
0x39: {  	s16 =	sadd.s32 $0x87000, s10;
	[smem:$0x7EC] =	sst s15  }
0x3a: {  	s17 =	sadd.s32 $0x89800, s10;
	[smem:$0x7ED] =	sst s16  }
0x3b: {  	s3 =	srdreg.scid;
	s19 =	sadd.s32 $0x8C000, s10;
	[smem:$0x7EE] =	sst s17  }
0x3c: {  	s8 =	stileid.u32;
	s20 =	sadd.s32 $0x8E800, s10;
	[smem:$0x7EF] =	sst s19  }
0x3d: {  	s3 =	sand.u32 $0x1, s3;
	s21 =	sadd.s32 $0x91000, s10;
	[smem:$0x7F1] =	sst s20  }
0x3e: {  	s4 =	sshll.u32 s8, $0x1;
	s23 =	sadd.s32 $0x93800, s10;
	[smem:$0x7F3] =	sst s21  }
0x3f: {  	s5 =	smul.u32 $0x5000, s8;
	s25 =	sadd.s32 $0x96000, s10;
	[smem:$0x7F4] =	sst s23  }
0x40: {  	s8 =	smul.u32 $0xA000, s8;
	s28 =	sadd.s32 $0x98800, s10;
	[smem:$0x7F6] =	sst s25  }
0x41: {  	s29 =	sadd.s32 $0x9B000, s10;
	s30 =	sadd.s32 $0x9D800, s10;
	[smem:$0x7F9] =	sst s28  }
0x42: {  	s4 =	sor.u32 s3, s4;
	s9 =	sadd.s32 $0x7A800, s10;
	[smem:$0x7FB] =	sst s29  }
0x43: {  	s12 =	sshll.u32 s3, $0x7;
	s3 =	ssub.s32 $0x2, s3;
	[smem:$0x7FD] =	sst s30  }
0x44: {  	s4 =	smul.u32 $0x500, s4;
	s7 =	sshrl.u32 s5, $0x3;
	[smem:$0x7E8] =	sst s9  }
0x45: {  	s8 =	sor.u32 s12, s8;
	s18 =	sshrl.u32 s3, $0x1;
	s24 =	sadd.s32 s5, s10  }
0x46: {  	s7 =	sadd.s32 s7, s1;
	[smem:$0x7F7] =	sst s24;
	s2 =	sadd.s32 $0x50000, s24  }
0x47: {  	s8 =	sshrl.u32 s8, $0x3;
	s0 =	sadd.s32 s0, s4;
	[smem:$0x7F8] =	sst s2  }
0x48: {  	s3 =	ssub.s32 s3, s18;
	s26 =	sadd.s32 $0x35A00, s7;
	[smem:$0x7F0] =	sst s0  }
0x49: {  	s6 =	sadd.s32 s4, s1;
	s31 =	smax.u32 s3, $0x1;
	[smem:$0x7F5] =	sst s26  }
0x4a: {  	s1 =	sadd.s32 s8, s1;
	s22 =	sadd.s32 $0x3A00, s6;
	[smem:$0x7FC] =	sst s31  }
0x4b: {  	s13 =	simm.s32 $0x80;
	s1 =	sadd.s32 $0x90600, s1;
	[smem:$0x7F2] =	sst s22  }
0x4c: {  	s3 =	simm.s32 $0x3;
	[smem:$0x7FA] =	sst s1;
	s1 =	simm.s32 $0x0  }
.LBB2_1:
0x4d: {  	s0 =	sld [smem:$0x7F0];
	_ =	sdelay $0x1  }
0x4e: {  	[smem:$0x7C9] =	sst s1;
	s2 =	simm.s32 $0x0  }
0x4f: {  	[tilespmem:s2], [sflag:$0x3] =	stream.linear.gather [hbm4b:s0+s2], $0x2780, $0x38;
	[tilespmem:$0x11000] =	vst v63  }
0x50: {  	_ =	swait.ge [sflag:s3], $0x2780  }
0x51: {  	s11 =	sld [smem:$0x7F2]  }
0x52: {  	[sflag:s3] =	ssyncset.done $0x0  }
0x53: {  	s5 =	simm.s32 $0x2800;
	[sflag:s3] =	ssyncadd.s32 $0xFFFFD880  }
0x54: {  	[tilespmem:s5], [sflag:$0x3] =	stream.linear.gather [hbm4b:s11+s2], $0x2780, $0x38;
	[tilespmem:$0x11000] =	vst v63  }
0x55: {  	_ =	swait.ge [sflag:s3], $0x2780  }
0x56: {  	s14 =	sld [smem:$0x7F7]  }
0x57: {  	s12 =	stileid.u32;
	s15 =	sld [smem:$0x7F5]  }
0x58: {  	s0 =	sshll.u32 s12, $0x6;
	[sflag:s3] =	ssyncset.done $0x0  }
0x59: {  	s4 =	sor.u32 $0x1C03, s0;
	[sflag:s3] =	ssyncadd.s32 $0xFFFFD880;
	s0 =	sshrl.u32 s14, $0x3  }
0x5a: {  	[spmem:s0], [sflag:s4] =	dma.local [hbm:s15], $0xA00  }
0x5b: {  	_ =	swait.ge [sflag:s3], $0xA00  }
0x5c: {  	s16 =	sld [smem:$0x7F8];
	_ =	sdelay $0x1  }
0x5d: {  	s18 =	sld [smem:$0x7E6]  }
0x5e: {  	[sflag:s3] =	ssyncset.done $0x0;
	[smem:$0x7CA] =	sst s4;
	s17 =	sshrl.u32 s16, $0x3  }
0x5f: {  	[sflag:s3] =	ssyncadd.s32 $0xFFFFF600;
	[smem:$0x7CB] =	sst s17  }
0x60: {  	[spmem:s17], [sflag:s4] =	dma.local [hbm:s18], $0xA00  }
0x61: {  	_ =	swait.ge [sflag:s3], $0xA00  }
0x62: {  	s19 =	simm.s32 $0x0;
	[sflag:s3] =	ssyncset.done $0x0  }
0x63: {  	s11 =	sand.u32 $0x1000, s19;
	[sflag:s3] =	ssyncadd.s32 $0xFFFFF600  }
0x64: {  	s20 =	sadd.s32 $0x5000, s11;
	[bflag:$0x0] =	sbarrier.arrive $0xFFFF  }
0x65: {  	[smem:$0x7CC] =	sst s20  }
0x66: {  	s21 =	rddreg [dreg:$0x5]  }
0x67: {  	s23 =	sadd.s32 $0x5080, s11;
	s22 =	rddreg [dreg:$0x2]  }
0x68: {  	[smem:$0x7CD] =	sst s23  }
0x69: {  	s25 =	sadd.s32 $0x5100, s11;
	s24 =	rddreg [dreg:$0x6]  }
0x6a: {  	[smem:$0x7CE] =	sst s25  }
0x6b: {  	s29 =	sadd.s32 $0x5180, s11;
	s26 =	rddreg [dreg:$0x7]  }
0x6c: {  	[smem:$0x7CF] =	sst s29  }
0x6d: {  	[tilespmem:s20], [sflag:$0x1] =	stream.indirect.gather [spmem:s22], $0x1, s2, s13, $0xb8;
	[tilespmem:$0x11000] =	vst v63  }
0x6e: {  	s30 =	rddreg [dreg:$0x8]  }
0x6f: {  	[tilespmem:s23], [sflag:$0x1] =	stream.indirect.gather [spmem:s21], $0x1, s2, s13, $0xb8;
	[tilespmem:$0x11000] =	vst v63  }
0x70: {  	s1 =	sadd.s32 $0x5280, s11;
	s31 =	rddreg [dreg:$0x9]  }
0x71: {  	[tilespmem:s25], [sflag:$0x1] =	stream.indirect.gather [spmem:s24], $0x1, s2, s13, $0xb8;
	[tilespmem:$0x11000] =	vst v63  }
0x72: {  	[smem:$0x7D0] =	sst s1  }
0x73: {  	[tilespmem:s29], [sflag:$0x1] =	stream.indirect.gather [spmem:s26], $0x1, s2, s13, $0xb8;
	[tilespmem:$0x11000] =	vst v63  }
0x74: {  	s7 =	sadd.s32 $0x5300, s11;
	s4 =	sadd.s32 $0x5200, s11;
	s6 =	rddreg [dreg:$0xa]  }
0x75: {  	[tilespmem:s4], [sflag:$0x1] =	stream.indirect.gather [spmem:s30], $0x1, s2, s13, $0xb8;
	[tilespmem:$0x11000] =	vst v63  }
0x76: {  	[smem:$0x7D1] =	sst s7  }
0x77: {  	[tilespmem:s1], [sflag:$0x1] =	stream.indirect.gather [spmem:s31], $0x1, s2, s13, $0xb8;
	[tilespmem:$0x11000] =	vst v63  }
0x78: {  	s8 =	rddreg [dreg:$0xb]  }
0x79: {  	[tilespmem:s7], [sflag:$0x1] =	stream.indirect.gather [spmem:s6], $0x1, s2, s13, $0xb8;
	[tilespmem:$0x11000] =	vst v63  }
0x7a: {  	s9 =	rddreg [dreg:$0xc];
	s7 =	sadd.s32 $0x5380, s11  }
0x7b: {  	[tilespmem:s7], [sflag:$0x1] =	stream.indirect.gather [spmem:s8], $0x1, s2, s13, $0xb8;
	[tilespmem:$0x11000] =	vst v63  }
0x7c: {  	s10 =	rddreg [dreg:$0xd];
	s8 =	sadd.s32 $0x5400, s11  }
0x7d: {  	[tilespmem:s8], [sflag:$0x1] =	stream.indirect.gather [spmem:s9], $0x1, s2, s13, $0xb8;
	[tilespmem:$0x11000] =	vst v63  }
0x7e: {  	s12 =	rddreg [dreg:$0xe];
	s9 =	sadd.s32 $0x5480, s11  }
0x7f: {  	[tilespmem:s9], [sflag:$0x1] =	stream.indirect.gather [spmem:s10], $0x1, s2, s13, $0xb8;
	[tilespmem:$0x11000] =	vst v63  }
0x80: {  	s14 =	rddreg [dreg:$0xf];
	s10 =	sadd.s32 $0x5500, s11  }
0x81: {  	[tilespmem:s10], [sflag:$0x1] =	stream.indirect.gather [spmem:s12], $0x1, s2, s13, $0xb8;
	[tilespmem:$0x11000] =	vst v63  }
0x82: {  	s15 =	rddreg [dreg:$0x10];
	s12 =	sadd.s32 $0x5580, s11  }
0x83: {  	[tilespmem:s12], [sflag:$0x1] =	stream.indirect.gather [spmem:s14], $0x1, s2, s13, $0xb8;
	[tilespmem:$0x11000] =	vst v63  }
0x84: {  	s16 =	rddreg [dreg:$0x11];
	s14 =	sadd.s32 $0x5600, s11  }
0x85: {  	[tilespmem:s14], [sflag:$0x1] =	stream.indirect.gather [spmem:s15], $0x1, s2, s13, $0xb8;
	[tilespmem:$0x11000] =	vst v63  }
0x86: {  	s17 =	rddreg [dreg:$0x12];
	s15 =	sadd.s32 $0x5680, s11  }
0x87: {  	[tilespmem:s15], [sflag:$0x1] =	stream.indirect.gather [spmem:s16], $0x1, s2, s13, $0xb8;
	[tilespmem:$0x11000] =	vst v63  }
0x88: {  	s18 =	rddreg [dreg:$0x13];
	s16 =	sadd.s32 $0x5700, s11  }
0x89: {  	[tilespmem:s16], [sflag:$0x1] =	stream.indirect.gather [spmem:s17], $0x1, s2, s13, $0xb8;
	[tilespmem:$0x11000] =	vst v63  }
0x8a: {  	s19 =	rddreg [dreg:$0x14];
	s17 =	sadd.s32 $0x5780, s11  }
0x8b: {  	[tilespmem:s17], [sflag:$0x1] =	stream.indirect.gather [spmem:s18], $0x1, s2, s13, $0xb8;
	[tilespmem:$0x11000] =	vst v63  }
0x8c: {  	s3 =	rddreg [dreg:$0x1f];
	s18 =	sadd.s32 $0x5800, s11  }
0x8d: {  	[tilespmem:s18], [sflag:$0x1] =	stream.indirect.gather [spmem:s19], $0x1, s2, s13, $0xb8;
	[tilespmem:$0x11000] =	vst v63  }
0x8e: {  	s20 =	rddreg [dreg:$0x15];
	s19 =	sadd.s32 $0x5880, s11  }
0x8f: {  	[tilespmem:s19], [sflag:$0x1] =	stream.indirect.gather [spmem:s20], $0x1, s2, s13, $0xb8;
	[tilespmem:$0x11000] =	vst v63  }
0x90: {  	s21 =	rddreg [dreg:$0x16];
	s20 =	sadd.s32 $0x5900, s11  }
0x91: {  	[tilespmem:s20], [sflag:$0x1] =	stream.indirect.gather [spmem:s21], $0x1, s2, s13, $0xb8;
	[tilespmem:$0x11000] =	vst v63  }
0x92: {  	s22 =	rddreg [dreg:$0x17];
	s21 =	sadd.s32 $0x5980, s11  }
0x93: {  	[tilespmem:s21], [sflag:$0x1] =	stream.indirect.gather [spmem:s22], $0x1, s2, s13, $0xb8;
	[tilespmem:$0x11000] =	vst v63  }
0x94: {  	s23 =	rddreg [dreg:$0x18];
	s22 =	sadd.s32 $0x5A00, s11  }
0x95: {  	[tilespmem:s22], [sflag:$0x1] =	stream.indirect.gather [spmem:s23], $0x1, s2, s13, $0xb8;
	[tilespmem:$0x11000] =	vst v63  }
0x96: {  	s24 =	rddreg [dreg:$0x19];
	s23 =	sadd.s32 $0x5A80, s11  }
0x97: {  	[tilespmem:s23], [sflag:$0x1] =	stream.indirect.gather [spmem:s24], $0x1, s2, s13, $0xb8;
	[tilespmem:$0x11000] =	vst v63  }
0x98: {  	s25 =	rddreg [dreg:$0x1a];
	s24 =	sadd.s32 $0x5B00, s11  }
0x99: {  	[tilespmem:s24], [sflag:$0x1] =	stream.indirect.gather [spmem:s25], $0x1, s2, s13, $0xb8;
	[tilespmem:$0x11000] =	vst v63  }
0x9a: {  	s26 =	rddreg [dreg:$0x1b];
	s25 =	sadd.s32 $0x5B80, s11  }
0x9b: {  	[tilespmem:s25], [sflag:$0x1] =	stream.indirect.gather [spmem:s26], $0x1, s2, s13, $0xb8;
	[tilespmem:$0x11000] =	vst v63  }
0x9c: {  	s29 =	rddreg [dreg:$0x1c];
	s26 =	sadd.s32 $0x5C00, s11  }
0x9d: {  	[tilespmem:s26], [sflag:$0x1] =	stream.indirect.gather [spmem:s29], $0x1, s2, s13, $0xb8;
	[tilespmem:$0x11000] =	vst v63  }
0x9e: {  	s30 =	rddreg [dreg:$0x1d];
	s29 =	sadd.s32 $0x5C80, s11  }
0x9f: {  	[tilespmem:s29], [sflag:$0x1] =	stream.indirect.gather [spmem:s30], $0x1, s2, s13, $0xb8;
	[tilespmem:$0x11000] =	vst v63  }
0xa0: {  	s31 =	rddreg [dreg:$0x1e];
	s30 =	sadd.s32 $0x5D00, s11  }
0xa1: {  	[tilespmem:s30], [sflag:$0x1] =	stream.indirect.gather [spmem:s31], $0x1, s2, s13, $0xb8;
	[tilespmem:$0x11000] =	vst v63  }
0xa2: {  	s6 =	sld [smem:$0x7D3];
	s31 =	sadd.s32 $0x5D80, s11  }
0xa3: {  	[tilespmem:s31], [sflag:$0x1] =	stream.indirect.gather [spmem:s3], $0x1, s2, s13, $0xb8;
	[tilespmem:$0x11000] =	vst v63  }
0xa4: {  	s0 =	sld [smem:$0x7D4];
	s3 =	sadd.s32 $0x5E00, s11  }
0xa5: {  	[tilespmem:s3], [sflag:$0x1] =	stream.indirect.gather [spmem:s6], $0x1, s2, s13, $0xb8;
	[tilespmem:$0x11000] =	vst v63  }
0xa6: {  	s28 =	sld [smem:$0x7D5];
	s6 =	sadd.s32 $0x5E80, s11  }
0xa7: {  	[tilespmem:s6], [sflag:$0x1] =	stream.indirect.gather [spmem:s0], $0x1, s2, s13, $0xb8;
	[tilespmem:$0x11000] =	vst v63  }
0xa8: {  	s1 =	sadd.s32 $0x5F00, s11;
	s0 =	sld [smem:$0x7D6]  }
0xa9: {  	[tilespmem:s1], [sflag:$0x1] =	stream.indirect.gather [spmem:s28], $0x1, s2, s13, $0xb8;
	[tilespmem:$0x11000] =	vst v63  }
0xaa: {  	s28 =	sadd.s32 $0x5F80, s11;
	s11 =	simm.s32 $0x1  }
0xab: {  	[tilespmem:s28], [sflag:$0x1] =	stream.indirect.gather [spmem:s0], $0x1, s2, s13, $0xb8;
	[tilespmem:$0x11000] =	vst v63  }
0xac: {  	_ =	swait.ge [sflag:s11], $0x1000  }
0xad: {  	p0 =	por $0x1, $0x1;
	[sflag:s11] =	ssyncset.done $0x0  }
0xae: {  	s0 =	simm.s32 @!p0 $0x2;
	[sflag:s11] =	ssyncadd.s32 $0xFFFFF000  }
0xaf: {  	_ =	swait.ge @!p0 [sflag:s0], $0x1000  }
0xb0: {  	s2 =	sld [smem:$0x7CC]  }
0xb1: {  	s11 =	rddreg [dreg:$0x4];
	[sflag:s0] =	ssyncset.done @!p0 $0x0  }
0xb2: {  	[sflag:s0] =	ssyncadd.s32 @!p0 $0xFFFFF000;
	s0 =	sld [smem:$0x7D7]  }
0xb3: {  	[spmem:s11] =	stream.indirect.scatter.add.f32 [tilespmem:s2], [sflag:$0x2], $0x1, s5, s13, $0xb8;
	[tilespmem:$0x11000] =	vst v63  }
0xb4: {  	s2 =	sld [smem:$0x7CD];
	_ =	sdelay $0x1  }
0xb5: {  	s11 =	sld [smem:$0x7D8]  }
0xb6: {  	[spmem:s0] =	stream.indirect.scatter.add.f32 [tilespmem:s2], [sflag:$0x2], $0x1, s5, s13, $0xb8;
	[tilespmem:$0x11000] =	vst v63  }
0xb7: {  	s2 =	sld [smem:$0x7CE];
	_ =	sdelay $0x1  }
0xb8: {  	s0 =	sld [smem:$0x7D9]  }
0xb9: {  	[spmem:s11] =	stream.indirect.scatter.add.f32 [tilespmem:s2], [sflag:$0x2], $0x1, s5, s13, $0xb8;
	[tilespmem:$0x11000] =	vst v63  }
0xba: {  	s2 =	sld [smem:$0x7CF];
	_ =	sdelay $0x1  }
0xbb: {  	s11 =	sld [smem:$0x7DA]  }
0xbc: {  	[spmem:s0] =	stream.indirect.scatter.add.f32 [tilespmem:s2], [sflag:$0x2], $0x1, s5, s13, $0xb8;
	[tilespmem:$0x11000] =	vst v63  }
0xbd: {  	s2 =	sld [smem:$0x7DB]  }
0xbe: {  	[spmem:s11] =	stream.indirect.scatter.add.f32 [tilespmem:s4], [sflag:$0x2], $0x1, s5, s13, $0xb8;
	[tilespmem:$0x11000] =	vst v63  }
0xbf: {  	s11 =	sld [smem:$0x7D0];
	_ =	sdelay $0x1  }
0xc0: {  	s4 =	sld [smem:$0x7DC]  }
0xc1: {  	[spmem:s2] =	stream.indirect.scatter.add.f32 [tilespmem:s11], [sflag:$0x2], $0x1, s5, s13, $0xb8;
	[tilespmem:$0x11000] =	vst v63  }
0xc2: {  	s11 =	sld [smem:$0x7D1];
	_ =	sdelay $0x1  }
0xc3: {  	s0 =	sld [smem:$0x7DD]  }
0xc4: {  	[spmem:s4] =	stream.indirect.scatter.add.f32 [tilespmem:s11], [sflag:$0x2], $0x1, s5, s13, $0xb8;
	[tilespmem:$0x11000] =	vst v63  }
0xc5: {  	s11 =	sld [smem:$0x7DE]  }
0xc6: {  	[spmem:s0] =	stream.indirect.scatter.add.f32 [tilespmem:s7], [sflag:$0x2], $0x1, s5, s13, $0xb8;
	[tilespmem:$0x11000] =	vst v63  }
0xc7: {  	s2 =	sld [smem:$0x7DF]  }
0xc8: {  	[spmem:s11] =	stream.indirect.scatter.add.f32 [tilespmem:s8], [sflag:$0x2], $0x1, s5, s13, $0xb8;
	[tilespmem:$0x11000] =	vst v63  }
0xc9: {  	s7 =	sld [smem:$0x7E0]  }
0xca: {  	[spmem:s2] =	stream.indirect.scatter.add.f32 [tilespmem:s9], [sflag:$0x2], $0x1, s5, s13, $0xb8;
	[tilespmem:$0x11000] =	vst v63  }
0xcb: {  	s8 =	sld [smem:$0x7E1]  }
0xcc: {  	[spmem:s7] =	stream.indirect.scatter.add.f32 [tilespmem:s10], [sflag:$0x2], $0x1, s5, s13, $0xb8;
	[tilespmem:$0x11000] =	vst v63  }
0xcd: {  	s9 =	sld [smem:$0x7E2]  }
0xce: {  	[spmem:s8] =	stream.indirect.scatter.add.f32 [tilespmem:s12], [sflag:$0x2], $0x1, s5, s13, $0xb8;
	[tilespmem:$0x11000] =	vst v63  }
0xcf: {  	s10 =	sld [smem:$0x7E3]  }
0xd0: {  	[spmem:s9] =	stream.indirect.scatter.add.f32 [tilespmem:s14], [sflag:$0x2], $0x1, s5, s13, $0xb8;
	[tilespmem:$0x11000] =	vst v63  }
0xd1: {  	s11 =	sld [smem:$0x7E4]  }
0xd2: {  	[spmem:s10] =	stream.indirect.scatter.add.f32 [tilespmem:s15], [sflag:$0x2], $0x1, s5, s13, $0xb8;
	[tilespmem:$0x11000] =	vst v63  }
0xd3: {  	s12 =	sld [smem:$0x7E5]  }
0xd4: {  	[spmem:s11] =	stream.indirect.scatter.add.f32 [tilespmem:s16], [sflag:$0x2], $0x1, s5, s13, $0xb8;
	[tilespmem:$0x11000] =	vst v63  }
0xd5: {  	s14 =	sld [smem:$0x7E7]  }
0xd6: {  	[spmem:s12] =	stream.indirect.scatter.add.f32 [tilespmem:s17], [sflag:$0x2], $0x1, s5, s13, $0xb8;
	[tilespmem:$0x11000] =	vst v63  }
0xd7: {  	s15 =	sld [smem:$0x7E8]  }
0xd8: {  	[spmem:s14] =	stream.indirect.scatter.add.f32 [tilespmem:s18], [sflag:$0x2], $0x1, s5, s13, $0xb8;
	[tilespmem:$0x11000] =	vst v63  }
0xd9: {  	s16 =	sld [smem:$0x7E9]  }
0xda: {  	[spmem:s15] =	stream.indirect.scatter.add.f32 [tilespmem:s19], [sflag:$0x2], $0x1, s5, s13, $0xb8;
	[tilespmem:$0x11000] =	vst v63  }
0xdb: {  	s17 =	sld [smem:$0x7EA]  }
0xdc: {  	[spmem:s16] =	stream.indirect.scatter.add.f32 [tilespmem:s20], [sflag:$0x2], $0x1, s5, s13, $0xb8;
	[tilespmem:$0x11000] =	vst v63  }
0xdd: {  	s18 =	sld [smem:$0x7EB]  }
0xde: {  	[spmem:s17] =	stream.indirect.scatter.add.f32 [tilespmem:s21], [sflag:$0x2], $0x1, s5, s13, $0xb8;
	[tilespmem:$0x11000] =	vst v63  }
0xdf: {  	s19 =	sld [smem:$0x7EC]  }
0xe0: {  	[spmem:s18] =	stream.indirect.scatter.add.f32 [tilespmem:s22], [sflag:$0x2], $0x1, s5, s13, $0xb8;
	[tilespmem:$0x11000] =	vst v63  }
0xe1: {  	s20 =	sld [smem:$0x7ED]  }
0xe2: {  	[spmem:s19] =	stream.indirect.scatter.add.f32 [tilespmem:s23], [sflag:$0x2], $0x1, s5, s13, $0xb8;
	[tilespmem:$0x11000] =	vst v63  }
0xe3: {  	s21 =	sld [smem:$0x7EE]  }
0xe4: {  	[spmem:s20] =	stream.indirect.scatter.add.f32 [tilespmem:s24], [sflag:$0x2], $0x1, s5, s13, $0xb8;
	[tilespmem:$0x11000] =	vst v63  }
0xe5: {  	s22 =	sld [smem:$0x7EF]  }
0xe6: {  	[spmem:s21] =	stream.indirect.scatter.add.f32 [tilespmem:s25], [sflag:$0x2], $0x1, s5, s13, $0xb8;
	[tilespmem:$0x11000] =	vst v63  }
0xe7: {  	s23 =	sld [smem:$0x7F1]  }
0xe8: {  	[spmem:s22] =	stream.indirect.scatter.add.f32 [tilespmem:s26], [sflag:$0x2], $0x1, s5, s13, $0xb8;
	[tilespmem:$0x11000] =	vst v63  }
0xe9: {  	s24 =	sld [smem:$0x7F3]  }
0xea: {  	[spmem:s23] =	stream.indirect.scatter.add.f32 [tilespmem:s29], [sflag:$0x2], $0x1, s5, s13, $0xb8;
	[tilespmem:$0x11000] =	vst v63  }
0xeb: {  	s25 =	sld [smem:$0x7F4]  }
0xec: {  	[spmem:s24] =	stream.indirect.scatter.add.f32 [tilespmem:s30], [sflag:$0x2], $0x1, s5, s13, $0xb8;
	[tilespmem:$0x11000] =	vst v63  }
0xed: {  	s26 =	sld [smem:$0x7F6]  }
0xee: {  	[spmem:s25] =	stream.indirect.scatter.add.f32 [tilespmem:s31], [sflag:$0x2], $0x1, s5, s13, $0xb8;
	[tilespmem:$0x11000] =	vst v63  }
0xef: {  	s29 =	sld [smem:$0x7F9]  }
0xf0: {  	[spmem:s26] =	stream.indirect.scatter.add.f32 [tilespmem:s3], [sflag:$0x2], $0x1, s5, s13, $0xb8;
	[tilespmem:$0x11000] =	vst v63  }
0xf1: {  	s0 =	simm.s32 $0x2800;
	s30 =	sld [smem:$0x7FB];
	s31 =	simm.s32 $0x4000  }
0xf2: {  	[spmem:s29] =	stream.indirect.scatter.add.f32 [tilespmem:s6], [sflag:$0x2], $0x1, s5, s13, $0xb8;
	[tilespmem:$0x11000] =	vst v63  }
0xf3: {  	s2 =	simm.s32 $0x1000;
	s22 =	simm.s32 $0x2880;
	[smem:$0x7D2] =	sst s31  }
0xf4: {  	[spmem:s30] =	stream.indirect.scatter.add.f32 [tilespmem:s1], [sflag:$0x2], $0x1, s0, s13, $0xb8;
	[tilespmem:$0x11000] =	vst v63  }
0xf5: {  	s24 =	simm.s32 $0x80;
	s26 =	simm.s32 $0x8000;
	s1 =	sld [smem:$0x7FD]  }
.LBB2_2:
0xf6: {  	s5 =	rddreg [dreg:$0x5]  }
0xf7: {  	s6 =	rddreg [dreg:$0x2]  }
0xf8: {  	s8 =	rddreg [dreg:$0x6]  }
0xf9: {  	s10 =	rddreg [dreg:$0x7]  }
0xfa: {  	s12 =	rddreg [dreg:$0x8]  }
0xfb: {  	s15 =	rddreg [dreg:$0x9]  }
0xfc: {  	s17 =	rddreg [dreg:$0xa]  }
0xfd: {  	s19 =	rddreg [dreg:$0xb]  }
0xfe: {  	s21 =	rddreg [dreg:$0xc]  }
0xff: {  	s23 =	rddreg [dreg:$0xd]  }
0x100: {  	[spmem:s1] =	stream.indirect.scatter.add.f32 [tilespmem:s28], [sflag:$0x2], $0x1, s0, s13, $0xb8;
	[tilespmem:$0x11000] =	vst v63  }
0x101: {  	s3 =	smov.u32 s22;
	s25 =	rddreg [dreg:$0xe];
	s28 =	sand.u32 $0x1000, s2  }
0x102: {  	s31 =	smov.u32 s26;
	[smem:$0x7C7] =	sst s3;
	s2 =	sadd.s32 $0x5000, s28  }
0x103: {  	[tilespmem:s2], [sflag:$0x1] =	stream.indirect.gather [spmem:s6], $0x1, s24, s13, $0xb8;
	[tilespmem:$0x11000] =	vst v63  }
0x104: {  	s4 =	sshrl.u32 s31, $0x2;
	s3 =	rddreg [dreg:$0x10];
	s7 =	sadd.s32 $0x5080, s28  }
0x105: {  	[tilespmem:s7], [sflag:$0x1] =	stream.indirect.gather [spmem:s5], $0x1, s24, s13, $0xb8;
	[tilespmem:$0x11000] =	vst v63  }
0x106: {  	[smem:$0x7C8] =	sst s4;
	s9 =	sadd.s32 $0x5100, s28  }
0x107: {  	[tilespmem:s9], [sflag:$0x1] =	stream.indirect.gather [spmem:s8], $0x1, s24, s13, $0xb8;
	[tilespmem:$0x11000] =	vst v63  }
0x108: {  	s4 =	rddreg [dreg:$0x11];
	s11 =	sadd.s32 $0x5180, s28  }
0x109: {  	[tilespmem:s11], [sflag:$0x1] =	stream.indirect.gather [spmem:s10], $0x1, s24, s13, $0xb8;
	[tilespmem:$0x11000] =	vst v63  }
0x10a: {  	s14 =	sadd.s32 $0x5200, s28;
	[smem:$0x7BF] =	sst s2  }
0x10b: {  	[tilespmem:s14], [sflag:$0x1] =	stream.indirect.gather [spmem:s12], $0x1, s24, s13, $0xb8;
	[tilespmem:$0x11000] =	vst v63  }
0x10c: {  	s16 =	sadd.s32 $0x5280, s28;
	[smem:$0x7C0] =	sst s7  }
0x10d: {  	[tilespmem:s16], [sflag:$0x1] =	stream.indirect.gather [spmem:s15], $0x1, s24, s13, $0xb8;
	[tilespmem:$0x11000] =	vst v63  }
0x10e: {  	s18 =	sadd.s32 $0x5300, s28;
	[smem:$0x7C1] =	sst s9  }
0x10f: {  	[tilespmem:s18], [sflag:$0x1] =	stream.indirect.gather [spmem:s17], $0x1, s24, s13, $0xb8;
	[tilespmem:$0x11000] =	vst v63  }
0x110: {  	s20 =	sadd.s32 $0x5380, s28;
	[smem:$0x7C2] =	sst s11  }
0x111: {  	[tilespmem:s20], [sflag:$0x1] =	stream.indirect.gather [spmem:s19], $0x1, s24, s13, $0xb8;
	[tilespmem:$0x11000] =	vst v63  }
0x112: {  	s30 =	sadd.s32 $0x5400, s28;
	[smem:$0x7C3] =	sst s14  }
0x113: {  	[tilespmem:s30], [sflag:$0x1] =	stream.indirect.gather [spmem:s21], $0x1, s24, s13, $0xb8;
	[tilespmem:$0x11000] =	vst v63  }
0x114: {  	s29 =	sadd.s32 $0x5480, s28;
	[smem:$0x7C4] =	sst s16  }
0x115: {  	[tilespmem:s29], [sflag:$0x1] =	stream.indirect.gather [spmem:s23], $0x1, s24, s13, $0xb8;
	[tilespmem:$0x11000] =	vst v63  }
0x116: {  	[smem:$0x7C5] =	sst s18;
	s17 =	sadd.s32 $0x5500, s28  }
0x117: {  	[tilespmem:s17], [sflag:$0x1] =	stream.indirect.gather [spmem:s25], $0x1, s24, s13, $0xb8;
	[tilespmem:$0x11000] =	vst v63  }
0x118: {  	s2 =	rddreg [dreg:$0xf];
	s16 =	sadd.s32 $0x5580, s28  }
0x119: {  	[tilespmem:s16], [sflag:$0x1] =	stream.indirect.gather [spmem:s2], $0x1, s24, s13, $0xb8;
	[tilespmem:$0x11000] =	vst v63  }
0x11a: {  	[smem:$0x7C6] =	sst s20;
	s11 =	sadd.s32 $0x5600, s28  }
0x11b: {  	[tilespmem:s11], [sflag:$0x1] =	stream.indirect.gather [spmem:s3], $0x1, s24, s13, $0xb8;
	[tilespmem:$0x11000] =	vst v63  }
0x11c: {  	s6 =	rddreg [dreg:$0x13];
	s10 =	sadd.s32 $0x5680, s28  }
0x11d: {  	[tilespmem:s10], [sflag:$0x1] =	stream.indirect.gather [spmem:s4], $0x1, s24, s13, $0xb8;
	[tilespmem:$0x11000] =	vst v63  }
0x11e: {  	s5 =	rddreg [dreg:$0x12];
	s15 =	sadd.s32 $0x5700, s28  }
0x11f: {  	[tilespmem:s15], [sflag:$0x1] =	stream.indirect.gather [spmem:s5], $0x1, s24, s13, $0xb8;
	[tilespmem:$0x11000] =	vst v63  }
0x120: {  	s7 =	rddreg [dreg:$0x14];
	s20 =	sadd.s32 $0x5780, s28  }
0x121: {  	[tilespmem:s20], [sflag:$0x1] =	stream.indirect.gather [spmem:s6], $0x1, s24, s13, $0xb8;
	[tilespmem:$0x11000] =	vst v63  }
0x122: {  	s8 =	rddreg [dreg:$0x15];
	s19 =	sadd.s32 $0x5800, s28  }
0x123: {  	[tilespmem:s19], [sflag:$0x1] =	stream.indirect.gather [spmem:s7], $0x1, s24, s13, $0xb8;
	[tilespmem:$0x11000] =	vst v63  }
0x124: {  	s9 =	rddreg [dreg:$0x16];
	s18 =	sadd.s32 $0x5880, s28  }
0x125: {  	[tilespmem:s18], [sflag:$0x1] =	stream.indirect.gather [spmem:s8], $0x1, s24, s13, $0xb8;
	[tilespmem:$0x11000] =	vst v63  }
0x126: {  	s12 =	sadd.s32 $0x5900, s28;
	s14 =	rddreg [dreg:$0x17]  }
0x127: {  	[tilespmem:s12], [sflag:$0x1] =	stream.indirect.gather [spmem:s9], $0x1, s24, s13, $0xb8;
	[tilespmem:$0x11000] =	vst v63  }
0x128: {  	s21 =	rddreg [dreg:$0x18];
	s9 =	sadd.s32 $0x5980, s28  }
0x129: {  	[tilespmem:s9], [sflag:$0x1] =	stream.indirect.gather [spmem:s14], $0x1, s24, s13, $0xb8;
	[tilespmem:$0x11000] =	vst v63  }
0x12a: {  	s23 =	rddreg [dreg:$0x19];
	s8 =	sadd.s32 $0x5A00, s28  }
0x12b: {  	[tilespmem:s8], [sflag:$0x1] =	stream.indirect.gather [spmem:s21], $0x1, s24, s13, $0xb8;
	[tilespmem:$0x11000] =	vst v63  }
0x12c: {  	s25 =	rddreg [dreg:$0x1a];
	s14 =	sadd.s32 $0x5A80, s28  }
0x12d: {  	[tilespmem:s14], [sflag:$0x1] =	stream.indirect.gather [spmem:s23], $0x1, s24, s13, $0xb8;
	[tilespmem:$0x11000] =	vst v63  }
0x12e: {  	s2 =	rddreg [dreg:$0x1b];
	s21 =	sadd.s32 $0x5B00, s28  }
0x12f: {  	[tilespmem:s21], [sflag:$0x1] =	stream.indirect.gather [spmem:s25], $0x1, s24, s13, $0xb8;
	[tilespmem:$0x11000] =	vst v63  }
0x130: {  	s3 =	rddreg [dreg:$0x1c];
	s23 =	sadd.s32 $0x5B80, s28  }
0x131: {  	[tilespmem:s23], [sflag:$0x1] =	stream.indirect.gather [spmem:s2], $0x1, s24, s13, $0xb8;
	[tilespmem:$0x11000] =	vst v63  }
0x132: {  	s4 =	rddreg [dreg:$0x1d];
	s25 =	sadd.s32 $0x5C00, s28  }
0x133: {  	[tilespmem:s25], [sflag:$0x1] =	stream.indirect.gather [spmem:s3], $0x1, s24, s13, $0xb8;
	[tilespmem:$0x11000] =	vst v63  }
0x134: {  	s5 =	rddreg [dreg:$0x1e];
	s7 =	sadd.s32 $0x5C80, s28  }
0x135: {  	[tilespmem:s7], [sflag:$0x1] =	stream.indirect.gather [spmem:s4], $0x1, s24, s13, $0xb8;
	[tilespmem:$0x11000] =	vst v63  }
0x136: {  	s6 =	sadd.s32 $0x5D00, s28;
	s2 =	rddreg [dreg:$0x1f]  }
0x137: {  	[tilespmem:s6], [sflag:$0x1] =	stream.indirect.gather [spmem:s5], $0x1, s24, s13, $0xb8;
	[tilespmem:$0x11000] =	vst v63  }
0x138: {  	s3 =	sld [smem:$0x7D3];
	s5 =	sadd.s32 $0x5D80, s28  }
0x139: {  	[tilespmem:s5], [sflag:$0x1] =	stream.indirect.gather [spmem:s2], $0x1, s24, s13, $0xb8;
	[tilespmem:$0x11000] =	vst v63  }
0x13a: {  	s4 =	sadd.s32 $0x5E00, s28;
	s2 =	sld [smem:$0x7D4]  }
0x13b: {  	[tilespmem:s4], [sflag:$0x1] =	stream.indirect.gather [spmem:s3], $0x1, s24, s13, $0xb8;
	[tilespmem:$0x11000] =	vst v63  }
0x13c: {  	s1 =	sld [smem:$0x7D5];
	s3 =	sadd.s32 $0x5E80, s28  }
0x13d: {  	[tilespmem:s3], [sflag:$0x1] =	stream.indirect.gather [spmem:s2], $0x1, s24, s13, $0xb8;
	[tilespmem:$0x11000] =	vst v63  }
0x13e: {  	s0 =	sld [smem:$0x7D6];
	s2 =	sadd.s32 $0x5F00, s28  }
0x13f: {  	[tilespmem:s2], [sflag:$0x1] =	stream.indirect.gather [spmem:s1], $0x1, s24, s13, $0xb8;
	[tilespmem:$0x11000] =	vst v63  }
0x140: {  	s28 =	sadd.s32 $0x5F80, s28  }
0x141: {  	[tilespmem:s28], [sflag:$0x1] =	stream.indirect.gather [spmem:s0], $0x1, s24, s13, $0xb8;
	[tilespmem:$0x11000] =	vst v63  }
0x142: {  	s0 =	simm.s32 $0x1  }
0x143: {  	_ =	swait.ge [sflag:s0], $0x1000  }
0x144: {  	s1 =	sld [smem:$0x7D2];
	_ =	sdelay $0x2  }
0x145: {  	[sflag:s0] =	ssyncset.done $0x0;
	p1 =	seq.s32 s1, $0x0;
	s1 =	smov.u32 s31  }
0x146: {  	[sflag:s0] =	ssyncadd.s32 $0xFFFFF000;
	[smem:$0x7D2] =	sst s1;
	s0 =	simm.s32 @!p1 $0x2  }
0x147: {  	_ =	swait.ge @!p1 [sflag:s0], $0x1000  }
0x148: {  	s31 =	sld [smem:$0x7BF]  }
0x149: {  	s1 =	rddreg [dreg:$0x4];
	[sflag:s0] =	ssyncset.done @!p1 $0x0  }
0x14a: {  	[sflag:s0] =	ssyncadd.s32 @!p1 $0xFFFFF000;
	s0 =	sld [smem:$0x7D7]  }
0x14b: {  	[spmem:s1] =	stream.indirect.scatter.add.f32 [tilespmem:s31], [sflag:$0x2], $0x1, s22, s13, $0xb8;
	[tilespmem:$0x11000] =	vst v63  }
0x14c: {  	s31 =	sld [smem:$0x7C0];
	_ =	sdelay $0x1  }
0x14d: {  	s1 =	sld [smem:$0x7D8]  }
0x14e: {  	[spmem:s0] =	stream.indirect.scatter.add.f32 [tilespmem:s31], [sflag:$0x2], $0x1, s22, s13, $0xb8;
	[tilespmem:$0x11000] =	vst v63  }
0x14f: {  	s31 =	sld [smem:$0x7C1];
	_ =	sdelay $0x1  }
0x150: {  	s0 =	sld [smem:$0x7D9]  }
0x151: {  	[spmem:s1] =	stream.indirect.scatter.add.f32 [tilespmem:s31], [sflag:$0x2], $0x1, s22, s13, $0xb8;
	[tilespmem:$0x11000] =	vst v63  }
0x152: {  	s31 =	sld [smem:$0x7C2];
	_ =	sdelay $0x1  }
0x153: {  	s1 =	sld [smem:$0x7DA]  }
0x154: {  	[spmem:s0] =	stream.indirect.scatter.add.f32 [tilespmem:s31], [sflag:$0x2], $0x1, s22, s13, $0xb8;
	[tilespmem:$0x11000] =	vst v63  }
0x155: {  	s31 =	sld [smem:$0x7C3];
	_ =	sdelay $0x1  }
0x156: {  	s0 =	sld [smem:$0x7DB]  }
0x157: {  	[spmem:s1] =	stream.indirect.scatter.add.f32 [tilespmem:s31], [sflag:$0x2], $0x1, s22, s13, $0xb8;
	[tilespmem:$0x11000] =	vst v63  }
0x158: {  	s31 =	sld [smem:$0x7C4];
	_ =	sdelay $0x1  }
0x159: {  	s1 =	sld [smem:$0x7DC]  }
0x15a: {  	[spmem:s0] =	stream.indirect.scatter.add.f32 [tilespmem:s31], [sflag:$0x2], $0x1, s22, s13, $0xb8;
	[tilespmem:$0x11000] =	vst v63  }
0x15b: {  	s31 =	sld [smem:$0x7C5];
	_ =	sdelay $0x1  }
0x15c: {  	s0 =	sld [smem:$0x7DD]  }
0x15d: {  	[spmem:s1] =	stream.indirect.scatter.add.f32 [tilespmem:s31], [sflag:$0x2], $0x1, s22, s13, $0xb8;
	[tilespmem:$0x11000] =	vst v63  }
0x15e: {  	s31 =	sld [smem:$0x7C6];
	_ =	sdelay $0x1  }
0x15f: {  	s1 =	sld [smem:$0x7DE]  }
0x160: {  	[spmem:s0] =	stream.indirect.scatter.add.f32 [tilespmem:s31], [sflag:$0x2], $0x1, s22, s13, $0xb8;
	[tilespmem:$0x11000] =	vst v63  }
0x161: {  	s0 =	sld [smem:$0x7DF]  }
0x162: {  	s31 =	sld [smem:$0x7E0]  }
0x163: {  	[spmem:s1] =	stream.indirect.scatter.add.f32 [tilespmem:s30], [sflag:$0x2], $0x1, s22, s13, $0xb8;
	[tilespmem:$0x11000] =	vst v63  }
0x164: {  	s30 =	sld [smem:$0x7E1]  }
0x165: {  	[spmem:s0] =	stream.indirect.scatter.add.f32 [tilespmem:s29], [sflag:$0x2], $0x1, s22, s13, $0xb8;
	[tilespmem:$0x11000] =	vst v63  }
0x166: {  	s1 =	sld [smem:$0x7FD]  }
0x167: {  	[spmem:s31] =	stream.indirect.scatter.add.f32 [tilespmem:s17], [sflag:$0x2], $0x1, s22, s13, $0xb8;
	[tilespmem:$0x11000] =	vst v63  }
0x168: {  	s31 =	sld [smem:$0x7E2]  }
0x169: {  	[spmem:s30] =	stream.indirect.scatter.add.f32 [tilespmem:s16], [sflag:$0x2], $0x1, s22, s13, $0xb8;
	[tilespmem:$0x11000] =	vst v63  }
0x16a: {  	s17 =	sld [smem:$0x7E3]  }
0x16b: {  	[spmem:s31] =	stream.indirect.scatter.add.f32 [tilespmem:s11], [sflag:$0x2], $0x1, s22, s13, $0xb8;
	[tilespmem:$0x11000] =	vst v63  }
0x16c: {  	s29 =	sld [smem:$0x7E4]  }
0x16d: {  	[spmem:s17] =	stream.indirect.scatter.add.f32 [tilespmem:s10], [sflag:$0x2], $0x1, s22, s13, $0xb8;
	[tilespmem:$0x11000] =	vst v63  }
0x16e: {  	s30 =	sld [smem:$0x7E5]  }
0x16f: {  	[spmem:s29] =	stream.indirect.scatter.add.f32 [tilespmem:s15], [sflag:$0x2], $0x1, s22, s13, $0xb8;
	[tilespmem:$0x11000] =	vst v63  }
0x170: {  	s31 =	sld [smem:$0x7E7]  }
0x171: {  	[spmem:s30] =	stream.indirect.scatter.add.f32 [tilespmem:s20], [sflag:$0x2], $0x1, s22, s13, $0xb8;
	[tilespmem:$0x11000] =	vst v63  }
0x172: {  	s10 =	sld [smem:$0x7E8]  }
0x173: {  	[spmem:s31] =	stream.indirect.scatter.add.f32 [tilespmem:s19], [sflag:$0x2], $0x1, s22, s13, $0xb8;
	[tilespmem:$0x11000] =	vst v63  }
0x174: {  	s11 =	sld [smem:$0x7E9]  }
0x175: {  	[spmem:s10] =	stream.indirect.scatter.add.f32 [tilespmem:s18], [sflag:$0x2], $0x1, s22, s13, $0xb8;
	[tilespmem:$0x11000] =	vst v63  }
0x176: {  	s15 =	sld [smem:$0x7EA]  }
0x177: {  	[spmem:s11] =	stream.indirect.scatter.add.f32 [tilespmem:s12], [sflag:$0x2], $0x1, s22, s13, $0xb8;
	[tilespmem:$0x11000] =	vst v63  }
0x178: {  	s16 =	sld [smem:$0x7EB]  }
0x179: {  	[spmem:s15] =	stream.indirect.scatter.add.f32 [tilespmem:s9], [sflag:$0x2], $0x1, s22, s13, $0xb8;
	[tilespmem:$0x11000] =	vst v63  }
0x17a: {  	s17 =	sld [smem:$0x7EC]  }
0x17b: {  	[spmem:s16] =	stream.indirect.scatter.add.f32 [tilespmem:s8], [sflag:$0x2], $0x1, s22, s13, $0xb8;
	[tilespmem:$0x11000] =	vst v63  }
0x17c: {  	s18 =	sld [smem:$0x7ED]  }
0x17d: {  	[spmem:s17] =	stream.indirect.scatter.add.f32 [tilespmem:s14], [sflag:$0x2], $0x1, s22, s13, $0xb8;
	[tilespmem:$0x11000] =	vst v63  }
0x17e: {  	s19 =	sld [smem:$0x7EE]  }
0x17f: {  	[spmem:s18] =	stream.indirect.scatter.add.f32 [tilespmem:s21], [sflag:$0x2], $0x1, s22, s13, $0xb8;
	[tilespmem:$0x11000] =	vst v63  }
0x180: {  	s20 =	sld [smem:$0x7EF]  }
0x181: {  	[spmem:s19] =	stream.indirect.scatter.add.f32 [tilespmem:s23], [sflag:$0x2], $0x1, s22, s13, $0xb8;
	[tilespmem:$0x11000] =	vst v63  }
0x182: {  	s21 =	sld [smem:$0x7F1]  }
0x183: {  	[spmem:s20] =	stream.indirect.scatter.add.f32 [tilespmem:s25], [sflag:$0x2], $0x1, s22, s13, $0xb8;
	[tilespmem:$0x11000] =	vst v63  }
0x184: {  	s23 =	sld [smem:$0x7F3]  }
0x185: {  	[spmem:s21] =	stream.indirect.scatter.add.f32 [tilespmem:s7], [sflag:$0x2], $0x1, s22, s13, $0xb8;
	[tilespmem:$0x11000] =	vst v63  }
0x186: {  	s25 =	sld [smem:$0x7F4]  }
0x187: {  	[spmem:s23] =	stream.indirect.scatter.add.f32 [tilespmem:s6], [sflag:$0x2], $0x1, s22, s13, $0xb8;
	[tilespmem:$0x11000] =	vst v63  }
0x188: {  	s26 =	sadd.s32 $0x4000, s26;
	s29 =	sld [smem:$0x7F6]  }
0x189: {  	[spmem:s25] =	stream.indirect.scatter.add.f32 [tilespmem:s5], [sflag:$0x2], $0x1, s22, s13, $0xb8;
	[tilespmem:$0x11000] =	vst v63  }
0x18a: {  	p0 =	sne.s32 s26, $0x13C000;
	s30 =	sld [smem:$0x7F9]  }
0x18b: {  	[spmem:s29] =	stream.indirect.scatter.add.f32 [tilespmem:s4], [sflag:$0x2], $0x1, s22, s13, $0xb8;
	[tilespmem:$0x11000] =	vst v63  }
.Ltmp0:
0x18c: {  	s31 =	sld [smem:$0x7FB];
	(pc) =	sbr.rel @p0 .LBB2_2-.Ltmp0, $4  }
0x18d: {  	[spmem:s30] =	stream.indirect.scatter.add.f32 [tilespmem:s3], [sflag:$0x2], $0x1, s22, s13, $0xb8;
	[tilespmem:$0x11000] =	vst v63  }
0x18e: {  	s0 =	sld [smem:$0x7C7]  }
0x18f: {  	[spmem:s31] =	stream.indirect.scatter.add.f32 [tilespmem:s2], [sflag:$0x2], $0x1, s22, s13, $0xb8;
	[tilespmem:$0x11000] =	vst v63  }
0x190: {  	s24 =	sadd.s32 $0x80, s24;
	s2 =	sld [smem:$0x7C8];
	s22 =	sadd.s32 $0x80, s22  }
0x191: {  	[spmem:s1] =	stream.indirect.scatter.add.f32 [tilespmem:s28], [sflag:$0x2], $0x1, s0, s13, $0xb8;
	[tilespmem:$0x11000] =	vst v63  }
0x192: {  	s25 =	rddreg [dreg:$0x5]  }
0x193: {  	s26 =	rddreg [dreg:$0x2]  }
0x194: {  	s29 =	rddreg [dreg:$0x6]  }
0x195: {  	s31 =	rddreg [dreg:$0x7]  }
0x196: {  	s3 =	rddreg [dreg:$0x8]  }
0x197: {  	s5 =	rddreg [dreg:$0x9]  }
0x198: {  	s7 =	rddreg [dreg:$0xa]  }
0x199: {  	s9 =	rddreg [dreg:$0xb];
	s11 =	sand.u32 $0x1000, s2  }
0x19a: {  	s10 =	rddreg [dreg:$0xc];
	s2 =	sadd.s32 $0x5000, s11  }
0x19b: {  	[tilespmem:s2], [sflag:$0x1] =	stream.indirect.gather [spmem:s26], $0x1, s24, s13, $0xb8;
	[tilespmem:$0x11000] =	vst v63  }
0x19c: {  	s12 =	rddreg [dreg:$0xd];
	s28 =	sadd.s32 $0x5080, s11  }
0x19d: {  	[tilespmem:s28], [sflag:$0x1] =	stream.indirect.gather [spmem:s25], $0x1, s24, s13, $0xb8;
	[tilespmem:$0x11000] =	vst v63  }
0x19e: {  	s14 =	rddreg [dreg:$0xe];
	s30 =	sadd.s32 $0x5100, s11  }
0x19f: {  	[tilespmem:s30], [sflag:$0x1] =	stream.indirect.gather [spmem:s29], $0x1, s24, s13, $0xb8;
	[tilespmem:$0x11000] =	vst v63  }
0x1a0: {  	s15 =	rddreg [dreg:$0xf];
	s1 =	sadd.s32 $0x5180, s11  }
0x1a1: {  	[tilespmem:s1], [sflag:$0x1] =	stream.indirect.gather [spmem:s31], $0x1, s24, s13, $0xb8;
	[tilespmem:$0x11000] =	vst v63  }
0x1a2: {  	s16 =	rddreg [dreg:$0x10];
	s4 =	sadd.s32 $0x5200, s11  }
0x1a3: {  	[tilespmem:s4], [sflag:$0x1] =	stream.indirect.gather [spmem:s3], $0x1, s24, s13, $0xb8;
	[tilespmem:$0x11000] =	vst v63  }
0x1a4: {  	s17 =	rddreg [dreg:$0x11];
	s6 =	sadd.s32 $0x5280, s11  }
0x1a5: {  	[tilespmem:s6], [sflag:$0x1] =	stream.indirect.gather [spmem:s5], $0x1, s24, s13, $0xb8;
	[tilespmem:$0x11000] =	vst v63  }
0x1a6: {  	s18 =	rddreg [dreg:$0x12];
	s8 =	sadd.s32 $0x5300, s11  }
0x1a7: {  	[tilespmem:s8], [sflag:$0x1] =	stream.indirect.gather [spmem:s7], $0x1, s24, s13, $0xb8;
	[tilespmem:$0x11000] =	vst v63  }
0x1a8: {  	s19 =	rddreg [dreg:$0x13];
	s7 =	sadd.s32 $0x5380, s11  }
0x1a9: {  	[tilespmem:s7], [sflag:$0x1] =	stream.indirect.gather [spmem:s9], $0x1, s24, s13, $0xb8;
	[tilespmem:$0x11000] =	vst v63  }
0x1aa: {  	[smem:$0x7BE] =	sst s8;
	s8 =	sadd.s32 $0x5400, s11  }
0x1ab: {  	[tilespmem:s8], [sflag:$0x1] =	stream.indirect.gather [spmem:s10], $0x1, s24, s13, $0xb8;
	[tilespmem:$0x11000] =	vst v63  }
0x1ac: {  	s20 =	rddreg [dreg:$0x14];
	s9 =	sadd.s32 $0x5480, s11  }
0x1ad: {  	[tilespmem:s9], [sflag:$0x1] =	stream.indirect.gather [spmem:s12], $0x1, s24, s13, $0xb8;
	[tilespmem:$0x11000] =	vst v63  }
0x1ae: {  	s21 =	rddreg [dreg:$0x15];
	s10 =	sadd.s32 $0x5500, s11  }
0x1af: {  	[tilespmem:s10], [sflag:$0x1] =	stream.indirect.gather [spmem:s14], $0x1, s24, s13, $0xb8;
	[tilespmem:$0x11000] =	vst v63  }
0x1b0: {  	s23 =	rddreg [dreg:$0x16];
	s12 =	sadd.s32 $0x5580, s11  }
0x1b1: {  	[tilespmem:s12], [sflag:$0x1] =	stream.indirect.gather [spmem:s15], $0x1, s24, s13, $0xb8;
	[tilespmem:$0x11000] =	vst v63  }
0x1b2: {  	[smem:$0x7B8] =	sst s2;
	s14 =	sadd.s32 $0x5600, s11  }
0x1b3: {  	[tilespmem:s14], [sflag:$0x1] =	stream.indirect.gather [spmem:s16], $0x1, s24, s13, $0xb8;
	[tilespmem:$0x11000] =	vst v63  }
0x1b4: {  	[smem:$0x7B9] =	sst s28;
	s15 =	sadd.s32 $0x5680, s11  }
0x1b5: {  	[tilespmem:s15], [sflag:$0x1] =	stream.indirect.gather [spmem:s17], $0x1, s24, s13, $0xb8;
	[tilespmem:$0x11000] =	vst v63  }
0x1b6: {  	[smem:$0x7BA] =	sst s30;
	s16 =	sadd.s32 $0x5700, s11  }
0x1b7: {  	[tilespmem:s16], [sflag:$0x1] =	stream.indirect.gather [spmem:s18], $0x1, s24, s13, $0xb8;
	[tilespmem:$0x11000] =	vst v63  }
0x1b8: {  	[smem:$0x7BB] =	sst s1;
	s17 =	sadd.s32 $0x5780, s11  }
0x1b9: {  	[tilespmem:s17], [sflag:$0x1] =	stream.indirect.gather [spmem:s19], $0x1, s24, s13, $0xb8;
	[tilespmem:$0x11000] =	vst v63  }
0x1ba: {  	[smem:$0x7BC] =	sst s4;
	s18 =	sadd.s32 $0x5800, s11  }
0x1bb: {  	[tilespmem:s18], [sflag:$0x1] =	stream.indirect.gather [spmem:s20], $0x1, s24, s13, $0xb8;
	[tilespmem:$0x11000] =	vst v63  }
0x1bc: {  	[smem:$0x7BD] =	sst s6;
	s19 =	sadd.s32 $0x5880, s11  }
0x1bd: {  	[tilespmem:s19], [sflag:$0x1] =	stream.indirect.gather [spmem:s21], $0x1, s24, s13, $0xb8;
	[tilespmem:$0x11000] =	vst v63  }
0x1be: {  	s26 =	rddreg [dreg:$0x18];
	s20 =	sadd.s32 $0x5900, s11  }
0x1bf: {  	[tilespmem:s20], [sflag:$0x1] =	stream.indirect.gather [spmem:s23], $0x1, s24, s13, $0xb8;
	[tilespmem:$0x11000] =	vst v63  }
0x1c0: {  	s25 =	rddreg [dreg:$0x17];
	s21 =	sadd.s32 $0x5980, s11  }
0x1c1: {  	[tilespmem:s21], [sflag:$0x1] =	stream.indirect.gather [spmem:s25], $0x1, s24, s13, $0xb8;
	[tilespmem:$0x11000] =	vst v63  }
0x1c2: {  	s2 =	rddreg [dreg:$0x1d];
	s23 =	sadd.s32 $0x5A00, s11  }
0x1c3: {  	[tilespmem:s23], [sflag:$0x1] =	stream.indirect.gather [spmem:s26], $0x1, s24, s13, $0xb8;
	[tilespmem:$0x11000] =	vst v63  }
0x1c4: {  	s28 =	rddreg [dreg:$0x19];
	s25 =	sadd.s32 $0x5A80, s11  }
0x1c5: {  	[tilespmem:s25], [sflag:$0x1] =	stream.indirect.gather [spmem:s28], $0x1, s24, s13, $0xb8;
	[tilespmem:$0x11000] =	vst v63  }
0x1c6: {  	s29 =	rddreg [dreg:$0x1a];
	s26 =	sadd.s32 $0x5B00, s11  }
0x1c7: {  	[tilespmem:s26], [sflag:$0x1] =	stream.indirect.gather [spmem:s29], $0x1, s24, s13, $0xb8;
	[tilespmem:$0x11000] =	vst v63  }
0x1c8: {  	s30 =	rddreg [dreg:$0x1b];
	s28 =	sadd.s32 $0x5B80, s11  }
0x1c9: {  	[tilespmem:s28], [sflag:$0x1] =	stream.indirect.gather [spmem:s30], $0x1, s24, s13, $0xb8;
	[tilespmem:$0x11000] =	vst v63  }
0x1ca: {  	s31 =	rddreg [dreg:$0x1c];
	s29 =	sadd.s32 $0x5C00, s11  }
0x1cb: {  	[tilespmem:s29], [sflag:$0x1] =	stream.indirect.gather [spmem:s31], $0x1, s24, s13, $0xb8;
	[tilespmem:$0x11000] =	vst v63  }
0x1cc: {  	s3 =	rddreg [dreg:$0x1e];
	s30 =	sadd.s32 $0x5C80, s11  }
0x1cd: {  	[tilespmem:s30], [sflag:$0x1] =	stream.indirect.gather [spmem:s2], $0x1, s24, s13, $0xb8;
	[tilespmem:$0x11000] =	vst v63  }
0x1ce: {  	s4 =	rddreg [dreg:$0x1f];
	s31 =	sadd.s32 $0x5D00, s11  }
0x1cf: {  	[tilespmem:s31], [sflag:$0x1] =	stream.indirect.gather [spmem:s3], $0x1, s24, s13, $0xb8;
	[tilespmem:$0x11000] =	vst v63  }
0x1d0: {  	s5 =	sadd.s32 $0x5D80, s11;
	s6 =	sld [smem:$0x7D3]  }
0x1d1: {  	[tilespmem:s5], [sflag:$0x1] =	stream.indirect.gather [spmem:s4], $0x1, s24, s13, $0xb8;
	[tilespmem:$0x11000] =	vst v63  }
0x1d2: {  	s2 =	sld [smem:$0x7D4];
	s4 =	sadd.s32 $0x5E00, s11  }
0x1d3: {  	[tilespmem:s4], [sflag:$0x1] =	stream.indirect.gather [spmem:s6], $0x1, s24, s13, $0xb8;
	[tilespmem:$0x11000] =	vst v63  }
0x1d4: {  	s1 =	sld [smem:$0x7D5];
	s3 =	sadd.s32 $0x5E80, s11  }
0x1d5: {  	[tilespmem:s3], [sflag:$0x1] =	stream.indirect.gather [spmem:s2], $0x1, s24, s13, $0xb8;
	[tilespmem:$0x11000] =	vst v63  }
0x1d6: {  	s6 =	sld [smem:$0x7D6];
	s2 =	sadd.s32 $0x5F00, s11  }
0x1d7: {  	[tilespmem:s2], [sflag:$0x1] =	stream.indirect.gather [spmem:s1], $0x1, s24, s13, $0xb8;
	[tilespmem:$0x11000] =	vst v63  }
0x1d8: {  	s11 =	sadd.s32 $0x5F80, s11  }
0x1d9: {  	[tilespmem:s11], [sflag:$0x1] =	stream.indirect.gather [spmem:s6], $0x1, s24, s13, $0xb8;
	[tilespmem:$0x11000] =	vst v63  }
0x1da: {  	s24 =	simm.s32 $0x1  }
0x1db: {  	_ =	swait.ge [sflag:s24], $0x1000  }
0x1dc: {  	s1 =	sld [smem:$0x7D2];
	_ =	sdelay $0x2  }
0x1dd: {  	[sflag:s24] =	ssyncset.done $0x0;
	p0 =	seq.s32 s1, $0x0  }
0x1de: {  	[sflag:s24] =	ssyncadd.s32 $0xFFFFF000;
	s0 =	simm.s32 @!p0 $0x2  }
0x1df: {  	_ =	swait.ge @!p0 [sflag:s0], $0x1000  }
0x1e0: {  	s6 =	sld [smem:$0x7B8]  }
0x1e1: {  	s1 =	rddreg [dreg:$0x4];
	[sflag:s0] =	ssyncset.done @!p0 $0x0  }
0x1e2: {  	[sflag:s0] =	ssyncadd.s32 @!p0 $0xFFFFF000;
	s0 =	sld [smem:$0x7D7]  }
0x1e3: {  	[spmem:s1] =	stream.indirect.scatter.add.f32 [tilespmem:s6], [sflag:$0x2], $0x1, s22, s13, $0xb8;
	[tilespmem:$0x11000] =	vst v63  }
0x1e4: {  	s6 =	sld [smem:$0x7B9];
	_ =	sdelay $0x1  }
0x1e5: {  	s1 =	sld [smem:$0x7D8]  }
0x1e6: {  	[spmem:s0] =	stream.indirect.scatter.add.f32 [tilespmem:s6], [sflag:$0x2], $0x1, s22, s13, $0xb8;
	[tilespmem:$0x11000] =	vst v63  }
0x1e7: {  	s6 =	sld [smem:$0x7BA];
	_ =	sdelay $0x1  }
0x1e8: {  	s0 =	sld [smem:$0x7D9]  }
0x1e9: {  	[spmem:s1] =	stream.indirect.scatter.add.f32 [tilespmem:s6], [sflag:$0x2], $0x1, s22, s13, $0xb8;
	[tilespmem:$0x11000] =	vst v63  }
0x1ea: {  	s6 =	sld [smem:$0x7BB];
	_ =	sdelay $0x1  }
0x1eb: {  	s1 =	sld [smem:$0x7DA]  }
0x1ec: {  	[spmem:s0] =	stream.indirect.scatter.add.f32 [tilespmem:s6], [sflag:$0x2], $0x1, s22, s13, $0xb8;
	[tilespmem:$0x11000] =	vst v63  }
0x1ed: {  	s6 =	sld [smem:$0x7BC];
	_ =	sdelay $0x1  }
0x1ee: {  	s0 =	sld [smem:$0x7DB]  }
0x1ef: {  	[spmem:s1] =	stream.indirect.scatter.add.f32 [tilespmem:s6], [sflag:$0x2], $0x1, s22, s13, $0xb8;
	[tilespmem:$0x11000] =	vst v63  }
0x1f0: {  	s6 =	sld [smem:$0x7BD];
	_ =	sdelay $0x1  }
0x1f1: {  	s1 =	sld [smem:$0x7DC]  }
0x1f2: {  	[spmem:s0] =	stream.indirect.scatter.add.f32 [tilespmem:s6], [sflag:$0x2], $0x1, s22, s13, $0xb8;
	[tilespmem:$0x11000] =	vst v63  }
0x1f3: {  	s6 =	sld [smem:$0x7BE];
	_ =	sdelay $0x1  }
0x1f4: {  	s0 =	sld [smem:$0x7DD]  }
0x1f5: {  	[spmem:s1] =	stream.indirect.scatter.add.f32 [tilespmem:s6], [sflag:$0x2], $0x1, s22, s13, $0xb8;
	[tilespmem:$0x11000] =	vst v63  }
0x1f6: {  	s6 =	sld [smem:$0x7DE]  }
0x1f7: {  	[spmem:s0] =	stream.indirect.scatter.add.f32 [tilespmem:s7], [sflag:$0x2], $0x1, s22, s13, $0xb8;
	[tilespmem:$0x11000] =	vst v63  }
0x1f8: {  	s7 =	sld [smem:$0x7DF]  }
0x1f9: {  	[spmem:s6] =	stream.indirect.scatter.add.f32 [tilespmem:s8], [sflag:$0x2], $0x1, s22, s13, $0xb8;
	[tilespmem:$0x11000] =	vst v63  }
0x1fa: {  	s8 =	sld [smem:$0x7E0]  }
0x1fb: {  	[spmem:s7] =	stream.indirect.scatter.add.f32 [tilespmem:s9], [sflag:$0x2], $0x1, s22, s13, $0xb8;
	[tilespmem:$0x11000] =	vst v63  }
0x1fc: {  	s9 =	sld [smem:$0x7E1]  }
0x1fd: {  	[spmem:s8] =	stream.indirect.scatter.add.f32 [tilespmem:s10], [sflag:$0x2], $0x1, s22, s13, $0xb8;
	[tilespmem:$0x11000] =	vst v63  }
0x1fe: {  	s10 =	sld [smem:$0x7E2]  }
0x1ff: {  	[spmem:s9] =	stream.indirect.scatter.add.f32 [tilespmem:s12], [sflag:$0x2], $0x1, s22, s13, $0xb8;
	[tilespmem:$0x11000] =	vst v63  }
0x200: {  	s12 =	sld [smem:$0x7E3]  }
0x201: {  	[spmem:s10] =	stream.indirect.scatter.add.f32 [tilespmem:s14], [sflag:$0x2], $0x1, s22, s13, $0xb8;
	[tilespmem:$0x11000] =	vst v63  }
0x202: {  	s14 =	sld [smem:$0x7E4]  }
0x203: {  	[spmem:s12] =	stream.indirect.scatter.add.f32 [tilespmem:s15], [sflag:$0x2], $0x1, s22, s13, $0xb8;
	[tilespmem:$0x11000] =	vst v63  }
0x204: {  	s15 =	sld [smem:$0x7E5]  }
0x205: {  	[spmem:s14] =	stream.indirect.scatter.add.f32 [tilespmem:s16], [sflag:$0x2], $0x1, s22, s13, $0xb8;
	[tilespmem:$0x11000] =	vst v63  }
0x206: {  	s16 =	sld [smem:$0x7E7]  }
0x207: {  	[spmem:s15] =	stream.indirect.scatter.add.f32 [tilespmem:s17], [sflag:$0x2], $0x1, s22, s13, $0xb8;
	[tilespmem:$0x11000] =	vst v63  }
0x208: {  	s17 =	sld [smem:$0x7E8]  }
0x209: {  	[spmem:s16] =	stream.indirect.scatter.add.f32 [tilespmem:s18], [sflag:$0x2], $0x1, s22, s13, $0xb8;
	[tilespmem:$0x11000] =	vst v63  }
0x20a: {  	s6 =	sld [smem:$0x7E9]  }
0x20b: {  	[spmem:s17] =	stream.indirect.scatter.add.f32 [tilespmem:s19], [sflag:$0x2], $0x1, s22, s13, $0xb8;
	[tilespmem:$0x11000] =	vst v63  }
0x20c: {  	s7 =	sld [smem:$0x7EA]  }
0x20d: {  	[spmem:s6] =	stream.indirect.scatter.add.f32 [tilespmem:s20], [sflag:$0x2], $0x1, s22, s13, $0xb8;
	[tilespmem:$0x11000] =	vst v63  }
0x20e: {  	s8 =	sld [smem:$0x7EB]  }
0x20f: {  	[spmem:s7] =	stream.indirect.scatter.add.f32 [tilespmem:s21], [sflag:$0x2], $0x1, s22, s13, $0xb8;
	[tilespmem:$0x11000] =	vst v63  }
0x210: {  	s9 =	sld [smem:$0x7EC]  }
0x211: {  	[spmem:s8] =	stream.indirect.scatter.add.f32 [tilespmem:s23], [sflag:$0x2], $0x1, s22, s13, $0xb8;
	[tilespmem:$0x11000] =	vst v63  }
0x212: {  	s10 =	sld [smem:$0x7ED]  }
0x213: {  	[spmem:s9] =	stream.indirect.scatter.add.f32 [tilespmem:s25], [sflag:$0x2], $0x1, s22, s13, $0xb8;
	[tilespmem:$0x11000] =	vst v63  }
0x214: {  	s12 =	sld [smem:$0x7EE]  }
0x215: {  	[spmem:s10] =	stream.indirect.scatter.add.f32 [tilespmem:s26], [sflag:$0x2], $0x1, s22, s13, $0xb8;
	[tilespmem:$0x11000] =	vst v63  }
0x216: {  	s14 =	sld [smem:$0x7EF]  }
0x217: {  	[spmem:s12] =	stream.indirect.scatter.add.f32 [tilespmem:s28], [sflag:$0x2], $0x1, s22, s13, $0xb8;
	[tilespmem:$0x11000] =	vst v63  }
0x218: {  	s15 =	sld [smem:$0x7F1]  }
0x219: {  	[spmem:s14] =	stream.indirect.scatter.add.f32 [tilespmem:s29], [sflag:$0x2], $0x1, s22, s13, $0xb8;
	[tilespmem:$0x11000] =	vst v63  }
0x21a: {  	s16 =	sld [smem:$0x7F3]  }
0x21b: {  	[spmem:s15] =	stream.indirect.scatter.add.f32 [tilespmem:s30], [sflag:$0x2], $0x1, s22, s13, $0xb8;
	[tilespmem:$0x11000] =	vst v63  }
0x21c: {  	s17 =	sld [smem:$0x7F4]  }
0x21d: {  	[spmem:s16] =	stream.indirect.scatter.add.f32 [tilespmem:s31], [sflag:$0x2], $0x1, s22, s13, $0xb8;
	[tilespmem:$0x11000] =	vst v63  }
0x21e: {  	s18 =	sld [smem:$0x7F6]  }
0x21f: {  	[spmem:s17] =	stream.indirect.scatter.add.f32 [tilespmem:s5], [sflag:$0x2], $0x1, s22, s13, $0xb8;
	[tilespmem:$0x11000] =	vst v63  }
0x220: {  	s19 =	sld [smem:$0x7F9]  }
0x221: {  	[spmem:s18] =	stream.indirect.scatter.add.f32 [tilespmem:s4], [sflag:$0x2], $0x1, s22, s13, $0xb8;
	[tilespmem:$0x11000] =	vst v63  }
0x222: {  	s20 =	sld [smem:$0x7FB]  }
0x223: {  	[spmem:s19] =	stream.indirect.scatter.add.f32 [tilespmem:s3], [sflag:$0x2], $0x1, s22, s13, $0xb8;
	[tilespmem:$0x11000] =	vst v63  }
0x224: {  	s21 =	sld [smem:$0x7FD]  }
0x225: {  	[spmem:s20] =	stream.indirect.scatter.add.f32 [tilespmem:s2], [sflag:$0x2], $0x1, s22, s13, $0xb8;
	[tilespmem:$0x11000] =	vst v63  }
0x226: {  	_ = 	snop  }
0x227: {  	[spmem:s21] =	stream.indirect.scatter.add.f32 [tilespmem:s11], [sflag:$0x2], $0x1, s22, s13, $0xb8;
	[tilespmem:$0x11000] =	vst v63  }
0x228: {  	s22 =	simm.s32 $0x2  }
0x229: {  	_ =	swait.ge [sflag:s22], $0x1000  }
0x22a: {  	[sflag:s22] =	ssyncset.done $0x0  }
0x22b: {  	[sflag:s22] =	ssyncadd.s32 $0xFFFFF000  }
0x22c: {  	[bflag:$0x0] =	sbarrier.arrive $0xFFFF  }
0x22d: {  	s23 =	sld [smem:$0x7FA]  }
0x22e: {  	s28 =	sld [smem:$0x7CA]  }
0x22f: {  	s29 =	sld [smem:$0x7CB];
	_ =	sdelay $0x1  }
0x230: {  	s25 =	simm.s32 $0x20;
	s26 =	simm.s32 $0x10;
	s3 =	simm.s32 $0x3  }
0x231: {  	[hbm:s23@s25], [sflag:s28] =	dma.strided [spmem:s29@s26], $0xA00, s24, $0x10   }
0x232: {  	_ =	swait.ge [sflag:s3], $0xA00  }
0x233: {  	s30 =	sld [smem:$0x7C9]  }
0x234: {  	s31 =	sld [smem:$0x7FC];
	_ =	sdelay $0x1  }
0x235: {  	s1 =	sadd.s32 $0x1, s30  }
0x236: {  	p0 =	sne.s32 s1, s31  }
.Ltmp1:
0x237: {  	_ = 	snop;
	(pc) =	sbr.rel @p0 .LBB2_1-.Ltmp1, $3  }
0x238: {  	_ =	sdelay $0x1  }
0x239: {  	[sflag:s3] =	ssyncset.done $0x0  }
0x23a: {  	[sflag:s3] =	ssyncadd.s32 $0xFFFFF600  }
0x23b: {  	_ =	sfence.sel $0x180000  }
0x23c: {  	[bflag:$0x0] =	sbarrier.arrive $0xFFFF  }
0x23d: {  	_ =	strace $0x9000004D  }
0x23e: {  	s0 =	stileid.u32;
	[bflag:$0x2] =	sbarrier.arrive $0xFFFF  }
0x23f: {  	p0 =	sne.s32 s0, $0x0;
	s0 =	rddreg [dreg:$0x3]  }
0x240: {  	s0 =	sadd.s32 @!p0 $0x100000, s0  }
0x241: {  	[sflag:s0] =	ssyncadd.tile.s32 @!p0 $0x1;
	_ =	shalt  }
.Lfunc_end2:
_tile_overlayer_lowered:
.L_overlay_start_2:
0x242: {  	(tag) =	ssettag $0x2  }
0x243: {  	s0 =	rddreg [dreg:$0x0];
	s2 =	stileid.u32  }
0x244: {  	s1 =	rddreg [dreg:$0x1];
	p0 =	sne.s32 s2, $0x0  }
0x245: {  	s3 =	rddreg [dreg:$0x2];
	[bflag:$0x3] =	sbarrier.arrive $0xFFFF;
	s2 =	simm.s32 @!p0 $0x1C03  }
0x246: {  	[timem:s3], [sflag:s2] =	dma.local @!p0 [hbm:s0], s1  }
0x247: {  	s0 =	simm.s32 @!p0 $0x3  }
0x248: {  	_ =	swait.ge @!p0 [sflag:s0], s1  }
0x249: {  	s1 =	ssub.s32 @!p0 $0x0, s1;
	[sflag:s0] =	ssyncset.done @!p0 $0x0  }
0x24a: {  	[sflag:s0] =	ssyncadd.s32 @!p0 s1  }
0x24b: {  	[bflag:$0x3] =	sbarrier.arrive $0xFFFF  }
0x24c: {  	_ =	shalt  }

// kernel: kernel.8.cloned.1.call-start
scs
__scs_entry_jumppad:
0x0: {  	(pc) =	sbr.rel $0x88, $3  }
0x1: {  	(tag) =	ssettag $0x0;
	lr =	simm.s32 $0x1  }
0x2: {  	[smem:$0x3F93] =	sst lr;
	_ =	strace $0xD0000000  }
0x3: {  	_ = 	snop  }
0x4: {  	_ = 	snop  }
0x5: {  	_ = 	snop  }
0x6: {  	_ = 	snop  }
0x7: {  	_ = 	snop  }
__scs_overlays_trampoline_lowered:
0x8: {  	[smem:$0x3FA2] =	sst s0  }
0x9: {  	[smem:$0x3FA3] =	sst s1  }
0xa: {  	[smem:$0x3FA4] =	sst s2  }
0xb: {  	[smem:$0x3FA5] =	sst s3  }
0xc: {  	[smem:$0x3FA6] =	sst s4  }
0xd: {  	[smem:$0x3FA7] =	sst s5  }
0xe: {  	[smem:$0x3FA8] =	sst s6  }
0xf: {  	[smem:$0x3FA9] =	sst s7  }
0x10: {  	[smem:$0x3FAA] =	sst s8  }
0x11: {  	[smem:$0x3FAB] =	sst s9;
	s0 =	simm.s32 @!p0 $0x0  }
0x12: {  	s1 =	sld [smem:$0x3F91];
	s0 =	simm.s32 @p0 $0x1  }
0x13: {  	[smem:$0x3FAC] =	sst s0;
	s0 =	simm.s32 @!p1 $0x0  }
0x14: {  	s2 =	sld [smem:$0x3F90];
	s0 =	simm.s32 @p1 $0x1  }
0x15: {  	[smem:$0x3FAD] =	sst s0;
	s0 =	simm.s32 @!p2 $0x0  }
0x16: {  	s3 =	sld [smem:$0x3FDB];
	s0 =	simm.s32 @p2 $0x1  }
0x17: {  	s4 =	simm.s32 $0x1BF5;
	[smem:$0x3FAF] =	sst s0  }
0x18: {  	s0 =	sld [smem:$0x3F92];
	_ =	swait.ge [sflag:s4], $0x0  }
0x19: {  	s7 =	sld [smem:$0x3F93]  }
0x1a: {  	s8 =	sadd.s32 $0xFFFFE003, lr  }
0x1b: {  	s9 =	sadd.s32 $0xFFFFFEF7, lr;
	s5 =	simm.s32 $0xFFFFFFFF;
	p2 =	slt.u32 s8, $0xFFFFF086  }
0x1c: {  	p1 =	slt.u32 s9, $0xF7A;
	s5 =	simm.s32 @!p2 $0x0  }
0x1d: {  	s5 =	simm.s32 @p1 $0x1;
	p0 =	seq.s32 s7, s2  }
0x1e: {  	s7 =	smul.u32 @!p0 $0xF7A, s2;
	p2 =	seq.s32 @!p0 s5, $0x0  }
0x1f: {  	s9 =	smul.u32 $0xF7A, s1;
	s8 =	simm.s32 @!p0 $0x1BF5;
	p2 =	por !p2, p0  }
0x20: {  	[sflag:s8] =	ssyncset.s32 @!p0 $0xFFFFF086;
	s6 =	sadd.s32 @!p0 s3, s7;
	s7 =	simm.s32 @!p0 $0x108  }
0x21: {  	s3 =	sadd.s32 s3, s9;
	s6 =	sadd.s32 @!p0 $0x88, s6;
	s7 =	simm.s32 @p2 $0x1082  }
0x22: {  	[simem:s7], [sflag:s8] =	dma.local @!p0 [hbm:s6], $0xF7A  }
0x23: {  	s9 =	sor.u32 $0xD0000000, s2;
	s6 =	simm.s32 $0x108;
	_ =	swait.ge @!p0 [sflag:s8], $0x0  }
0x24: {  	s3 =	sadd.s32 $0x88, s3;
	s6 =	simm.s32 @!p1 $0x1082;
	[sflag:s4] =	ssyncset.s32 $0xFFFFF086  }
0x25: {  	[simem:s6], [sflag:s4] =	dma.local [hbm:s3], $0xF7A  }
0x26: {  	[smem:$0x3F93] =	sst s1;
	(tag) =	ssettag s2;
	_ =	strace s9  }
0x27: {  	s1 =	sld [smem:$0x3FA3]  }
0x28: {  	s2 =	sld [smem:$0x3FA4]  }
0x29: {  	s4 =	sld [smem:$0x3FA6]  }
0x2a: {  	p0 =	seq.s32 s5, $0x0;
	s5 =	sld [smem:$0x3FA7]  }
0x2b: {  	s6 =	sld [smem:$0x3FA8]  }
0x2c: {  	s7 =	sld [smem:$0x3FA9]  }
0x2d: {  	s3 =	simm.s32 $0x108;
	s8 =	sld [smem:$0x3FAA]  }
0x2e: {  	s3 =	simm.s32 @!p0 $0x1082;
	s9 =	sld [smem:$0x3FAB]  }
0x2f: {  	lr =	sadd.s32 s0, s3;
	s0 =	sld [smem:$0x3FA2]  }
0x30: {  	s3 =	sld [smem:$0x3FA5]  }
0x31: {  	[smem:$0x3FAE] =	sst s10  }
0x32: {  	s10 =	sld [smem:$0x3FAC];
	_ =	sdelay $0x3  }
0x33: {  	p0 =	seq.s32 s10, $0x1;
	s10 =	sld [smem:$0x3FAE];
	_ =	sdelay $0x3  }
0x34: {  	[smem:$0x3FAE] =	sst s10  }
0x35: {  	s10 =	sld [smem:$0x3FAD];
	_ =	sdelay $0x3  }
0x36: {  	p1 =	seq.s32 s10, $0x1;
	s10 =	sld [smem:$0x3FAE];
	_ =	sdelay $0x3  }
0x37: {  	[smem:$0x3FAE] =	sst s10  }
0x38: {  	s10 =	sld [smem:$0x3FAF]  }
0x39: {  	_ = 	snop;
	(pc) =	sbr.ind lr, $3  }
0x3a: {  	_ = 	snop  }
0x3b: {  	_ = 	snop  }
0x3c: {  	p2 =	seq.s32 s10, $0x1;
	s10 =	sld [smem:$0x3FAE]  }
0x3d: {  	_ =	shalt  }
0x3e: {  	_ =	shalt  }
0x3f: {  	_ =	shalt  }
0x40: {  	_ =	shalt  }
0x41: {  	_ =	shalt  }
0x42: {  	_ =	shalt  }
0x43: {  	_ =	shalt  }
0x44: {  	_ =	shalt  }
0x45: {  	_ =	shalt  }
0x46: {  	_ =	shalt  }
0x47: {  	_ =	shalt  }
0x48: {  	_ =	shalt  }
0x49: {  	_ =	shalt  }
0x4a: {  	_ =	shalt  }
0x4b: {  	_ =	shalt  }
0x4c: {  	_ =	shalt  }
0x4d: {  	_ =	shalt  }
0x4e: {  	_ =	shalt  }
0x4f: {  	_ =	shalt  }
0x50: {  	_ =	shalt  }
0x51: {  	_ =	shalt  }
0x52: {  	_ =	shalt  }
0x53: {  	_ =	shalt  }
0x54: {  	_ =	shalt  }
0x55: {  	_ =	shalt  }
0x56: {  	_ =	shalt  }
0x57: {  	_ =	shalt  }
0x58: {  	_ =	shalt  }
0x59: {  	_ =	shalt  }
0x5a: {  	_ =	shalt  }
0x5b: {  	_ =	shalt  }
0x5c: {  	_ =	shalt  }
0x5d: {  	_ =	shalt  }
0x5e: {  	_ =	shalt  }
0x5f: {  	_ =	shalt  }
0x60: {  	_ =	shalt  }
0x61: {  	_ =	shalt  }
0x62: {  	_ =	shalt  }
0x63: {  	_ =	shalt  }
0x64: {  	_ =	shalt  }
0x65: {  	_ =	shalt  }
0x66: {  	_ =	shalt  }
0x67: {  	_ =	shalt  }
0x68: {  	_ =	shalt  }
0x69: {  	_ =	shalt  }
0x6a: {  	_ =	shalt  }
0x6b: {  	_ =	shalt  }
0x6c: {  	_ =	shalt  }
0x6d: {  	_ =	shalt  }
0x6e: {  	_ =	shalt  }
0x6f: {  	_ =	shalt  }
0x70: {  	_ =	shalt  }
0x71: {  	_ =	shalt  }
0x72: {  	_ =	shalt  }
0x73: {  	_ =	shalt  }
0x74: {  	_ =	shalt  }
0x75: {  	_ =	shalt  }
0x76: {  	_ =	shalt  }
0x77: {  	_ =	shalt  }
0x78: {  	_ =	shalt  }
0x79: {  	_ =	shalt  }
0x7a: {  	_ =	shalt  }
0x7b: {  	_ =	shalt  }
0x7c: {  	_ =	shalt  }
0x7d: {  	_ =	shalt  }
0x7e: {  	_ =	shalt  }
0x7f: {  	_ =	shalt  }
0x80: {  	_ =	shalt  }
0x81: {  	_ =	shalt  }
0x82: {  	_ =	shalt  }
0x83: {  	_ =	shalt  }
0x84: {  	_ =	shalt  }
0x85: {  	_ =	shalt  }
0x86: {  	_ =	shalt  }
0x87: {  	_ =	shalt  }
.Lfunc_end0:
.L_simem_size_0:
called_computation_lowered:
.L_overlay_start_0:
0x88: {  	s2 =	sld [smem:$0x3FD9]  }
0x89: {  	s3 =	sld [smem:$0x3FFE];
	_ =	sdelay $0x1  }
0x8a: {  	s1 =	srdreg.scid  }
0x8b: {  	s0 =	sand.u32 $0x1, s1  }
0x8c: {  	s16 =	sshll.u32 s0, $0xA;
	s2 =	sadd.s32 s3, s2  }
0x8d: {  	s2 =	sadd.s32 s2, s16  }
0x8e: {  	[smem:$0x3FBA] =	sst s2  }
0x8f: {  	_ = 	snop  }
0x90: {  	(tm) =	ssettm $0x1  }
0x91: {  	s17 =	sld [smem:$0x3FFB];
	_ =	sdelay $0x3  }
0x92: {  	_ =	strace s17  }
0x93: {  	s2 =	sld [smem:$0x3FFC];
	_ =	sdelay $0x3  }
0x94: {  	_ =	strace s2  }
0x95: {  	s2 =	sld [smem:$0x3FFD];
	_ =	sdelay $0x3  }
0x96: {  	_ =	strace s2  }
0x97: {  	_ =	strace $0x8FFFFFFF  }
0x98: {  	s18 =	sld [smem:$0x3FDB];
	_ =	sdelay $0x1  }
0x99: {  	s19 =	simm.s32 $_scs_section_size  }
0x9a: {  	s4 =	simm.s32 $_size__tile_overlayer_lowered;
	s5 =	simm.s32 $_tile_overlayer_lowered  }
0x9b: {  	s22 =	simm.s32 $0x1BFF;
	s21 =	sshll.u32 s5, $0x1;
	s2 =	sadd.s32 s19, s18  }
0x9c: {  	s6 =	simm.s32 $0x0;
	s20 =	sshll.u32 s4, $0x1;
	s4 =	sadd.s32 s21, s2  }
0x9d: {  	[timem:s6], [sflag:s22] =	dma.local [hbm:s4], s20  }
0x9e: {  	_ =	swait.ge [sflag:s22], s20  }
0x9f: {  	s3 =	ssub.s32 $0x0, s20;
	[sflag:s22] =	ssyncset.done $0x0  }
0xa0: {  	[sflag:s22] =	ssyncadd.s32 s3;
	_ =	sdelay $0x1  }
0xa1: {  	s23 =	simm.s32 $0x1B8B  }
0xa2: {  	_ =	swait.ge [sflag:s23], $0x1  }
0xa3: {  	[sflag:s23] =	ssyncset.done $0x0  }
0xa4: {  	s25 =	simm.s32 $0x1B8E;
	s24 =	sld [smem:$0x3FFE];
	[sflag:s23] =	ssyncadd.s32 $0xFFFFFFFF  }
0xa5: {  	s26 =	simm.s32 $execute0_lowered;
	[smem:$0x3FD2] =	sst s25  }
0xa6: {  	s4 =	sshll.u32 s26, $0x1;
	_ =	strace $0x80000046;
	[dreg:$0x1] =	wrdreg $0xFFFFFFFF  }
0xa7: {  	s28 =	simm.s32 $_size_execute0_lowered;
	s2 =	sadd.s32 s2, s4;
	[dreg:$0x0] =	wrdreg $0x0  }
0xa8: {  	s4 =	sshll.u32 s28, $0x1;
	[dreg:$0x2] =	wrdreg s2  }
0xa9: {  	[dreg:$0x3] =	wrdreg s4  }
0xaa: {  	[dreg:$0x4] =	wrdreg $0xC0  }
0xab: {  	_ =	task [dreg:s6], $0x5FFFF  }
0xac: {  	[dreg:$0x1] =	wrdreg $0xFFFFFFFF  }
0xad: {  	[dreg:$0x0] =	wrdreg $0x60  }
0xae: {  	[dreg:$0x2] =	wrdreg s24  }
0xaf: {  	[dreg:$0x3] =	wrdreg $0x28800  }
0xb0: {  	[dreg:$0x4] =	wrdreg $0x9  }
0xb1: {  	_ =	task.clear_ibuf [dreg:s6], $0x5FFFF;
	_ =	strace $0x90000046  }
0xb2: {  	s29 =	simm.s32 $0x9;
	_ =	strace $0x80000048  }
0xb3: {  	_ =	swait.ge [sflag:s29], $0x1  }
0xb4: {  	[sflag:s29] =	ssyncadd.s32 $0xFFFFFFFF  }
0xb5: {  	_ =	strace $0x90000048  }
0xb6: {  	_ =	sfence  }
0xb7: {  	s30 =	sld [smem:$0x0];
	_ =	sdelay $0x2  }
0xb8: {  	s31 =	sshll.u32 s1, $0xD;
	s1 =	sshrl.u32 s1, $0x2  }
0xb9: {  	s3 =	sand.u32 $0x4000, s31;
	s1 =	sadd.s32 s1, s30  }
0xba: {  	s0 =	sor.u32 s3, s0;
	s1 =	sshll.u32 s1, $0x11  }
0xbb: {  	s0 =	sor.u32 s1, s0  }
0xbc: {  	s0 =	sadd.s32 $0x8F2B, s0  }
0xbd: {  	[sflag:s0] =	ssyncadd.remote.s32 $0x1  }
0xbe: {  	_ =	sfence.sel $0xFFFF  }
0xbf: {  	[dreg:$0x0] =	wrdreg $0xFFFFFFFF;
	(pc) =	sbr.abs _section_cstart, $3  }
0xc0: {  	[dreg:$0x1] =	wrdreg $0xFFFFFFFF  }
0xc1: {  	_ =	task.clear_ibuf [dreg:s6], $0x2FFFF;
	_ =	strace $0x9FFFFFFF  }
0xc2: {  	(tm) =	ssettm $0x7FFFFFFF  }
0xc3: {  	_ =	shalt  }
tec
execute0_lowered:
.L_overlay_start_1:
0x0: {  	(tag) =	ssettag $0x1  }
0x1: {  	s1 =	srdreg.scid;
	s5 =	rddreg [dreg:$0x0]  }
0x2: {  	s0 =	stileid.u32;
	s2 =	rddreg [dreg:$0x1]  }
0x3: {  	s3 =	simm.s32 $0x0;
	s11 =	simm.s32 $0x80;
	s12 =	simm.s32 $0x2800  }
0x4: {  	s13 =	simm.s32 $0x20;
	s14 =	simm.s32 $0x10;
	s15 =	simm.s32 $0x0  }
0x5: {  	s4 =	sand.u32 $0x1, s1;
	s26 =	sshll.u32 s0, $0x1;
	s7 =	smul.u32 $0x500, s0  }
0x6: {  	[smem:$0x7FF] =	sst s3;
	s9 =	smul.u32 $0xA00, s0;
	s31 =	sshll.u32 s0, $0x6  }
0x7: {  	s1 =	sor.u32 s4, s26;
	s8 =	sshll.u32 s4, $0x7;
	s28 =	ssub.s32 $0x2, s4  }
0x8: {  	s4 =	sadd.s32 $0xDA00, s5;
	s6 =	smul.u32 $0x500, s1;
	s1 =	rddreg [dreg:$0x2]  }
0x9: {  	_ =	strace $0x80000047;
	s7 =	sor.u32 s8, s7;
	s29 =	sshrl.u32 s28, $0x1  }
0xa: {  	s30 =	sshrl.u32 s9, $0x2;
	s9 =	sor.u32 $0x1C01, s31;
	s7 =	sshrl.u32 s7, $0x3  }
0xb: {  	s8 =	ssub.s32 s28, s29;
	s10 =	sadd.s32 s30, s2;
	s6 =	sadd.s32 s6, s5  }
0xc: {  	s7 =	sadd.s32 s7, s5;
	s10 =	sshrl.u32 s10, $0x3;
	s5 =	sadd.s32 $0x3A00, s6  }
0xd: {  	v0 =	vimm.f32 $1.000000000e+00;
	s6 =	sadd.s32 $0xDC00, s7;
	s7 =	smax.u32 s8, $0x1;
	s8 =	simm.s32 $0x1  }
.LBB2_1:
0xe: {  	[tilespmem:s3], [sflag:$0x1] =	stream.linear.gather [hbm4b:s5+s3], $0x2780, $0x38;
	[tilespmem:$0x2B00] =	vst v63  }
0xf: {  	_ =	swait.ge [sflag:s8], $0x2780  }
0x10: {  	[sflag:s8] =	ssyncset.done $0x0  }
0x11: {  	[sflag:s8] =	ssyncadd.s32 $0xFFFFD880  }
0x12: {  	[tilespmem:$0x2800] =	vst v0  }
0x13: {  	[tilespmem:$0x2810] =	vst v0  }
0x14: {  	[tilespmem:$0x2820] =	vst v0  }
0x15: {  	[tilespmem:$0x2830] =	vst v0  }
0x16: {  	[tilespmem:$0x2840] =	vst v0  }
0x17: {  	[tilespmem:$0x2850] =	vst v0  }
0x18: {  	[tilespmem:$0x2860] =	vst v0  }
0x19: {  	[tilespmem:$0x2870] =	vst v0  }
0x1a: {  	[spmem:s10], [sflag:s9] =	dma.local [hbm:s4], $0x50  }
0x1b: {  	_ =	swait.ge [sflag:s8], $0x50  }
0x1c: {  	[sflag:s8] =	ssyncset.done $0x0  }
0x1d: {  	[sflag:s8] =	ssyncadd.s32 $0xFFFFFFB0  }
0x1e: {  	s16 =	simm.s32 $0x0;
	[bflag:$0x0] =	sbarrier.arrive $0xFFFF  }
0x1f: {  	[spmem:s2] =	stream.indirect.scatter.add.f32 [tilespmem:s12], [sflag:$0x1], $0x1, s16, s11, $0xb8;
	[tilespmem:$0x2B00] =	vst v63  }
0x20: {  	_ =	swait.ge [sflag:s8], $0x80  }
0x21: {  	s16 =	simm.s32 $0x200;
	[sflag:s8] =	ssyncset.done $0x0  }
.LBB2_2:
0x22: {  	s17 =	sshra.s32 s16, $0x2;
	[sflag:s8] =	ssyncadd.s32 $0xFFFFFF80;
	p0 =	sne.s32 s16, $0x9C00  }
0x23: {  	[spmem:s2] =	stream.indirect.scatter.add.f32 [tilespmem:s12], [sflag:$0x1], $0x1, s17, s11, $0xb8;
	[tilespmem:$0x2B00] =	vst v63  }
.Ltmp0:
0x24: {  	_ = 	snop;
	(pc) =	sbr.rel @p0 .LBB2_2-.Ltmp0, $4  }
0x25: {  	_ = 	snop  }
0x26: {  	s16 =	sadd.s32 $0x200, s16  }
0x27: {  	_ =	swait.ge [sflag:s8], $0x80  }
0x28: {  	[sflag:s8] =	ssyncset.done $0x0  }
0x29: {  	s15 =	sadd.s32 $0x1, s15  }
0x2a: {  	[sflag:s8] =	ssyncadd.s32 $0xFFFFFF80;
	p0 =	sne.s32 s15, s7  }
.Ltmp1:
0x2b: {  	[bflag:$0x0] =	sbarrier.arrive $0xFFFF;
	(pc) =	sbr.rel @p0 .LBB2_1-.Ltmp1, $4  }
0x2c: {  	[hbm:s6@s13], [sflag:s9] =	dma.strided [spmem:s10@s14], $0x50, s8, $0x10   }
0x2d: {  	_ =	swait.ge [sflag:s8], $0x50  }
0x2e: {  	[sflag:s8] =	ssyncset.done $0x0  }
0x2f: {  	[sflag:s8] =	ssyncadd.s32 $0xFFFFFFB0  }
0x30: {  	_ =	sfence.sel $0x180000  }
0x31: {  	[bflag:$0x0] =	sbarrier.arrive $0xFFFF  }
0x32: {  	p0 =	sne.s32 s0, $0x0;
	_ =	strace $0x90000047  }
0x33: {  	s0 =	sadd.s32 @!p0 $0x100000, s1;
	[bflag:$0x2] =	sbarrier.arrive $0xFFFF  }
0x34: {  	[sflag:s0] =	ssyncadd.tile.s32 @!p0 $0x1;
	_ =	shalt  }
.Lfunc_end2:
_tile_overlayer_lowered:
.L_overlay_start_2:
0x35: {  	(tag) =	ssettag $0x2  }
0x36: {  	s0 =	rddreg [dreg:$0x0];
	s2 =	stileid.u32  }
0x37: {  	s1 =	rddreg [dreg:$0x1];
	p0 =	sne.s32 s2, $0x0  }
0x38: {  	s3 =	rddreg [dreg:$0x2];
	[bflag:$0x3] =	sbarrier.arrive $0xFFFF;
	s2 =	simm.s32 @!p0 $0x1C01  }
0x39: {  	[timem:s3], [sflag:s2] =	dma.local @!p0 [hbm:s0], s1  }
0x3a: {  	s0 =	simm.s32 @!p0 $0x1  }
0x3b: {  	_ =	swait.ge @!p0 [sflag:s0], s1  }
0x3c: {  	s1 =	ssub.s32 @!p0 $0x0, s1;
	[sflag:s0] =	ssyncset.done @!p0 $0x0  }
0x3d: {  	[sflag:s0] =	ssyncadd.s32 @!p0 s1  }
0x3e: {  	[bflag:$0x3] =	sbarrier.arrive $0xFFFF  }
0x3f: {  	_ =	shalt  }

</sc_bundles>
